<compile_context>
chip_gen: v7x
topology: tpu7x:2x2x1
jax: 0.10.2.dev20260603
libtpu: 0.0.44.dev20260713+nightly
codegen_flags: <defaults>
</compile_context>

<pallas_src>
import functools

import jax
import jax.numpy as jnp
from jax import lax
from jax.experimental import pallas as pl
from jax.experimental.pallas import tpu as pltpu
from jax.experimental.pallas import tpu_sc as plsc

N = 10000
E = 160000
D_IN = 128
D_EDGE = 4
CONV = 32
LSTM = 32
HCONV = CONV // 2
YWH = 5 * HCONV

CHUNK = 128
NUM_CHUNKS = E // CHUNK
NUM_TILES = 16
CPW = 80
NPAIR = CPW // 2
LASTN = NUM_CHUNKS - CPW * (NUM_TILES - 1)
ROWS_MAIN = 624
ROWS_LAST = N - (NUM_TILES - 1) * ROWS_MAIN



def _stage1_body(x_ref, w_ref, ylo_ref, yhi_ref, root_ref):
    prod = jnp.dot(x_ref[...], w_ref[...], preferred_element_type=jnp.float32)
    ylo_ref[...] = prod[:, :YWH]
    yhi_ref[...] = prod[:, YWH:2 * YWH]
    root_ref[...] = prod[:, 2 * YWH:2 * YWH + CONV]


def _stage1(x, w6):
    return pl.pallas_call(
        _stage1_body,
        out_shape=[
            jax.ShapeDtypeStruct((N, YWH), jnp.float32),
            jax.ShapeDtypeStruct((N, YWH), jnp.float32),
            jax.ShapeDtypeStruct((N, CONV), jnp.float32),
        ],
    )(x, w6)



def _edge_body(ylo_hbm, yhi_hbm, src_hbm, dst_hbm, ea_hbm, zeros_hbm,
               out_hbm, acc_sh, y_sp, src_l, dst_l, ea_0, ea_1, ea_2, ea_3,
               rows_0, rows_1, rows_2, rows_3, msg_v,
               sem_0, sem_1, sem_2, sem_3, sme_0, sme_1, sme_2, sme_3):
    cid = lax.axis_index("c")
    sid = lax.axis_index("s")

    row0 = sid * ROWS_MAIN

    @pl.when(sid < NUM_TILES - 1)
    def _():
        pltpu.sync_copy(zeros_hbm.at[pl.ds(row0, ROWS_MAIN), :],
                        acc_sh.at[pl.ds(row0, ROWS_MAIN), :])

    @pl.when(sid == NUM_TILES - 1)
    def _():
        pltpu.sync_copy(zeros_hbm.at[pl.ds(row0, ROWS_LAST), :],
                        acc_sh.at[pl.ds(row0, ROWS_LAST), :])

    @pl.when((cid == 0) & (sid < NUM_TILES - 1))
    def _():
        pltpu.sync_copy(ylo_hbm.at[pl.ds(row0, ROWS_MAIN), :],
                        y_sp.at[pl.ds(row0, ROWS_MAIN), :])

    @pl.when((cid == 0) & (sid == NUM_TILES - 1))
    def _():
        pltpu.sync_copy(ylo_hbm.at[pl.ds(row0, ROWS_LAST), :],
                        y_sp.at[pl.ds(row0, ROWS_LAST), :])

    @pl.when((cid == 1) & (sid < NUM_TILES - 1))
    def _():
        pltpu.sync_copy(yhi_hbm.at[pl.ds(row0, ROWS_MAIN), :],
                        y_sp.at[pl.ds(row0, ROWS_MAIN), :])

    @pl.when((cid == 1) & (sid == NUM_TILES - 1))
    def _():
        pltpu.sync_copy(yhi_hbm.at[pl.ds(row0, ROWS_LAST), :],
                        y_sp.at[pl.ds(row0, ROWS_LAST), :])

    c0 = CPW * sid
    nch = jnp.minimum(CPW, NUM_CHUNKS - c0)

    @pl.when(sid < NUM_TILES - 1)
    def _():
        pltpu.sync_copy(src_hbm.at[pl.ds(c0, CPW), :], src_l)
        pltpu.sync_copy(dst_hbm.at[pl.ds(c0, CPW), :], dst_l)

    @pl.when(sid == NUM_TILES - 1)
    def _():
        pltpu.sync_copy(src_hbm.at[pl.ds(c0, LASTN), :],
                        src_l.at[pl.ds(0, LASTN), :])
        pltpu.sync_copy(dst_hbm.at[pl.ds(c0, LASTN), :],
                        dst_l.at[pl.ds(0, LASTN), :])

    plsc.subcore_barrier()

    def compute_scatter(j, rows_v, ea_v):
        def group_body(gidx, gcarry):
            av = ea_v[pl.ds(16 * gidx, 16)]
            for jj in range(4):
                e = 4 * gidx + jj
                a0 = av[4 * jj + 0]
                a1 = av[4 * jj + 1]
                a2 = av[4 * jj + 2]
                a3 = av[4 * jj + 3]
                acc = rows_v[e, pl.ds(4 * HCONV, HCONV)]
                acc = acc + a0 * rows_v[e, pl.ds(0, HCONV)]
                acc = acc + a1 * rows_v[e, pl.ds(HCONV, HCONV)]
                acc = acc + a2 * rows_v[e, pl.ds(2 * HCONV, HCONV)]
                acc = acc + a3 * rows_v[e, pl.ds(3 * HCONV, HCONV)]
                msg_v[e, :] = acc
            return gcarry

        lax.fori_loop(0, CHUNK // 4, group_body, 0)
        pltpu.sync_copy(msg_v, acc_sh.at[dst_l.at[j]], add=True)

    rows_r = (rows_0, rows_1, rows_2, rows_3)
    ea_r = (ea_0, ea_1, ea_2, ea_3)
    sem_r = (sem_0, sem_1, sem_2, sem_3)
    sme_r = (sme_0, sme_1, sme_2, sme_3)

    def issue(j, b):
        @pl.when(j < nch)
        def _():
            pltpu.async_copy(y_sp.at[src_l.at[j]], rows_r[b], sem_r[b])
            pltpu.async_copy(ea_hbm.at[c0 + j], ea_r[b], sme_r[b])

    for b in range(3):
        issue(b, b)

    def quad_body(p, carry):
        for b in range(4):
            j = 4 * p + b

            @pl.when(j < nch)
            def _():
                pltpu.make_async_copy(y_sp.at[src_l.at[j]], rows_r[b],
                                      sem_r[b]).wait()
                pltpu.make_async_copy(ea_hbm.at[c0], ea_r[b],
                                      sme_r[b]).wait()
                compute_scatter(j, rows_r[b], ea_r[b])

            issue(j + 3, (b + 3) % 4)

        return carry

    lax.fori_loop(0, CPW // 4, quad_body, 0)

    plsc.subcore_barrier()

    @pl.when(sid < NUM_TILES - 1)
    def _():
        pltpu.sync_copy(acc_sh.at[pl.ds(row0, ROWS_MAIN), :],
                        out_hbm.at[cid, pl.ds(row0, ROWS_MAIN), :])

    @pl.when(sid == NUM_TILES - 1)
    def _():
        pltpu.sync_copy(acc_sh.at[pl.ds(row0, ROWS_LAST), :],
                        out_hbm.at[cid, pl.ds(row0, ROWS_LAST), :])


def _stage2(ylo, yhi, src, dst, ea2, zeros):
    mesh = plsc.VectorSubcoreMesh(core_axis_name="c", subcore_axis_name="s")
    edge_kernel = pl.kernel(
        _edge_body,
        out_type=jax.ShapeDtypeStruct((2, N, HCONV), jnp.float32),
        mesh=mesh,
        scratch_types=[
            pltpu.VMEM_SHARED((N, HCONV), jnp.float32),
            pltpu.VMEM_SHARED((N, YWH), jnp.float32),
            pltpu.VMEM((CPW, CHUNK), jnp.int32),
            pltpu.VMEM((CPW, CHUNK), jnp.int32),
            pltpu.VMEM((CHUNK * D_EDGE,), jnp.float32),
            pltpu.VMEM((CHUNK * D_EDGE,), jnp.float32),
            pltpu.VMEM((CHUNK * D_EDGE,), jnp.float32),
            pltpu.VMEM((CHUNK * D_EDGE,), jnp.float32),
            pltpu.VMEM((CHUNK, YWH), jnp.float32),
            pltpu.VMEM((CHUNK, YWH), jnp.float32),
            pltpu.VMEM((CHUNK, YWH), jnp.float32),
            pltpu.VMEM((CHUNK, YWH), jnp.float32),
            pltpu.VMEM((CHUNK, HCONV), jnp.float32),
            pltpu.SemaphoreType.DMA,
            pltpu.SemaphoreType.DMA,
            pltpu.SemaphoreType.DMA,
            pltpu.SemaphoreType.DMA,
            pltpu.SemaphoreType.DMA,
            pltpu.SemaphoreType.DMA,
            pltpu.SemaphoreType.DMA,
            pltpu.SemaphoreType.DMA,
        ],
        compiler_params=pltpu.CompilerParams(use_tc_tiling_on_sc=False),
    )
    return edge_kernel(ylo, yhi, src, dst, ea2, zeros)



def _sigmoid(t):
    return 1.0 / (1.0 + jnp.exp(-t))


def _stage3_body(p_ref, root_ref, init_ref, wih_t_ref, whh_t_ref, bgate_ref,
                 wh_ref, bh_ref, wc_ref, bc_ref, g1_ref, g1b_ref, g2r_ref,
                 g2b_ref, wg_ref, bg_ref, wn_ref, bn_ref, bconv_ref,
                 node_ref, graph_ref):
    aggr = jnp.concatenate([p_ref[0], p_ref[1]], axis=1)
    conv = aggr + root_ref[...] + bconv_ref[...]
    g = jnp.maximum(conv, 0.0)
    h0 = init_ref[...] * wh_ref[...] + bh_ref[...]
    c0 = init_ref[...] * wc_ref[...] + bc_ref[...]
    gates = (jnp.dot(g, wih_t_ref[...], preferred_element_type=jnp.float32)
             + jnp.dot(h0, whh_t_ref[...], preferred_element_type=jnp.float32)
             + bgate_ref[...])
    gi = gates[:, 0 * LSTM:1 * LSTM]
    gf = gates[:, 1 * LSTM:2 * LSTM]
    gg = gates[:, 2 * LSTM:3 * LSTM]
    go = gates[:, 3 * LSTM:4 * LSTM]
    c1 = _sigmoid(gf) * c0 + _sigmoid(gi) * jnp.tanh(gg)
    h1 = _sigmoid(go) * jnp.tanh(c1)

    hidden = jnp.maximum(
        jnp.dot(h1, g1_ref[...], preferred_element_type=jnp.float32)
        + g1b_ref[...], 0.0)
    gv = jnp.sum(hidden * g2r_ref[...], axis=1, keepdims=True) + g2b_ref[...]
    m = jnp.max(gv)
    ex = jnp.exp(gv - m)
    alpha = ex / jnp.sum(ex)
    pooled = jnp.sum(alpha * h1, axis=0, keepdims=True)

    fg = jnp.dot(pooled, wg_ref[...], preferred_element_type=jnp.float32) + bg_ref[...]
    eg = jnp.exp(fg - jnp.max(fg))
    graph_ref[...] = eg / jnp.sum(eg)

    fn = jnp.dot(h1, wn_ref[...], preferred_element_type=jnp.float32) + bn_ref[...]
    en = jnp.exp(fn - jnp.max(fn))
    node_ref[...] = en / jnp.sum(en)


def _stage3(partials, root, initial, wih_t, whh_t, bgate, wh, bh2, wc, bc2,
            g1, g1b2, g2r, g2b2, wg, bg2, wn, bn2, bconv2):
    return pl.pallas_call(
        _stage3_body,
        out_shape=[
            jax.ShapeDtypeStruct((N, 8), jnp.float32),
            jax.ShapeDtypeStruct((1, 16), jnp.float32),
        ],
    )(partials, root, initial, wih_t, whh_t, bgate, wh, bh2, wc, bc2,
      g1, g1b2, g2r, g2b2, wg, bg2, wn, bn2, bconv2)


def kernel(x, edge_index, edge_attr, batch, initial, W_cl, b_cl, W_root,
           b_conv, W_ih, W_hh, b_ih, b_hh, Wh, bh, Wc, bc, G1, g1b, G2, g2b,
           Wg, bg, Wn, bn):
    del batch
    wr = W_cl.reshape(D_EDGE, D_IN, CONV)
    bc2d = b_cl.reshape(D_IN, CONV)
    half0 = jnp.concatenate(
        [wr[0][:, :HCONV], wr[1][:, :HCONV], wr[2][:, :HCONV],
         wr[3][:, :HCONV], bc2d[:, :HCONV]], axis=1)
    half1 = jnp.concatenate(
        [wr[0][:, HCONV:], wr[1][:, HCONV:], wr[2][:, HCONV:],
         wr[3][:, HCONV:], bc2d[:, HCONV:]], axis=1)
    w6 = jnp.concatenate([half0, half1, W_root], axis=1)

    ylo, yhi, root = _stage1(x, w6)

    src = edge_index[0].reshape(NUM_CHUNKS, CHUNK)
    dst = edge_index[1].reshape(NUM_CHUNKS, CHUNK)
    ea2 = edge_attr.reshape(NUM_CHUNKS, CHUNK * D_EDGE)
    zeros = jnp.zeros((N, HCONV), jnp.float32)
    partials = _stage2(ylo, yhi, src, dst, ea2, zeros)

    node, graph = _stage3(
        partials, root, initial,
        W_ih.T, W_hh.T, (b_ih + b_hh).reshape(1, 4 * LSTM),
        Wh, bh.reshape(1, LSTM), Wc, bc.reshape(1, LSTM),
        G1, g1b.reshape(1, 2 * LSTM), G2.reshape(1, 2 * LSTM),
        g2b.reshape(1, 1), Wg, bg.reshape(1, 16), Wn, bn.reshape(1, 8),
        b_conv.reshape(1, CONV))

    return (node.reshape(-1), graph.reshape(-1))

# --- scband reference (transcript-rebuilt; emitter-appended) ---
"""Pipeline reference for scband-recur-graph-agent-10548439679015 (READ-ONLY COPY).

The authoritative reference and input builder live on the scoring server;
editing this copy changes nothing except your own understanding.
"""

import jax, jax.numpy as jnp
import numpy as np

N = 10000
E = 160000
D_IN = 128
D_EDGE = 4
CONV = 32
LSTM = 32
N_NODE_OUT = 8
N_GRAPH_OUT = 16
NUM_GRAPHS = 1

def setup_inputs(seed: int = 0) -> dict:
    key = jax.random.key(seed)
    ks = jax.random.split(key, 30)
    x = jax.random.normal(ks[0], (N, D_IN), dtype=jnp.float32)
    edge_index = jax.random.randint(ks[1], (2, E), 0, N, dtype=jnp.int32)
    edge_attr = jax.random.normal(ks[2], (E, D_EDGE), dtype=jnp.float32)
    batch = jnp.zeros((N,), dtype=jnp.int32)
    initial = jax.random.normal(ks[3], (N, 1), dtype=jnp.float32)
    s = 0.1
    W_cl = jax.random.normal(ks[4], (D_EDGE, D_IN * CONV), dtype=jnp.float32) * s
    b_cl = jax.random.normal(ks[5], (D_IN * CONV,), dtype=jnp.float32) * s
    W_root = jax.random.normal(ks[6], (D_IN, CONV), dtype=jnp.float32) * s
    b_conv = jax.random.normal(ks[7], (CONV,), dtype=jnp.float32) * s
    W_ih = jax.random.normal(ks[8], (4 * LSTM, CONV), dtype=jnp.float32) * s
    W_hh = jax.random.normal(ks[9], (4 * LSTM, LSTM), dtype=jnp.float32) * s
    b_ih = jax.random.normal(ks[10], (4 * LSTM,), dtype=jnp.float32) * s
    b_hh = jax.random.normal(ks[11], (4 * LSTM,), dtype=jnp.float32) * s
    Wh = jax.random.normal(ks[12], (1, LSTM), dtype=jnp.float32) * s
    bh = jax.random.normal(ks[13], (LSTM,), dtype=jnp.float32) * s
    Wc = jax.random.normal(ks[14], (1, LSTM), dtype=jnp.float32) * s
    bc = jax.random.normal(ks[15], (LSTM,), dtype=jnp.float32) * s
    G1 = jax.random.normal(ks[16], (LSTM, 2 * LSTM), dtype=jnp.float32) * s
    g1b = jax.random.normal(ks[17], (2 * LSTM,), dtype=jnp.float32) * s
    G2 = jax.random.normal(ks[18], (2 * LSTM, 1), dtype=jnp.float32) * s
    g2b = jax.random.normal(ks[19], (1,), dtype=jnp.float32) * s
    Wg = jax.random.normal(ks[20], (LSTM, N_GRAPH_OUT), dtype=jnp.float32) * s
    bg = jax.random.normal(ks[21], (N_GRAPH_OUT,), dtype=jnp.float32) * s
    Wn = jax.random.normal(ks[22], (LSTM, N_NODE_OUT), dtype=jnp.float32) * s
    bn = jax.random.normal(ks[23], (N_NODE_OUT,), dtype=jnp.float32) * s
    return {"x": x, "edge_index": edge_index, "edge_attr": edge_attr, "batch": batch,
            "initial": initial, "W_cl": W_cl, "b_cl": b_cl, "W_root": W_root, "b_conv": b_conv,
            "W_ih": W_ih, "W_hh": W_hh, "b_ih": b_ih, "b_hh": b_hh, "Wh": Wh, "bh": bh,
            "Wc": Wc, "bc": bc, "G1": G1, "g1b": g1b, "G2": G2, "g2b": g2b,
            "Wg": Wg, "bg": bg, "Wn": Wn, "bn": bn}

def reference(x, edge_index, edge_attr, batch, initial, W_cl, b_cl, W_root, b_conv,
              W_ih, W_hh, b_ih, b_hh, Wh, bh, Wc, bc, G1, g1b, G2, g2b, Wg, bg, Wn, bn):
    src = edge_index[0]
    dst = edge_index[1]
    x_src = x[src]
    # NNConv: theta_e = (edge_attr @ W_cl + b_cl).reshape(E, D_IN, CONV); msg_e = x_src @ theta_e
    # Reassociated (mathematically identical) to avoid materializing [E, D_IN, CONV]:
    Wr = W_cl.reshape(D_EDGE, D_IN, CONV)
    T = jnp.einsum('ei,kio->eko', x_src, Wr)
    msg = jnp.einsum('ek,eko->eo', edge_attr, T) + x_src @ b_cl.reshape(D_IN, CONV)
    aggr = jax.ops.segment_sum(msg, dst, num_segments=N)
    conv_out = aggr + x @ W_root + b_conv
    g = jax.nn.relu(conv_out)
    # LSTM single step (new_seq=True): h0/c0 from initial via linear layers
    h0 = initial @ Wh + bh
    c0 = initial @ Wc + bc
    gates = g @ W_ih.T + b_ih + h0 @ W_hh.T + b_hh
    gi, gf, gg, go = jnp.split(gates, 4, axis=1)
    c1 = jax.nn.sigmoid(gf) * c0 + jax.nn.sigmoid(gi) * jnp.tanh(gg)
    h1 = jax.nn.sigmoid(go) * jnp.tanh(c1)
    # GlobalAttention pool with segment softmax over batch
    gate = jax.nn.relu(h1 @ G1 + g1b) @ G2 + g2b
    gv = gate[:, 0]
    m = jax.ops.segment_max(gv, batch, num_segments=NUM_GRAPHS)
    e = jnp.exp(gv - m[batch])
    denom = jax.ops.segment_sum(e, batch, num_segments=NUM_GRAPHS)
    alpha = (e / denom[batch])[:, None]
    pooled = jax.ops.segment_sum(alpha * h1, batch, num_segments=NUM_GRAPHS)
    final_graph = pooled @ Wg + bg
    graph_flat = final_graph.reshape(-1)
    final_node = h1 @ Wn + bn
    node_flat = final_node.reshape(-1)
    return (jax.nn.softmax(node_flat), jax.nn.softmax(graph_flat))

if __name__ == "__main__":
    import jax
    _d = setup_inputs()
    print(jax.jit(kernel)(*tuple(_d.values())))

</pallas_src>

<mosaic_0001>
#map = affine_map<(d0, d1) -> (0, 0)>
#map1 = affine_map<(d0, d1) -> (0, 0, 0)>
module attributes {stable_mosaic.version = 14 : i64} {
  func.func @_edge_body(%arg0: i32, %arg1: i32, %arg2: memref<10000x80xf32, #tpu.memory_space<hbm>>, %arg3: memref<10000x80xf32, #tpu.memory_space<hbm>>, %arg4: memref<1250x128xi32, #tpu.memory_space<hbm>>, %arg5: memref<1250x128xi32, #tpu.memory_space<hbm>>, %arg6: memref<1250x512xf32, #tpu.memory_space<hbm>>, %arg7: memref<10000x16xf32, #tpu.memory_space<hbm>>, %arg8: memref<2x10000x16xf32, #tpu.memory_space<hbm>>, %arg9: memref<10000x16xf32, #tpu.memory_space<vmem_shared>>, %arg10: memref<10000x80xf32, #tpu.memory_space<vmem_shared>>, %arg11: memref<80x128xi32, #tpu.memory_space<vmem>>, %arg12: memref<80x128xi32, #tpu.memory_space<vmem>>, %arg13: memref<512xf32, #tpu.memory_space<vmem>>, %arg14: memref<512xf32, #tpu.memory_space<vmem>>, %arg15: memref<512xf32, #tpu.memory_space<vmem>>, %arg16: memref<512xf32, #tpu.memory_space<vmem>>, %arg17: memref<128x80xf32, #tpu.memory_space<vmem>>, %arg18: memref<128x80xf32, #tpu.memory_space<vmem>>, %arg19: memref<128x80xf32, #tpu.memory_space<vmem>>, %arg20: memref<128x80xf32, #tpu.memory_space<vmem>>, %arg21: memref<128x16xf32, #tpu.memory_space<vmem>>, %arg22: memref<!tpu.dma_semaphore, #tpu.memory_space<semaphore_mem>>, %arg23: memref<!tpu.dma_semaphore, #tpu.memory_space<semaphore_mem>>, %arg24: memref<!tpu.dma_semaphore, #tpu.memory_space<semaphore_mem>>, %arg25: memref<!tpu.dma_semaphore, #tpu.memory_space<semaphore_mem>>, %arg26: memref<!tpu.dma_semaphore, #tpu.memory_space<semaphore_mem>>, %arg27: memref<!tpu.dma_semaphore, #tpu.memory_space<semaphore_mem>>, %arg28: memref<!tpu.dma_semaphore, #tpu.memory_space<semaphore_mem>>, %arg29: memref<!tpu.dma_semaphore, #tpu.memory_space<semaphore_mem>>) attributes {dimension_semantics = [#tpu.dimension_semantics<core_parallel>, #tpu.dimension_semantics<subcore_parallel>], iteration_bounds = array<i64: 2, 16>, scalar_prefetch = 0 : i64, scratch_operands = 21 : i64, tpu.core_type = #tpu.core_type<sc_vector_subcore>, window_params = [{transform_indices = #map}, {transform_indices = #map}, {transform_indices = #map}, {transform_indices = #map}, {transform_indices = #map}, {transform_indices = #map}, {transform_indices = #map1}]} {
    %mul3A = arith.constant 624 : i32
    %mul3A_0 = arith.muli %arg1, %mul3A : i32
    %lt3A = arith.constant 15 : i32
    %lt3A_1 = arith.cmpi slt, %arg1, %lt3A : i32
    %convert_element_type3A = arith.extui %lt3A_1 : i1 to i32
    %cond3A = arith.constant 0 : i32
    %cond3A_2 = arith.cmpi ne, %convert_element_type3A, %cond3A : i32
    scf.if %cond3A_2 {
      "tpu.region"() ({
        %run_scoped3A = tpu.sem_alloc : memref<!tpu.dma_semaphore, #tpu.memory_space<semaphore_mem>>
        %dma_start3A = arith.constant 0 : i32
        %dma_start3A_82 = tpu.memref_slice %arg9[%mul3A_0, %dma_start3A] : memref<10000x16xf32, #tpu.memory_space<vmem_shared>> -> memref<624x16xf32, #tpu.memory_space<vmem_shared>>
        %dma_start3A_83 = arith.constant 0 : i32
        %dma_start3A_84 = tpu.memref_slice %arg7[%mul3A_0, %dma_start3A_83] : memref<10000x16xf32, #tpu.memory_space<hbm>> -> memref<624x16xf32, #tpu.memory_space<hbm>>
        tpu.enqueue_dma source(%dma_start3A_84 : memref<624x16xf32, #tpu.memory_space<hbm>>) target(%dma_start3A_82 : memref<624x16xf32, #tpu.memory_space<vmem_shared>>) target_semaphore(%run_scoped3A : memref<!tpu.dma_semaphore, #tpu.memory_space<semaphore_mem>>)
        %dma_wait3A = arith.constant 0 : i32
        %dma_wait3A_85 = tpu.memref_slice %arg9[%mul3A_0, %dma_wait3A] : memref<10000x16xf32, #tpu.memory_space<vmem_shared>> -> memref<624x16xf32, #tpu.memory_space<vmem_shared>>
        %dma_wait3A_86 = arith.constant 0 : i32
        %dma_wait3A_87 = tpu.memref_slice %arg7[%mul3A_0, %dma_wait3A_86] : memref<10000x16xf32, #tpu.memory_space<hbm>> -> memref<624x16xf32, #tpu.memory_space<hbm>>
        tpu.wait_dma2 semaphore(%run_scoped3A : memref<!tpu.dma_semaphore, #tpu.memory_space<semaphore_mem>>) src(%dma_wait3A_87 : memref<624x16xf32, #tpu.memory_space<hbm>>) dst(%dma_wait3A_85 : memref<624x16xf32, #tpu.memory_space<vmem_shared>>)
        tpu.yield
      }) : () -> ()
    } else {
    }
    %eq3A = arith.constant 15 : i32
    %eq3A_3 = arith.cmpi eq, %arg1, %eq3A : i32
    %convert_element_type3A_4 = arith.extui %eq3A_3 : i1 to i32
    %cond3A_5 = arith.constant 0 : i32
    %cond3A_6 = arith.cmpi ne, %convert_element_type3A_4, %cond3A_5 : i32
    scf.if %cond3A_6 {
      "tpu.region"() ({
        %run_scoped3A = tpu.sem_alloc : memref<!tpu.dma_semaphore, #tpu.memory_space<semaphore_mem>>
        %dma_start3A = arith.constant 0 : i32
        %dma_start3A_82 = tpu.memref_slice %arg9[%mul3A_0, %dma_start3A] : memref<10000x16xf32, #tpu.memory_space<vmem_shared>> -> memref<640x16xf32, #tpu.memory_space<vmem_shared>>
        %dma_start3A_83 = arith.constant 0 : i32
        %dma_start3A_84 = tpu.memref_slice %arg7[%mul3A_0, %dma_start3A_83] : memref<10000x16xf32, #tpu.memory_space<hbm>> -> memref<640x16xf32, #tpu.memory_space<hbm>>
        tpu.enqueue_dma source(%dma_start3A_84 : memref<640x16xf32, #tpu.memory_space<hbm>>) target(%dma_start3A_82 : memref<640x16xf32, #tpu.memory_space<vmem_shared>>) target_semaphore(%run_scoped3A : memref<!tpu.dma_semaphore, #tpu.memory_space<semaphore_mem>>)
        %dma_wait3A = arith.constant 0 : i32
        %dma_wait3A_85 = tpu.memref_slice %arg9[%mul3A_0, %dma_wait3A] : memref<10000x16xf32, #tpu.memory_space<vmem_shared>> -> memref<640x16xf32, #tpu.memory_space<vmem_shared>>
        %dma_wait3A_86 = arith.constant 0 : i32
        %dma_wait3A_87 = tpu.memref_slice %arg7[%mul3A_0, %dma_wait3A_86] : memref<10000x16xf32, #tpu.memory_space<hbm>> -> memref<640x16xf32, #tpu.memory_space<hbm>>
        tpu.wait_dma2 semaphore(%run_scoped3A : memref<!tpu.dma_semaphore, #tpu.memory_space<semaphore_mem>>) src(%dma_wait3A_87 : memref<640x16xf32, #tpu.memory_space<hbm>>) dst(%dma_wait3A_85 : memref<640x16xf32, #tpu.memory_space<vmem_shared>>)
        tpu.yield
      }) : () -> ()
    } else {
    }
    %eq3A_7 = arith.constant 0 : i32
    %eq3A_8 = arith.cmpi eq, %arg0, %eq3A_7 : i32
    %lt3A_9 = arith.constant 15 : i32
    %lt3A_10 = arith.cmpi slt, %arg1, %lt3A_9 : i32
    %and3A = arith.andi %eq3A_8, %lt3A_10 : i1
    %convert_element_type3A_11 = arith.extui %and3A : i1 to i32
    %cond3A_12 = arith.constant 0 : i32
    %cond3A_13 = arith.cmpi ne, %convert_element_type3A_11, %cond3A_12 : i32
    scf.if %cond3A_13 {
      "tpu.region"() ({
        %run_scoped3A = tpu.sem_alloc : memref<!tpu.dma_semaphore, #tpu.memory_space<semaphore_mem>>
        %dma_start3A = arith.constant 0 : i32
        %dma_start3A_82 = tpu.memref_slice %arg10[%mul3A_0, %dma_start3A] : memref<10000x80xf32, #tpu.memory_space<vmem_shared>> -> memref<624x80xf32, #tpu.memory_space<vmem_shared>>
        %dma_start3A_83 = arith.constant 0 : i32
        %dma_start3A_84 = tpu.memref_slice %arg2[%mul3A_0, %dma_start3A_83] : memref<10000x80xf32, #tpu.memory_space<hbm>> -> memref<624x80xf32, #tpu.memory_space<hbm>>
        tpu.enqueue_dma source(%dma_start3A_84 : memref<624x80xf32, #tpu.memory_space<hbm>>) target(%dma_start3A_82 : memref<624x80xf32, #tpu.memory_space<vmem_shared>>) target_semaphore(%run_scoped3A : memref<!tpu.dma_semaphore, #tpu.memory_space<semaphore_mem>>)
        %dma_wait3A = arith.constant 0 : i32
        %dma_wait3A_85 = tpu.memref_slice %arg10[%mul3A_0, %dma_wait3A] : memref<10000x80xf32, #tpu.memory_space<vmem_shared>> -> memref<624x80xf32, #tpu.memory_space<vmem_shared>>
        %dma_wait3A_86 = arith.constant 0 : i32
        %dma_wait3A_87 = tpu.memref_slice %arg2[%mul3A_0, %dma_wait3A_86] : memref<10000x80xf32, #tpu.memory_space<hbm>> -> memref<624x80xf32, #tpu.memory_space<hbm>>
        tpu.wait_dma2 semaphore(%run_scoped3A : memref<!tpu.dma_semaphore, #tpu.memory_space<semaphore_mem>>) src(%dma_wait3A_87 : memref<624x80xf32, #tpu.memory_space<hbm>>) dst(%dma_wait3A_85 : memref<624x80xf32, #tpu.memory_space<vmem_shared>>)
        tpu.yield
      }) : () -> ()
    } else {
    }
    %eq3A_14 = arith.constant 0 : i32
    %eq3A_15 = arith.cmpi eq, %arg0, %eq3A_14 : i32
    %eq3A_16 = arith.constant 15 : i32
    %eq3A_17 = arith.cmpi eq, %arg1, %eq3A_16 : i32
    %and3A_18 = arith.andi %eq3A_15, %eq3A_17 : i1
    %convert_element_type3A_19 = arith.extui %and3A_18 : i1 to i32
    %cond3A_20 = arith.constant 0 : i32
    %cond3A_21 = arith.cmpi ne, %convert_element_type3A_19, %cond3A_20 : i32
    scf.if %cond3A_21 {
      "tpu.region"() ({
        %run_scoped3A = tpu.sem_alloc : memref<!tpu.dma_semaphore, #tpu.memory_space<semaphore_mem>>
        %dma_start3A = arith.constant 0 : i32
        %dma_start3A_82 = tpu.memref_slice %arg10[%mul3A_0, %dma_start3A] : memref<10000x80xf32, #tpu.memory_space<vmem_shared>> -> memref<640x80xf32, #tpu.memory_space<vmem_shared>>
        %dma_start3A_83 = arith.constant 0 : i32
        %dma_start3A_84 = tpu.memref_slice %arg2[%mul3A_0, %dma_start3A_83] : memref<10000x80xf32, #tpu.memory_space<hbm>> -> memref<640x80xf32, #tpu.memory_space<hbm>>
        tpu.enqueue_dma source(%dma_start3A_84 : memref<640x80xf32, #tpu.memory_space<hbm>>) target(%dma_start3A_82 : memref<640x80xf32, #tpu.memory_space<vmem_shared>>) target_semaphore(%run_scoped3A : memref<!tpu.dma_semaphore, #tpu.memory_space<semaphore_mem>>)
        %dma_wait3A = arith.constant 0 : i32
        %dma_wait3A_85 = tpu.memref_slice %arg10[%mul3A_0, %dma_wait3A] : memref<10000x80xf32, #tpu.memory_space<vmem_shared>> -> memref<640x80xf32, #tpu.memory_space<vmem_shared>>
        %dma_wait3A_86 = arith.constant 0 : i32
        %dma_wait3A_87 = tpu.memref_slice %arg2[%mul3A_0, %dma_wait3A_86] : memref<10000x80xf32, #tpu.memory_space<hbm>> -> memref<640x80xf32, #tpu.memory_space<hbm>>
        tpu.wait_dma2 semaphore(%run_scoped3A : memref<!tpu.dma_semaphore, #tpu.memory_space<semaphore_mem>>) src(%dma_wait3A_87 : memref<640x80xf32, #tpu.memory_space<hbm>>) dst(%dma_wait3A_85 : memref<640x80xf32, #tpu.memory_space<vmem_shared>>)
        tpu.yield
      }) : () -> ()
    } else {
    }
    %eq3A_22 = arith.constant 1 : i32
    %eq3A_23 = arith.cmpi eq, %arg0, %eq3A_22 : i32
    %lt3A_24 = arith.constant 15 : i32
    %lt3A_25 = arith.cmpi slt, %arg1, %lt3A_24 : i32
    %and3A_26 = arith.andi %eq3A_23, %lt3A_25 : i1
    %convert_element_type3A_27 = arith.extui %and3A_26 : i1 to i32
    %cond3A_28 = arith.constant 0 : i32
    %cond3A_29 = arith.cmpi ne, %convert_element_type3A_27, %cond3A_28 : i32
    scf.if %cond3A_29 {
      "tpu.region"() ({
        %run_scoped3A = tpu.sem_alloc : memref<!tpu.dma_semaphore, #tpu.memory_space<semaphore_mem>>
        %dma_start3A = arith.constant 0 : i32
        %dma_start3A_82 = tpu.memref_slice %arg10[%mul3A_0, %dma_start3A] : memref<10000x80xf32, #tpu.memory_space<vmem_shared>> -> memref<624x80xf32, #tpu.memory_space<vmem_shared>>
        %dma_start3A_83 = arith.constant 0 : i32
        %dma_start3A_84 = tpu.memref_slice %arg3[%mul3A_0, %dma_start3A_83] : memref<10000x80xf32, #tpu.memory_space<hbm>> -> memref<624x80xf32, #tpu.memory_space<hbm>>
        tpu.enqueue_dma source(%dma_start3A_84 : memref<624x80xf32, #tpu.memory_space<hbm>>) target(%dma_start3A_82 : memref<624x80xf32, #tpu.memory_space<vmem_shared>>) target_semaphore(%run_scoped3A : memref<!tpu.dma_semaphore, #tpu.memory_space<semaphore_mem>>)
        %dma_wait3A = arith.constant 0 : i32
        %dma_wait3A_85 = tpu.memref_slice %arg10[%mul3A_0, %dma_wait3A] : memref<10000x80xf32, #tpu.memory_space<vmem_shared>> -> memref<624x80xf32, #tpu.memory_space<vmem_shared>>
        %dma_wait3A_86 = arith.constant 0 : i32
        %dma_wait3A_87 = tpu.memref_slice %arg3[%mul3A_0, %dma_wait3A_86] : memref<10000x80xf32, #tpu.memory_space<hbm>> -> memref<624x80xf32, #tpu.memory_space<hbm>>
        tpu.wait_dma2 semaphore(%run_scoped3A : memref<!tpu.dma_semaphore, #tpu.memory_space<semaphore_mem>>) src(%dma_wait3A_87 : memref<624x80xf32, #tpu.memory_space<hbm>>) dst(%dma_wait3A_85 : memref<624x80xf32, #tpu.memory_space<vmem_shared>>)
        tpu.yield
      }) : () -> ()
    } else {
    }
    %eq3A_30 = arith.constant 1 : i32
    %eq3A_31 = arith.cmpi eq, %arg0, %eq3A_30 : i32
    %eq3A_32 = arith.constant 15 : i32
    %eq3A_33 = arith.cmpi eq, %arg1, %eq3A_32 : i32
    %and3A_34 = arith.andi %eq3A_31, %eq3A_33 : i1
    %convert_element_type3A_35 = arith.extui %and3A_34 : i1 to i32
    %cond3A_36 = arith.constant 0 : i32
    %cond3A_37 = arith.cmpi ne, %convert_element_type3A_35, %cond3A_36 : i32
    scf.if %cond3A_37 {
      "tpu.region"() ({
        %run_scoped3A = tpu.sem_alloc : memref<!tpu.dma_semaphore, #tpu.memory_space<semaphore_mem>>
        %dma_start3A = arith.constant 0 : i32
        %dma_start3A_82 = tpu.memref_slice %arg10[%mul3A_0, %dma_start3A] : memref<10000x80xf32, #tpu.memory_space<vmem_shared>> -> memref<640x80xf32, #tpu.memory_space<vmem_shared>>
        %dma_start3A_83 = arith.constant 0 : i32
        %dma_start3A_84 = tpu.memref_slice %arg3[%mul3A_0, %dma_start3A_83] : memref<10000x80xf32, #tpu.memory_space<hbm>> -> memref<640x80xf32, #tpu.memory_space<hbm>>
        tpu.enqueue_dma source(%dma_start3A_84 : memref<640x80xf32, #tpu.memory_space<hbm>>) target(%dma_start3A_82 : memref<640x80xf32, #tpu.memory_space<vmem_shared>>) target_semaphore(%run_scoped3A : memref<!tpu.dma_semaphore, #tpu.memory_space<semaphore_mem>>)
        %dma_wait3A = arith.constant 0 : i32
        %dma_wait3A_85 = tpu.memref_slice %arg10[%mul3A_0, %dma_wait3A] : memref<10000x80xf32, #tpu.memory_space<vmem_shared>> -> memref<640x80xf32, #tpu.memory_space<vmem_shared>>
        %dma_wait3A_86 = arith.constant 0 : i32
        %dma_wait3A_87 = tpu.memref_slice %arg3[%mul3A_0, %dma_wait3A_86] : memref<10000x80xf32, #tpu.memory_space<hbm>> -> memref<640x80xf32, #tpu.memory_space<hbm>>
        tpu.wait_dma2 semaphore(%run_scoped3A : memref<!tpu.dma_semaphore, #tpu.memory_space<semaphore_mem>>) src(%dma_wait3A_87 : memref<640x80xf32, #tpu.memory_space<hbm>>) dst(%dma_wait3A_85 : memref<640x80xf32, #tpu.memory_space<vmem_shared>>)
        tpu.yield
      }) : () -> ()
    } else {
    }
    %mul3A_38 = arith.constant 80 : i32
    %mul3A_39 = arith.muli %mul3A_38, %arg1 : i32
    %sub3A = arith.constant 1250 : i32
    %sub3A_40 = arith.subi %sub3A, %mul3A_39 : i32
    %min3A = arith.constant 80 : i32
    %min3A_41 = arith.minsi %min3A, %sub3A_40 : i32
    %lt3A_42 = arith.constant 15 : i32
    %lt3A_43 = arith.cmpi slt, %arg1, %lt3A_42 : i32
    %convert_element_type3A_44 = arith.extui %lt3A_43 : i1 to i32
    %cond3A_45 = arith.constant 0 : i32
    %cond3A_46 = arith.cmpi ne, %convert_element_type3A_44, %cond3A_45 : i32
    scf.if %cond3A_46 {
      "tpu.region"() ({
        %run_scoped3A = tpu.sem_alloc : memref<!tpu.dma_semaphore, #tpu.memory_space<semaphore_mem>>
        %dma_start3A = arith.constant 0 : i32
        %dma_start3A_82 = tpu.memref_slice %arg4[%mul3A_39, %dma_start3A] : memref<1250x128xi32, #tpu.memory_space<hbm>> -> memref<80x128xi32, #tpu.memory_space<hbm>>
        %dma_start3A_83 = arith.constant 0 : i32
        %dma_start3A_84 = tpu.memref_slice %arg4[%mul3A_39, %dma_start3A_83] : memref<1250x128xi32, #tpu.memory_space<hbm>> -> memref<80x128xi32, #tpu.memory_space<hbm>>
        tpu.enqueue_dma source(%dma_start3A_84 : memref<80x128xi32, #tpu.memory_space<hbm>>) target(%arg11 : memref<80x128xi32, #tpu.memory_space<vmem>>) target_semaphore(%run_scoped3A : memref<!tpu.dma_semaphore, #tpu.memory_space<semaphore_mem>>)
        %dma_wait3A = arith.constant 0 : i32
        %dma_wait3A_85 = tpu.memref_slice %arg4[%mul3A_39, %dma_wait3A] : memref<1250x128xi32, #tpu.memory_space<hbm>> -> memref<80x128xi32, #tpu.memory_space<hbm>>
        %dma_wait3A_86 = arith.constant 0 : i32
        %dma_wait3A_87 = tpu.memref_slice %arg4[%mul3A_39, %dma_wait3A_86] : memref<1250x128xi32, #tpu.memory_space<hbm>> -> memref<80x128xi32, #tpu.memory_space<hbm>>
        tpu.wait_dma2 semaphore(%run_scoped3A : memref<!tpu.dma_semaphore, #tpu.memory_space<semaphore_mem>>) src(%dma_wait3A_87 : memref<80x128xi32, #tpu.memory_space<hbm>>) dst(%arg11 : memref<80x128xi32, #tpu.memory_space<vmem>>)
        tpu.yield
      }) : () -> ()
      "tpu.region"() ({
        %run_scoped3A = tpu.sem_alloc : memref<!tpu.dma_semaphore, #tpu.memory_space<semaphore_mem>>
        %dma_start3A = arith.constant 0 : i32
        %dma_start3A_82 = tpu.memref_slice %arg5[%mul3A_39, %dma_start3A] : memref<1250x128xi32, #tpu.memory_space<hbm>> -> memref<80x128xi32, #tpu.memory_space<hbm>>
        %dma_start3A_83 = arith.constant 0 : i32
        %dma_start3A_84 = tpu.memref_slice %arg5[%mul3A_39, %dma_start3A_83] : memref<1250x128xi32, #tpu.memory_space<hbm>> -> memref<80x128xi32, #tpu.memory_space<hbm>>
        tpu.enqueue_dma source(%dma_start3A_84 : memref<80x128xi32, #tpu.memory_space<hbm>>) target(%arg12 : memref<80x128xi32, #tpu.memory_space<vmem>>) target_semaphore(%run_scoped3A : memref<!tpu.dma_semaphore, #tpu.memory_space<semaphore_mem>>)
        %dma_wait3A = arith.constant 0 : i32
        %dma_wait3A_85 = tpu.memref_slice %arg5[%mul3A_39, %dma_wait3A] : memref<1250x128xi32, #tpu.memory_space<hbm>> -> memref<80x128xi32, #tpu.memory_space<hbm>>
        %dma_wait3A_86 = arith.constant 0 : i32
        %dma_wait3A_87 = tpu.memref_slice %arg5[%mul3A_39, %dma_wait3A_86] : memref<1250x128xi32, #tpu.memory_space<hbm>> -> memref<80x128xi32, #tpu.memory_space<hbm>>
        tpu.wait_dma2 semaphore(%run_scoped3A : memref<!tpu.dma_semaphore, #tpu.memory_space<semaphore_mem>>) src(%dma_wait3A_87 : memref<80x128xi32, #tpu.memory_space<hbm>>) dst(%arg12 : memref<80x128xi32, #tpu.memory_space<vmem>>)
        tpu.yield
      }) : () -> ()
    } else {
    }
    %eq3A_47 = arith.constant 15 : i32
    %eq3A_48 = arith.cmpi eq, %arg1, %eq3A_47 : i32
    %convert_element_type3A_49 = arith.extui %eq3A_48 : i1 to i32
    %cond3A_50 = arith.constant 0 : i32
    %cond3A_51 = arith.cmpi ne, %convert_element_type3A_49, %cond3A_50 : i32
    scf.if %cond3A_51 {
      "tpu.region"() ({
        %run_scoped3A = tpu.sem_alloc : memref<!tpu.dma_semaphore, #tpu.memory_space<semaphore_mem>>
        %dma_start3A = arith.constant 0 : i32
        %dma_start3A_82 = arith.constant 0 : i32
        %dma_start3A_83 = tpu.memref_slice %arg11[%dma_start3A, %dma_start3A_82] : memref<80x128xi32, #tpu.memory_space<vmem>> -> memref<50x128xi32, #tpu.memory_space<vmem>>
        %dma_start3A_84 = arith.constant 0 : i32
        %dma_start3A_85 = tpu.memref_slice %arg4[%mul3A_39, %dma_start3A_84] : memref<1250x128xi32, #tpu.memory_space<hbm>> -> memref<50x128xi32, #tpu.memory_space<hbm>>
        %dma_start3A_86 = arith.constant 0 : i32
        %dma_start3A_87 = arith.constant 0 : i32
        %dma_start3A_88 = tpu.memref_slice %arg11[%dma_start3A_86, %dma_start3A_87] : memref<80x128xi32, #tpu.memory_space<vmem>> -> memref<50x128xi32, #tpu.memory_space<vmem>>
        %dma_start3A_89 = arith.constant 0 : i32
        %dma_start3A_90 = tpu.memref_slice %arg4[%mul3A_39, %dma_start3A_89] : memref<1250x128xi32, #tpu.memory_space<hbm>> -> memref<50x128xi32, #tpu.memory_space<hbm>>
        tpu.enqueue_dma source(%dma_start3A_90 : memref<50x128xi32, #tpu.memory_space<hbm>>) target(%dma_start3A_88 : memref<50x128xi32, #tpu.memory_space<vmem>>) target_semaphore(%run_scoped3A : memref<!tpu.dma_semaphore, #tpu.memory_space<semaphore_mem>>)
        %dma_wait3A = arith.constant 0 : i32
        %dma_wait3A_91 = arith.constant 0 : i32
        %dma_wait3A_92 = tpu.memref_slice %arg11[%dma_wait3A, %dma_wait3A_91] : memref<80x128xi32, #tpu.memory_space<vmem>> -> memref<50x128xi32, #tpu.memory_space<vmem>>
        %dma_wait3A_93 = arith.constant 0 : i32
        %dma_wait3A_94 = tpu.memref_slice %arg4[%mul3A_39, %dma_wait3A_93] : memref<1250x128xi32, #tpu.memory_space<hbm>> -> memref<50x128xi32, #tpu.memory_space<hbm>>
        %dma_wait3A_95 = arith.constant 0 : i32
        %dma_wait3A_96 = arith.constant 0 : i32
        %dma_wait3A_97 = tpu.memref_slice %arg11[%dma_wait3A_95, %dma_wait3A_96] : memref<80x128xi32, #tpu.memory_space<vmem>> -> memref<50x128xi32, #tpu.memory_space<vmem>>
        %dma_wait3A_98 = arith.constant 0 : i32
        %dma_wait3A_99 = tpu.memref_slice %arg4[%mul3A_39, %dma_wait3A_98] : memref<1250x128xi32, #tpu.memory_space<hbm>> -> memref<50x128xi32, #tpu.memory_space<hbm>>
        tpu.wait_dma2 semaphore(%run_scoped3A : memref<!tpu.dma_semaphore, #tpu.memory_space<semaphore_mem>>) src(%dma_wait3A_99 : memref<50x128xi32, #tpu.memory_space<hbm>>) dst(%dma_wait3A_97 : memref<50x128xi32, #tpu.memory_space<vmem>>)
        tpu.yield
      }) : () -> ()
      "tpu.region"() ({
        %run_scoped3A = tpu.sem_alloc : memref<!tpu.dma_semaphore, #tpu.memory_space<semaphore_mem>>
        %dma_start3A = arith.constant 0 : i32
        %dma_start3A_82 = arith.constant 0 : i32
        %dma_start3A_83 = tpu.memref_slice %arg12[%dma_start3A, %dma_start3A_82] : memref<80x128xi32, #tpu.memory_space<vmem>> -> memref<50x128xi32, #tpu.memory_space<vmem>>
        %dma_start3A_84 = arith.constant 0 : i32
        %dma_start3A_85 = tpu.memref_slice %arg5[%mul3A_39, %dma_start3A_84] : memref<1250x128xi32, #tpu.memory_space<hbm>> -> memref<50x128xi32, #tpu.memory_space<hbm>>
        %dma_start3A_86 = arith.constant 0 : i32
        %dma_start3A_87 = arith.constant 0 : i32
        %dma_start3A_88 = tpu.memref_slice %arg12[%dma_start3A_86, %dma_start3A_87] : memref<80x128xi32, #tpu.memory_space<vmem>> -> memref<50x128xi32, #tpu.memory_space<vmem>>
        %dma_start3A_89 = arith.constant 0 : i32
        %dma_start3A_90 = tpu.memref_slice %arg5[%mul3A_39, %dma_start3A_89] : memref<1250x128xi32, #tpu.memory_space<hbm>> -> memref<50x128xi32, #tpu.memory_space<hbm>>
        tpu.enqueue_dma source(%dma_start3A_90 : memref<50x128xi32, #tpu.memory_space<hbm>>) target(%dma_start3A_88 : memref<50x128xi32, #tpu.memory_space<vmem>>) target_semaphore(%run_scoped3A : memref<!tpu.dma_semaphore, #tpu.memory_space<semaphore_mem>>)
        %dma_wait3A = arith.constant 0 : i32
        %dma_wait3A_91 = arith.constant 0 : i32
        %dma_wait3A_92 = tpu.memref_slice %arg12[%dma_wait3A, %dma_wait3A_91] : memref<80x128xi32, #tpu.memory_space<vmem>> -> memref<50x128xi32, #tpu.memory_space<vmem>>
        %dma_wait3A_93 = arith.constant 0 : i32
        %dma_wait3A_94 = tpu.memref_slice %arg5[%mul3A_39, %dma_wait3A_93] : memref<1250x128xi32, #tpu.memory_space<hbm>> -> memref<50x128xi32, #tpu.memory_space<hbm>>
        %dma_wait3A_95 = arith.constant 0 : i32
        %dma_wait3A_96 = arith.constant 0 : i32
        %dma_wait3A_97 = tpu.memref_slice %arg12[%dma_wait3A_95, %dma_wait3A_96] : memref<80x128xi32, #tpu.memory_space<vmem>> -> memref<50x128xi32, #tpu.memory_space<vmem>>
        %dma_wait3A_98 = arith.constant 0 : i32
        %dma_wait3A_99 = tpu.memref_slice %arg5[%mul3A_39, %dma_wait3A_98] : memref<1250x128xi32, #tpu.memory_space<hbm>> -> memref<50x128xi32, #tpu.memory_space<hbm>>
        tpu.wait_dma2 semaphore(%run_scoped3A : memref<!tpu.dma_semaphore, #tpu.memory_space<semaphore_mem>>) src(%dma_wait3A_99 : memref<50x128xi32, #tpu.memory_space<hbm>>) dst(%dma_wait3A_97 : memref<50x128xi32, #tpu.memory_space<vmem>>)
        tpu.yield
      }) : () -> ()
    } else {
    }
    %barrier3A = arith.constant 0 : index
    tpu.barrier barrier_id(%barrier3A)
    %gt3A = arith.constant 0 : i32
    %gt3A_52 = arith.cmpi sgt, %min3A_41, %gt3A : i32
    %convert_element_type3A_53 = arith.extui %gt3A_52 : i1 to i32
    %cond3A_54 = arith.constant 0 : i32
    %cond3A_55 = arith.cmpi ne, %convert_element_type3A_53, %cond3A_54 : i32
    scf.if %cond3A_55 {
      %dma_start3A = arith.constant 0 : i32
      %dma_start3A_82 = arith.constant 0 : i32
      %dma_start3A_83 = tpu.memref_slice %arg11[%dma_start3A, %dma_start3A_82] : memref<80x128xi32, #tpu.memory_space<vmem>> -> memref<1x128xi32, #tpu.memory_space<vmem>>
      %dma_start3A_84 = tpu.memref_squeeze %dma_start3A_83 : memref<1x128xi32, #tpu.memory_space<vmem>> -> memref<128xi32, #tpu.memory_space<vmem>>
      %dma_start3A_85 = arith.constant 0 : i32
      %dma_start3A_86 = arith.constant 0 : i32
      %dma_start3A_87 = tpu.memref_slice %arg10[%dma_start3A_85, %dma_start3A_86] : memref<10000x80xf32, #tpu.memory_space<vmem_shared>> -> memref<10000x80xf32, #tpu.memory_space<vmem_shared>>
      tpu.enqueue_indirect_dma source(%dma_start3A_87 : memref<10000x80xf32, #tpu.memory_space<vmem_shared>>) target(%arg17 : memref<128x80xf32, #tpu.memory_space<vmem>>) offsets(%dma_start3A_84 : memref<128xi32, #tpu.memory_space<vmem>>) semaphore(%arg22 : memref<!tpu.dma_semaphore, #tpu.memory_space<semaphore_mem>>)
      %add3A = arith.constant 0 : i32
      %add3A_88 = arith.addi %mul3A_39, %add3A : i32
      %dma_start3A_89 = arith.constant 0 : i32
      %dma_start3A_90 = tpu.memref_slice %arg6[%add3A_88, %dma_start3A_89] : memref<1250x512xf32, #tpu.memory_space<hbm>> -> memref<1x512xf32, #tpu.memory_space<hbm>>
      %dma_start3A_91 = tpu.memref_squeeze %dma_start3A_90 : memref<1x512xf32, #tpu.memory_space<hbm>> -> memref<512xf32, #tpu.memory_space<hbm>>
      %dma_start3A_92 = arith.constant 0 : i32
      %dma_start3A_93 = tpu.memref_slice %arg6[%add3A_88, %dma_start3A_92] : memref<1250x512xf32, #tpu.memory_space<hbm>> -> memref<1x512xf32, #tpu.memory_space<hbm>>
      %dma_start3A_94 = tpu.memref_squeeze %dma_start3A_93 : memref<1x512xf32, #tpu.memory_space<hbm>> -> memref<512xf32, #tpu.memory_space<hbm>>
      tpu.enqueue_dma source(%dma_start3A_94 : memref<512xf32, #tpu.memory_space<hbm>>) target(%arg13 : memref<512xf32, #tpu.memory_space<vmem>>) target_semaphore(%arg26 : memref<!tpu.dma_semaphore, #tpu.memory_space<semaphore_mem>>)
    } else {
    }
    %gt3A_56 = arith.constant 1 : i32
    %gt3A_57 = arith.cmpi sgt, %min3A_41, %gt3A_56 : i32
    %convert_element_type3A_58 = arith.extui %gt3A_57 : i1 to i32
    %cond3A_59 = arith.constant 0 : i32
    %cond3A_60 = arith.cmpi ne, %convert_element_type3A_58, %cond3A_59 : i32
    scf.if %cond3A_60 {
      %dma_start3A = arith.constant 1 : i32
      %dma_start3A_82 = arith.constant 0 : i32
      %dma_start3A_83 = tpu.memref_slice %arg11[%dma_start3A, %dma_start3A_82] : memref<80x128xi32, #tpu.memory_space<vmem>> -> memref<1x128xi32, #tpu.memory_space<vmem>>
      %dma_start3A_84 = tpu.memref_squeeze %dma_start3A_83 : memref<1x128xi32, #tpu.memory_space<vmem>> -> memref<128xi32, #tpu.memory_space<vmem>>
      %dma_start3A_85 = arith.constant 0 : i32
      %dma_start3A_86 = arith.constant 0 : i32
      %dma_start3A_87 = tpu.memref_slice %arg10[%dma_start3A_85, %dma_start3A_86] : memref<10000x80xf32, #tpu.memory_space<vmem_shared>> -> memref<10000x80xf32, #tpu.memory_space<vmem_shared>>
      tpu.enqueue_indirect_dma source(%dma_start3A_87 : memref<10000x80xf32, #tpu.memory_space<vmem_shared>>) target(%arg18 : memref<128x80xf32, #tpu.memory_space<vmem>>) offsets(%dma_start3A_84 : memref<128xi32, #tpu.memory_space<vmem>>) semaphore(%arg23 : memref<!tpu.dma_semaphore, #tpu.memory_space<semaphore_mem>>)
      %add3A = arith.constant 1 : i32
      %add3A_88 = arith.addi %mul3A_39, %add3A : i32
      %dma_start3A_89 = arith.constant 0 : i32
      %dma_start3A_90 = tpu.memref_slice %arg6[%add3A_88, %dma_start3A_89] : memref<1250x512xf32, #tpu.memory_space<hbm>> -> memref<1x512xf32, #tpu.memory_space<hbm>>
      %dma_start3A_91 = tpu.memref_squeeze %dma_start3A_90 : memref<1x512xf32, #tpu.memory_space<hbm>> -> memref<512xf32, #tpu.memory_space<hbm>>
      %dma_start3A_92 = arith.constant 0 : i32
      %dma_start3A_93 = tpu.memref_slice %arg6[%add3A_88, %dma_start3A_92] : memref<1250x512xf32, #tpu.memory_space<hbm>> -> memref<1x512xf32, #tpu.memory_space<hbm>>
      %dma_start3A_94 = tpu.memref_squeeze %dma_start3A_93 : memref<1x512xf32, #tpu.memory_space<hbm>> -> memref<512xf32, #tpu.memory_space<hbm>>
      tpu.enqueue_dma source(%dma_start3A_94 : memref<512xf32, #tpu.memory_space<hbm>>) target(%arg14 : memref<512xf32, #tpu.memory_space<vmem>>) target_semaphore(%arg27 : memref<!tpu.dma_semaphore, #tpu.memory_space<semaphore_mem>>)
    } else {
    }
    %gt3A_61 = arith.constant 2 : i32
    %gt3A_62 = arith.cmpi sgt, %min3A_41, %gt3A_61 : i32
    %convert_element_type3A_63 = arith.extui %gt3A_62 : i1 to i32
    %cond3A_64 = arith.constant 0 : i32
    %cond3A_65 = arith.cmpi ne, %convert_element_type3A_63, %cond3A_64 : i32
    scf.if %cond3A_65 {
      %dma_start3A = arith.constant 2 : i32
      %dma_start3A_82 = arith.constant 0 : i32
      %dma_start3A_83 = tpu.memref_slice %arg11[%dma_start3A, %dma_start3A_82] : memref<80x128xi32, #tpu.memory_space<vmem>> -> memref<1x128xi32, #tpu.memory_space<vmem>>
      %dma_start3A_84 = tpu.memref_squeeze %dma_start3A_83 : memref<1x128xi32, #tpu.memory_space<vmem>> -> memref<128xi32, #tpu.memory_space<vmem>>
      %dma_start3A_85 = arith.constant 0 : i32
      %dma_start3A_86 = arith.constant 0 : i32
      %dma_start3A_87 = tpu.memref_slice %arg10[%dma_start3A_85, %dma_start3A_86] : memref<10000x80xf32, #tpu.memory_space<vmem_shared>> -> memref<10000x80xf32, #tpu.memory_space<vmem_shared>>
      tpu.enqueue_indirect_dma source(%dma_start3A_87 : memref<10000x80xf32, #tpu.memory_space<vmem_shared>>) target(%arg19 : memref<128x80xf32, #tpu.memory_space<vmem>>) offsets(%dma_start3A_84 : memref<128xi32, #tpu.memory_space<vmem>>) semaphore(%arg24 : memref<!tpu.dma_semaphore, #tpu.memory_space<semaphore_mem>>)
      %add3A = arith.constant 2 : i32
      %add3A_88 = arith.addi %mul3A_39, %add3A : i32
      %dma_start3A_89 = arith.constant 0 : i32
      %dma_start3A_90 = tpu.memref_slice %arg6[%add3A_88, %dma_start3A_89] : memref<1250x512xf32, #tpu.memory_space<hbm>> -> memref<1x512xf32, #tpu.memory_space<hbm>>
      %dma_start3A_91 = tpu.memref_squeeze %dma_start3A_90 : memref<1x512xf32, #tpu.memory_space<hbm>> -> memref<512xf32, #tpu.memory_space<hbm>>
      %dma_start3A_92 = arith.constant 0 : i32
      %dma_start3A_93 = tpu.memref_slice %arg6[%add3A_88, %dma_start3A_92] : memref<1250x512xf32, #tpu.memory_space<hbm>> -> memref<1x512xf32, #tpu.memory_space<hbm>>
      %dma_start3A_94 = tpu.memref_squeeze %dma_start3A_93 : memref<1x512xf32, #tpu.memory_space<hbm>> -> memref<512xf32, #tpu.memory_space<hbm>>
      tpu.enqueue_dma source(%dma_start3A_94 : memref<512xf32, #tpu.memory_space<hbm>>) target(%arg15 : memref<512xf32, #tpu.memory_space<vmem>>) target_semaphore(%arg28 : memref<!tpu.dma_semaphore, #tpu.memory_space<semaphore_mem>>)
    } else {
    }
    %scan3A = arith.constant 0 : i32
    %scan3A_66 = arith.constant 0 : i32
    %scan3A_67 = arith.constant 20 : i32
    %scan3A_68 = arith.addi %scan3A_66, %scan3A_67 : i32
    %scan3A_69 = arith.constant 1 : i32
    scf.for %scan3A_82 = %scan3A_66 to %scan3A_68 step %scan3A_69  : i32 {
      %mul3A_83 = arith.constant 4 : i32
      %mul3A_84 = arith.muli %mul3A_83, %scan3A_82 : i32
      %add3A = arith.constant 0 : i32
      %add3A_85 = arith.addi %mul3A_84, %add3A : i32
      %lt3A_86 = arith.cmpi slt, %add3A_85, %min3A_41 : i32
      %convert_element_type3A_87 = arith.extui %lt3A_86 : i1 to i32
      %cond3A_88 = arith.constant 0 : i32
      %cond3A_89 = arith.cmpi ne, %convert_element_type3A_87, %cond3A_88 : i32
      scf.if %cond3A_89 {
        %dma_wait3A = arith.constant 0 : i32
        %dma_wait3A_138 = tpu.memref_slice %arg11[%add3A_85, %dma_wait3A] : memref<80x128xi32, #tpu.memory_space<vmem>> -> memref<1x128xi32, #tpu.memory_space<vmem>>
        %dma_wait3A_139 = tpu.memref_squeeze %dma_wait3A_138 : memref<1x128xi32, #tpu.memory_space<vmem>> -> memref<128xi32, #tpu.memory_space<vmem>>
        %dma_wait3A_140 = arith.constant 0 : i32
        %dma_wait3A_141 = arith.constant 0 : i32
        %dma_wait3A_142 = tpu.memref_slice %arg10[%dma_wait3A_140, %dma_wait3A_141] : memref<10000x80xf32, #tpu.memory_space<vmem_shared>> -> memref<10000x80xf32, #tpu.memory_space<vmem_shared>>
        tpu.wait_indirect_dma semaphore(%arg22 : memref<!tpu.dma_semaphore, #tpu.memory_space<semaphore_mem>>) src(%dma_wait3A_142 : memref<10000x80xf32, #tpu.memory_space<vmem_shared>>) dst(%arg17 : memref<128x80xf32, #tpu.memory_space<vmem>>)
        %dma_wait3A_143 = arith.constant 0 : i32
        %dma_wait3A_144 = tpu.memref_slice %arg6[%mul3A_39, %dma_wait3A_143] : memref<1250x512xf32, #tpu.memory_space<hbm>> -> memref<1x512xf32, #tpu.memory_space<hbm>>
        %dma_wait3A_145 = tpu.memref_squeeze %dma_wait3A_144 : memref<1x512xf32, #tpu.memory_space<hbm>> -> memref<512xf32, #tpu.memory_space<hbm>>
        %dma_wait3A_146 = arith.constant 0 : i32
        %dma_wait3A_147 = tpu.memref_slice %arg6[%mul3A_39, %dma_wait3A_146] : memref<1250x512xf32, #tpu.memory_space<hbm>> -> memref<1x512xf32, #tpu.memory_space<hbm>>
        %dma_wait3A_148 = tpu.memref_squeeze %dma_wait3A_147 : memref<1x512xf32, #tpu.memory_space<hbm>> -> memref<512xf32, #tpu.memory_space<hbm>>
        tpu.wait_dma2 semaphore(%arg26 : memref<!tpu.dma_semaphore, #tpu.memory_space<semaphore_mem>>) src(%dma_wait3A_148 : memref<512xf32, #tpu.memory_space<hbm>>) dst(%arg13 : memref<512xf32, #tpu.memory_space<vmem>>)
        %scan3A_149 = arith.constant 0 : i32
        %scan3A_150 = arith.constant 0 : i32
        %scan3A_151 = arith.constant 32 : i32
        %scan3A_152 = arith.addi %scan3A_150, %scan3A_151 : i32
        %scan3A_153 = arith.constant 1 : i32
        scf.for %scan3A_155 = %scan3A_150 to %scan3A_152 step %scan3A_153  : i32 {
          %mul3A_156 = arith.constant 16 : i32
          %mul3A_157 = arith.muli %mul3A_156, %scan3A_155 : i32
          %get3A = arith.index_cast %mul3A_157 : i32 to index
          %get3A_158 = tpu.vector_load %arg13[%get3A] {strides = array<i32>} : memref<512xf32, #tpu.memory_space<vmem>>, vector<16xf32>,
          %get3A_159 = vector.shape_cast %get3A_158 : vector<16xf32> to vector<16xf32>
          %mul3A_160 = arith.constant 4 : i32
          %mul3A_161 = arith.muli %mul3A_160, %scan3A_155 : i32
          %add3A_162 = arith.constant 0 : i32
          %add3A_163 = arith.addi %mul3A_161, %add3A_162 : i32
          %slice3A = vector.extract_strided_slice %get3A_159 {offsets = [0], sizes = [1], strides = [1]} : vector<16xf32> to vector<1xf32>
          %squeeze3A = vector.extract %slice3A[0] : f32 from vector<1xf32>
          %slice3A_164 = vector.extract_strided_slice %get3A_159 {offsets = [1], sizes = [1], strides = [1]} : vector<16xf32> to vector<1xf32>
          %squeeze3A_165 = vector.extract %slice3A_164[0] : f32 from vector<1xf32>
          %slice3A_166 = vector.extract_strided_slice %get3A_159 {offsets = [2], sizes = [1], strides = [1]} : vector<16xf32> to vector<1xf32>
          %squeeze3A_167 = vector.extract %slice3A_166[0] : f32 from vector<1xf32>
          %slice3A_168 = vector.extract_strided_slice %get3A_159 {offsets = [3], sizes = [1], strides = [1]} : vector<16xf32> to vector<1xf32>
          %squeeze3A_169 = vector.extract %slice3A_168[0] : f32 from vector<1xf32>
          %get3A_170 = arith.index_cast %add3A_163 : i32 to index
          %get3A_171 = arith.constant 64 : index
          %get3A_172 = tpu.vector_load %arg17[%get3A_170, %get3A_171] {strides = array<i32>} : memref<128x80xf32, #tpu.memory_space<vmem>>, vector<1x16xf32>,
          %get3A_173 = vector.shape_cast %get3A_172 : vector<1x16xf32> to vector<16xf32>
          %get3A_174 = arith.index_cast %add3A_163 : i32 to index
          %get3A_175 = arith.constant 0 : index
          %get3A_176 = tpu.vector_load %arg17[%get3A_174, %get3A_175] {strides = array<i32>} : memref<128x80xf32, #tpu.memory_space<vmem>>, vector<1x16xf32>,
          %get3A_177 = vector.shape_cast %get3A_176 : vector<1x16xf32> to vector<16xf32>
          %mul3A_178 = vector.broadcast %squeeze3A : f32 to vector<16xf32>
          %mul3A_179 = arith.mulf %mul3A_178, %get3A_177 : vector<16xf32>
          %add3A_180 = arith.addf %get3A_173, %mul3A_179 : vector<16xf32>
          %get3A_181 = arith.index_cast %add3A_163 : i32 to index
          %get3A_182 = arith.constant 16 : index
          %get3A_183 = tpu.vector_load %arg17[%get3A_181, %get3A_182] {strides = array<i32>} : memref<128x80xf32, #tpu.memory_space<vmem>>, vector<1x16xf32>,
          %get3A_184 = vector.shape_cast %get3A_183 : vector<1x16xf32> to vector<16xf32>
          %mul3A_185 = vector.broadcast %squeeze3A_165 : f32 to vector<16xf32>
          %mul3A_186 = arith.mulf %mul3A_185, %get3A_184 : vector<16xf32>
          %add3A_187 = arith.addf %add3A_180, %mul3A_186 : vector<16xf32>
          %get3A_188 = arith.index_cast %add3A_163 : i32 to index
          %get3A_189 = arith.constant 32 : index
          %get3A_190 = tpu.vector_load %arg17[%get3A_188, %get3A_189] {strides = array<i32>} : memref<128x80xf32, #tpu.memory_space<vmem>>, vector<1x16xf32>,
          %get3A_191 = vector.shape_cast %get3A_190 : vector<1x16xf32> to vector<16xf32>
          %mul3A_192 = vector.broadcast %squeeze3A_167 : f32 to vector<16xf32>
          %mul3A_193 = arith.mulf %mul3A_192, %get3A_191 : vector<16xf32>
          %add3A_194 = arith.addf %add3A_187, %mul3A_193 : vector<16xf32>
          %get3A_195 = arith.index_cast %add3A_163 : i32 to index
          %get3A_196 = arith.constant 48 : index
          %get3A_197 = tpu.vector_load %arg17[%get3A_195, %get3A_196] {strides = array<i32>} : memref<128x80xf32, #tpu.memory_space<vmem>>, vector<1x16xf32>,
          %get3A_198 = vector.shape_cast %get3A_197 : vector<1x16xf32> to vector<16xf32>
          %mul3A_199 = vector.broadcast %squeeze3A_169 : f32 to vector<16xf32>
          %mul3A_200 = arith.mulf %mul3A_199, %get3A_198 : vector<16xf32>
          %add3A_201 = arith.addf %add3A_194, %mul3A_200 : vector<16xf32>
          %swap3A = arith.index_cast %add3A_163 : i32 to index
          %swap3A_202 = arith.constant 0 : index
          %swap3A_203 = tpu.vector_load %arg21[%swap3A, %swap3A_202] {strides = array<i32>} : memref<128x16xf32, #tpu.memory_space<vmem>>, vector<1x16xf32>,
          %swap3A_204 = vector.shape_cast %swap3A_203 : vector<1x16xf32> to vector<16xf32>
          %swap3A_205 = vector.shape_cast %add3A_201 : vector<16xf32> to vector<1x16xf32>
          tpu.vector_store %arg21[%swap3A, %swap3A_202], %swap3A_205 {strides = array<i32>} : memref<128x16xf32, #tpu.memory_space<vmem>>, vector<1x16xf32>,
          %mul3A_206 = arith.constant 4 : i32
          %mul3A_207 = arith.muli %mul3A_206, %scan3A_155 : i32
          %add3A_208 = arith.constant 1 : i32
          %add3A_209 = arith.addi %mul3A_207, %add3A_208 : i32
          %slice3A_210 = vector.extract_strided_slice %get3A_159 {offsets = [4], sizes = [1], strides = [1]} : vector<16xf32> to vector<1xf32>
          %squeeze3A_211 = vector.extract %slice3A_210[0] : f32 from vector<1xf32>
          %slice3A_212 = vector.extract_strided_slice %get3A_159 {offsets = [5], sizes = [1], strides = [1]} : vector<16xf32> to vector<1xf32>
          %squeeze3A_213 = vector.extract %slice3A_212[0] : f32 from vector<1xf32>
          %slice3A_214 = vector.extract_strided_slice %get3A_159 {offsets = [6], sizes = [1], strides = [1]} : vector<16xf32> to vector<1xf32>
          %squeeze3A_215 = vector.extract %slice3A_214[0] : f32 from vector<1xf32>
          %slice3A_216 = vector.extract_strided_slice %get3A_159 {offsets = [7], sizes = [1], strides = [1]} : vector<16xf32> to vector<1xf32>
          %squeeze3A_217 = vector.extract %slice3A_216[0] : f32 from vector<1xf32>
          %get3A_218 = arith.index_cast %add3A_209 : i32 to index
          %get3A_219 = arith.constant 64 : index
          %get3A_220 = tpu.vector_load %arg17[%get3A_218, %get3A_219] {strides = array<i32>} : memref<128x80xf32, #tpu.memory_space<vmem>>, vector<1x16xf32>,
          %get3A_221 = vector.shape_cast %get3A_220 : vector<1x16xf32> to vector<16xf32>
          %get3A_222 = arith.index_cast %add3A_209 : i32 to index
          %get3A_223 = arith.constant 0 : index
          %get3A_224 = tpu.vector_load %arg17[%get3A_222, %get3A_223] {strides = array<i32>} : memref<128x80xf32, #tpu.memory_space<vmem>>, vector<1x16xf32>,
          %get3A_225 = vector.shape_cast %get3A_224 : vector<1x16xf32> to vector<16xf32>
          %mul3A_226 = vector.broadcast %squeeze3A_211 : f32 to vector<16xf32>
          %mul3A_227 = arith.mulf %mul3A_226, %get3A_225 : vector<16xf32>
          %add3A_228 = arith.addf %get3A_221, %mul3A_227 : vector<16xf32>
          %get3A_229 = arith.index_cast %add3A_209 : i32 to index
          %get3A_230 = arith.constant 16 : index
          %get3A_231 = tpu.vector_load %arg17[%get3A_229, %get3A_230] {strides = array<i32>} : memref<128x80xf32, #tpu.memory_space<vmem>>, vector<1x16xf32>,
          %get3A_232 = vector.shape_cast %get3A_231 : vector<1x16xf32> to vector<16xf32>
          %mul3A_233 = vector.broadcast %squeeze3A_213 : f32 to vector<16xf32>
          %mul3A_234 = arith.mulf %mul3A_233, %get3A_232 : vector<16xf32>
          %add3A_235 = arith.addf %add3A_228, %mul3A_234 : vector<16xf32>
          %get3A_236 = arith.index_cast %add3A_209 : i32 to index
          %get3A_237 = arith.constant 32 : index
          %get3A_238 = tpu.vector_load %arg17[%get3A_236, %get3A_237] {strides = array<i32>} : memref<128x80xf32, #tpu.memory_space<vmem>>, vector<1x16xf32>,
          %get3A_239 = vector.shape_cast %get3A_238 : vector<1x16xf32> to vector<16xf32>
          %mul3A_240 = vector.broadcast %squeeze3A_215 : f32 to vector<16xf32>
          %mul3A_241 = arith.mulf %mul3A_240, %get3A_239 : vector<16xf32>
          %add3A_242 = arith.addf %add3A_235, %mul3A_241 : vector<16xf32>
          %get3A_243 = arith.index_cast %add3A_209 : i32 to index
          %get3A_244 = arith.constant 48 : index
          %get3A_245 = tpu.vector_load %arg17[%get3A_243, %get3A_244] {strides = array<i32>} : memref<128x80xf32, #tpu.memory_space<vmem>>, vector<1x16xf32>,
          %get3A_246 = vector.shape_cast %get3A_245 : vector<1x16xf32> to vector<16xf32>
          %mul3A_247 = vector.broadcast %squeeze3A_217 : f32 to vector<16xf32>
          %mul3A_248 = arith.mulf %mul3A_247, %get3A_246 : vector<16xf32>
          %add3A_249 = arith.addf %add3A_242, %mul3A_248 : vector<16xf32>
          %swap3A_250 = arith.index_cast %add3A_209 : i32 to index
          %swap3A_251 = arith.constant 0 : index
          %swap3A_252 = tpu.vector_load %arg21[%swap3A_250, %swap3A_251] {strides = array<i32>} : memref<128x16xf32, #tpu.memory_space<vmem>>, vector<1x16xf32>,
          %swap3A_253 = vector.shape_cast %swap3A_252 : vector<1x16xf32> to vector<16xf32>
          %swap3A_254 = vector.shape_cast %add3A_249 : vector<16xf32> to vector<1x16xf32>
          tpu.vector_store %arg21[%swap3A_250, %swap3A_251], %swap3A_254 {strides = array<i32>} : memref<128x16xf32, #tpu.memory_space<vmem>>, vector<1x16xf32>,
          %mul3A_255 = arith.constant 4 : i32
          %mul3A_256 = arith.muli %mul3A_255, %scan3A_155 : i32
          %add3A_257 = arith.constant 2 : i32
          %add3A_258 = arith.addi %mul3A_256, %add3A_257 : i32
          %slice3A_259 = vector.extract_strided_slice %get3A_159 {offsets = [8], sizes = [1], strides = [1]} : vector<16xf32> to vector<1xf32>
          %squeeze3A_260 = vector.extract %slice3A_259[0] : f32 from vector<1xf32>
          %slice3A_261 = vector.extract_strided_slice %get3A_159 {offsets = [9], sizes = [1], strides = [1]} : vector<16xf32> to vector<1xf32>
          %squeeze3A_262 = vector.extract %slice3A_261[0] : f32 from vector<1xf32>
          %slice3A_263 = vector.extract_strided_slice %get3A_159 {offsets = [10], sizes = [1], strides = [1]} : vector<16xf32> to vector<1xf32>
          %squeeze3A_264 = vector.extract %slice3A_263[0] : f32 from vector<1xf32>
          %slice3A_265 = vector.extract_strided_slice %get3A_159 {offsets = [11], sizes = [1], strides = [1]} : vector<16xf32> to vector<1xf32>
          %squeeze3A_266 = vector.extract %slice3A_265[0] : f32 from vector<1xf32>
          %get3A_267 = arith.index_cast %add3A_258 : i32 to index
          %get3A_268 = arith.constant 64 : index
          %get3A_269 = tpu.vector_load %arg17[%get3A_267, %get3A_268] {strides = array<i32>} : memref<128x80xf32, #tpu.memory_space<vmem>>, vector<1x16xf32>,
          %get3A_270 = vector.shape_cast %get3A_269 : vector<1x16xf32> to vector<16xf32>
          %get3A_271 = arith.index_cast %add3A_258 : i32 to index
          %get3A_272 = arith.constant 0 : index
          %get3A_273 = tpu.vector_load %arg17[%get3A_271, %get3A_272] {strides = array<i32>} : memref<128x80xf32, #tpu.memory_space<vmem>>, vector<1x16xf32>,
          %get3A_274 = vector.shape_cast %get3A_273 : vector<1x16xf32> to vector<16xf32>
          %mul3A_275 = vector.broadcast %squeeze3A_260 : f32 to vector<16xf32>
          %mul3A_276 = arith.mulf %mul3A_275, %get3A_274 : vector<16xf32>
          %add3A_277 = arith.addf %get3A_270, %mul3A_276 : vector<16xf32>
          %get3A_278 = arith.index_cast %add3A_258 : i32 to index
          %get3A_279 = arith.constant 16 : index
          %get3A_280 = tpu.vector_load %arg17[%get3A_278, %get3A_279] {strides = array<i32>} : memref<128x80xf32, #tpu.memory_space<vmem>>, vector<1x16xf32>,
          %get3A_281 = vector.shape_cast %get3A_280 : vector<1x16xf32> to vector<16xf32>
          %mul3A_282 = vector.broadcast %squeeze3A_262 : f32 to vector<16xf32>
          %mul3A_283 = arith.mulf %mul3A_282, %get3A_281 : vector<16xf32>
          %add3A_284 = arith.addf %add3A_277, %mul3A_283 : vector<16xf32>
          %get3A_285 = arith.index_cast %add3A_258 : i32 to index
          %get3A_286 = arith.constant 32 : index
          %get3A_287 = tpu.vector_load %arg17[%get3A_285, %get3A_286] {strides = array<i32>} : memref<128x80xf32, #tpu.memory_space<vmem>>, vector<1x16xf32>,
          %get3A_288 = vector.shape_cast %get3A_287 : vector<1x16xf32> to vector<16xf32>
          %mul3A_289 = vector.broadcast %squeeze3A_264 : f32 to vector<16xf32>
          %mul3A_290 = arith.mulf %mul3A_289, %get3A_288 : vector<16xf32>
          %add3A_291 = arith.addf %add3A_284, %mul3A_290 : vector<16xf32>
          %get3A_292 = arith.index_cast %add3A_258 : i32 to index
          %get3A_293 = arith.constant 48 : index
          %get3A_294 = tpu.vector_load %arg17[%get3A_292, %get3A_293] {strides = array<i32>} : memref<128x80xf32, #tpu.memory_space<vmem>>, vector<1x16xf32>,
          %get3A_295 = vector.shape_cast %get3A_294 : vector<1x16xf32> to vector<16xf32>
          %mul3A_296 = vector.broadcast %squeeze3A_266 : f32 to vector<16xf32>
          %mul3A_297 = arith.mulf %mul3A_296, %get3A_295 : vector<16xf32>
          %add3A_298 = arith.addf %add3A_291, %mul3A_297 : vector<16xf32>
          %swap3A_299 = arith.index_cast %add3A_258 : i32 to index
          %swap3A_300 = arith.constant 0 : index
          %swap3A_301 = tpu.vector_load %arg21[%swap3A_299, %swap3A_300] {strides = array<i32>} : memref<128x16xf32, #tpu.memory_space<vmem>>, vector<1x16xf32>,
          %swap3A_302 = vector.shape_cast %swap3A_301 : vector<1x16xf32> to vector<16xf32>
          %swap3A_303 = vector.shape_cast %add3A_298 : vector<16xf32> to vector<1x16xf32>
          tpu.vector_store %arg21[%swap3A_299, %swap3A_300], %swap3A_303 {strides = array<i32>} : memref<128x16xf32, #tpu.memory_space<vmem>>, vector<1x16xf32>,
          %mul3A_304 = arith.constant 4 : i32
          %mul3A_305 = arith.muli %mul3A_304, %scan3A_155 : i32
          %add3A_306 = arith.constant 3 : i32
          %add3A_307 = arith.addi %mul3A_305, %add3A_306 : i32
          %slice3A_308 = vector.extract_strided_slice %get3A_159 {offsets = [12], sizes = [1], strides = [1]} : vector<16xf32> to vector<1xf32>
          %squeeze3A_309 = vector.extract %slice3A_308[0] : f32 from vector<1xf32>
          %slice3A_310 = vector.extract_strided_slice %get3A_159 {offsets = [13], sizes = [1], strides = [1]} : vector<16xf32> to vector<1xf32>
          %squeeze3A_311 = vector.extract %slice3A_310[0] : f32 from vector<1xf32>
          %slice3A_312 = vector.extract_strided_slice %get3A_159 {offsets = [14], sizes = [1], strides = [1]} : vector<16xf32> to vector<1xf32>
          %squeeze3A_313 = vector.extract %slice3A_312[0] : f32 from vector<1xf32>
          %slice3A_314 = vector.extract_strided_slice %get3A_159 {offsets = [15], sizes = [1], strides = [1]} : vector<16xf32> to vector<1xf32>
          %squeeze3A_315 = vector.extract %slice3A_314[0] : f32 from vector<1xf32>
          %get3A_316 = arith.index_cast %add3A_307 : i32 to index
          %get3A_317 = arith.constant 64 : index
          %get3A_318 = tpu.vector_load %arg17[%get3A_316, %get3A_317] {strides = array<i32>} : memref<128x80xf32, #tpu.memory_space<vmem>>, vector<1x16xf32>,
          %get3A_319 = vector.shape_cast %get3A_318 : vector<1x16xf32> to vector<16xf32>
          %get3A_320 = arith.index_cast %add3A_307 : i32 to index
          %get3A_321 = arith.constant 0 : index
          %get3A_322 = tpu.vector_load %arg17[%get3A_320, %get3A_321] {strides = array<i32>} : memref<128x80xf32, #tpu.memory_space<vmem>>, vector<1x16xf32>,
          %get3A_323 = vector.shape_cast %get3A_322 : vector<1x16xf32> to vector<16xf32>
          %mul3A_324 = vector.broadcast %squeeze3A_309 : f32 to vector<16xf32>
          %mul3A_325 = arith.mulf %mul3A_324, %get3A_323 : vector<16xf32>
          %add3A_326 = arith.addf %get3A_319, %mul3A_325 : vector<16xf32>
          %get3A_327 = arith.index_cast %add3A_307 : i32 to index
          %get3A_328 = arith.constant 16 : index
          %get3A_329 = tpu.vector_load %arg17[%get3A_327, %get3A_328] {strides = array<i32>} : memref<128x80xf32, #tpu.memory_space<vmem>>, vector<1x16xf32>,
          %get3A_330 = vector.shape_cast %get3A_329 : vector<1x16xf32> to vector<16xf32>
          %mul3A_331 = vector.broadcast %squeeze3A_311 : f32 to vector<16xf32>
          %mul3A_332 = arith.mulf %mul3A_331, %get3A_330 : vector<16xf32>
          %add3A_333 = arith.addf %add3A_326, %mul3A_332 : vector<16xf32>
          %get3A_334 = arith.index_cast %add3A_307 : i32 to index
          %get3A_335 = arith.constant 32 : index
          %get3A_336 = tpu.vector_load %arg17[%get3A_334, %get3A_335] {strides = array<i32>} : memref<128x80xf32, #tpu.memory_space<vmem>>, vector<1x16xf32>,
          %get3A_337 = vector.shape_cast %get3A_336 : vector<1x16xf32> to vector<16xf32>
          %mul3A_338 = vector.broadcast %squeeze3A_313 : f32 to vector<16xf32>
          %mul3A_339 = arith.mulf %mul3A_338, %get3A_337 : vector<16xf32>
          %add3A_340 = arith.addf %add3A_333, %mul3A_339 : vector<16xf32>
          %get3A_341 = arith.index_cast %add3A_307 : i32 to index
          %get3A_342 = arith.constant 48 : index
          %get3A_343 = tpu.vector_load %arg17[%get3A_341, %get3A_342] {strides = array<i32>} : memref<128x80xf32, #tpu.memory_space<vmem>>, vector<1x16xf32>,
          %get3A_344 = vector.shape_cast %get3A_343 : vector<1x16xf32> to vector<16xf32>
          %mul3A_345 = vector.broadcast %squeeze3A_315 : f32 to vector<16xf32>
          %mul3A_346 = arith.mulf %mul3A_345, %get3A_344 : vector<16xf32>
          %add3A_347 = arith.addf %add3A_340, %mul3A_346 : vector<16xf32>
          %swap3A_348 = arith.index_cast %add3A_307 : i32 to index
          %swap3A_349 = arith.constant 0 : index
          %swap3A_350 = tpu.vector_load %arg21[%swap3A_348, %swap3A_349] {strides = array<i32>} : memref<128x16xf32, #tpu.memory_space<vmem>>, vector<1x16xf32>,
          %swap3A_351 = vector.shape_cast %swap3A_350 : vector<1x16xf32> to vector<16xf32>
          %swap3A_352 = vector.shape_cast %add3A_347 : vector<16xf32> to vector<1x16xf32>
          tpu.vector_store %arg21[%swap3A_348, %swap3A_349], %swap3A_352 {strides = array<i32>} : memref<128x16xf32, #tpu.memory_space<vmem>>, vector<1x16xf32>,
        }
        %scan3A_154 = arith.constant 32 : i32
        "tpu.region"() ({
          %run_scoped3A = tpu.sem_alloc : memref<!tpu.dma_semaphore, #tpu.memory_space<semaphore_mem>>
          %dma_start3A = arith.constant 0 : i32
          %dma_start3A_155 = tpu.memref_slice %arg12[%add3A_85, %dma_start3A] : memref<80x128xi32, #tpu.memory_space<vmem>> -> memref<1x128xi32, #tpu.memory_space<vmem>>
          %dma_start3A_156 = tpu.memref_squeeze %dma_start3A_155 : memref<1x128xi32, #tpu.memory_space<vmem>> -> memref<128xi32, #tpu.memory_space<vmem>>
          %dma_start3A_157 = arith.constant 0 : i32
          %dma_start3A_158 = arith.constant 0 : i32
          %dma_start3A_159 = tpu.memref_slice %arg9[%dma_start3A_157, %dma_start3A_158] : memref<10000x16xf32, #tpu.memory_space<vmem_shared>> -> memref<10000x16xf32, #tpu.memory_space<vmem_shared>>
          tpu.enqueue_indirect_dma source(%arg21 : memref<128x16xf32, #tpu.memory_space<vmem>>) target(%dma_start3A_159 : memref<10000x16xf32, #tpu.memory_space<vmem_shared>>) offsets(%dma_start3A_156 : memref<128xi32, #tpu.memory_space<vmem>>) semaphore(%run_scoped3A : memref<!tpu.dma_semaphore, #tpu.memory_space<semaphore_mem>>) {add = true}
          %dma_wait3A_160 = arith.constant 0 : i32
          %dma_wait3A_161 = tpu.memref_slice %arg12[%add3A_85, %dma_wait3A_160] : memref<80x128xi32, #tpu.memory_space<vmem>> -> memref<1x128xi32, #tpu.memory_space<vmem>>
          %dma_wait3A_162 = tpu.memref_squeeze %dma_wait3A_161 : memref<1x128xi32, #tpu.memory_space<vmem>> -> memref<128xi32, #tpu.memory_space<vmem>>
          %dma_wait3A_163 = arith.constant 0 : i32
          %dma_wait3A_164 = arith.constant 0 : i32
          %dma_wait3A_165 = tpu.memref_slice %arg9[%dma_wait3A_163, %dma_wait3A_164] : memref<10000x16xf32, #tpu.memory_space<vmem_shared>> -> memref<10000x16xf32, #tpu.memory_space<vmem_shared>>
          tpu.wait_indirect_dma semaphore(%run_scoped3A : memref<!tpu.dma_semaphore, #tpu.memory_space<semaphore_mem>>) src(%arg21 : memref<128x16xf32, #tpu.memory_space<vmem>>) dst(%dma_wait3A_165 : memref<10000x16xf32, #tpu.memory_space<vmem_shared>>)
          tpu.yield
        }) : () -> ()
      } else {
      }
      %add3A_90 = arith.constant 3 : i32
      %add3A_91 = arith.addi %add3A_85, %add3A_90 : i32
      %lt3A_92 = arith.cmpi slt, %add3A_91, %min3A_41 : i32
      %convert_element_type3A_93 = arith.extui %lt3A_92 : i1 to i32
      %cond3A_94 = arith.constant 0 : i32
      %cond3A_95 = arith.cmpi ne, %convert_element_type3A_93, %cond3A_94 : i32
      scf.if %cond3A_95 {
        %dma_start3A = arith.constant 0 : i32
        %dma_start3A_138 = tpu.memref_slice %arg11[%add3A_91, %dma_start3A] : memref<80x128xi32, #tpu.memory_space<vmem>> -> memref<1x128xi32, #tpu.memory_space<vmem>>
        %dma_start3A_139 = tpu.memref_squeeze %dma_start3A_138 : memref<1x128xi32, #tpu.memory_space<vmem>> -> memref<128xi32, #tpu.memory_space<vmem>>
        %dma_start3A_140 = arith.constant 0 : i32
        %dma_start3A_141 = arith.constant 0 : i32
        %dma_start3A_142 = tpu.memref_slice %arg10[%dma_start3A_140, %dma_start3A_141] : memref<10000x80xf32, #tpu.memory_space<vmem_shared>> -> memref<10000x80xf32, #tpu.memory_space<vmem_shared>>
        tpu.enqueue_indirect_dma source(%dma_start3A_142 : memref<10000x80xf32, #tpu.memory_space<vmem_shared>>) target(%arg20 : memref<128x80xf32, #tpu.memory_space<vmem>>) offsets(%dma_start3A_139 : memref<128xi32, #tpu.memory_space<vmem>>) semaphore(%arg25 : memref<!tpu.dma_semaphore, #tpu.memory_space<semaphore_mem>>)
        %add3A_143 = arith.addi %mul3A_39, %add3A_91 : i32
        %dma_start3A_144 = arith.constant 0 : i32
        %dma_start3A_145 = tpu.memref_slice %arg6[%add3A_143, %dma_start3A_144] : memref<1250x512xf32, #tpu.memory_space<hbm>> -> memref<1x512xf32, #tpu.memory_space<hbm>>
        %dma_start3A_146 = tpu.memref_squeeze %dma_start3A_145 : memref<1x512xf32, #tpu.memory_space<hbm>> -> memref<512xf32, #tpu.memory_space<hbm>>
        %dma_start3A_147 = arith.constant 0 : i32
        %dma_start3A_148 = tpu.memref_slice %arg6[%add3A_143, %dma_start3A_147] : memref<1250x512xf32, #tpu.memory_space<hbm>> -> memref<1x512xf32, #tpu.memory_space<hbm>>
        %dma_start3A_149 = tpu.memref_squeeze %dma_start3A_148 : memref<1x512xf32, #tpu.memory_space<hbm>> -> memref<512xf32, #tpu.memory_space<hbm>>
        tpu.enqueue_dma source(%dma_start3A_149 : memref<512xf32, #tpu.memory_space<hbm>>) target(%arg16 : memref<512xf32, #tpu.memory_space<vmem>>) target_semaphore(%arg29 : memref<!tpu.dma_semaphore, #tpu.memory_space<semaphore_mem>>)
      } else {
      }
      %mul3A_96 = arith.constant 4 : i32
      %mul3A_97 = arith.muli %mul3A_96, %scan3A_82 : i32
      %add3A_98 = arith.constant 1 : i32
      %add3A_99 = arith.addi %mul3A_97, %add3A_98 : i32
      %lt3A_100 = arith.cmpi slt, %add3A_99, %min3A_41 : i32
      %convert_element_type3A_101 = arith.extui %lt3A_100 : i1 to i32
      %cond3A_102 = arith.constant 0 : i32
      %cond3A_103 = arith.cmpi ne, %convert_element_type3A_101, %cond3A_102 : i32
      scf.if %cond3A_103 {
        %dma_wait3A = arith.constant 0 : i32
        %dma_wait3A_138 = tpu.memref_slice %arg11[%add3A_99, %dma_wait3A] : memref<80x128xi32, #tpu.memory_space<vmem>> -> memref<1x128xi32, #tpu.memory_space<vmem>>
        %dma_wait3A_139 = tpu.memref_squeeze %dma_wait3A_138 : memref<1x128xi32, #tpu.memory_space<vmem>> -> memref<128xi32, #tpu.memory_space<vmem>>
        %dma_wait3A_140 = arith.constant 0 : i32
        %dma_wait3A_141 = arith.constant 0 : i32
        %dma_wait3A_142 = tpu.memref_slice %arg10[%dma_wait3A_140, %dma_wait3A_141] : memref<10000x80xf32, #tpu.memory_space<vmem_shared>> -> memref<10000x80xf32, #tpu.memory_space<vmem_shared>>
        tpu.wait_indirect_dma semaphore(%arg23 : memref<!tpu.dma_semaphore, #tpu.memory_space<semaphore_mem>>) src(%dma_wait3A_142 : memref<10000x80xf32, #tpu.memory_space<vmem_shared>>) dst(%arg18 : memref<128x80xf32, #tpu.memory_space<vmem>>)
        %dma_wait3A_143 = arith.constant 0 : i32
        %dma_wait3A_144 = tpu.memref_slice %arg6[%mul3A_39, %dma_wait3A_143] : memref<1250x512xf32, #tpu.memory_space<hbm>> -> memref<1x512xf32, #tpu.memory_space<hbm>>
        %dma_wait3A_145 = tpu.memref_squeeze %dma_wait3A_144 : memref<1x512xf32, #tpu.memory_space<hbm>> -> memref<512xf32, #tpu.memory_space<hbm>>
        %dma_wait3A_146 = arith.constant 0 : i32
        %dma_wait3A_147 = tpu.memref_slice %arg6[%mul3A_39, %dma_wait3A_146] : memref<1250x512xf32, #tpu.memory_space<hbm>> -> memref<1x512xf32, #tpu.memory_space<hbm>>
        %dma_wait3A_148 = tpu.memref_squeeze %dma_wait3A_147 : memref<1x512xf32, #tpu.memory_space<hbm>> -> memref<512xf32, #tpu.memory_space<hbm>>
        tpu.wait_dma2 semaphore(%arg27 : memref<!tpu.dma_semaphore, #tpu.memory_space<semaphore_mem>>) src(%dma_wait3A_148 : memref<512xf32, #tpu.memory_space<hbm>>) dst(%arg14 : memref<512xf32, #tpu.memory_space<vmem>>)
        %scan3A_149 = arith.constant 0 : i32
        %scan3A_150 = arith.constant 0 : i32
        %scan3A_151 = arith.constant 32 : i32
        %scan3A_152 = arith.addi %scan3A_150, %scan3A_151 : i32
        %scan3A_153 = arith.constant 1 : i32
        scf.for %scan3A_155 = %scan3A_150 to %scan3A_152 step %scan3A_153  : i32 {
          %mul3A_156 = arith.constant 16 : i32
          %mul3A_157 = arith.muli %mul3A_156, %scan3A_155 : i32
          %get3A = arith.index_cast %mul3A_157 : i32 to index
          %get3A_158 = tpu.vector_load %arg14[%get3A] {strides = array<i32>} : memref<512xf32, #tpu.memory_space<vmem>>, vector<16xf32>,
          %get3A_159 = vector.shape_cast %get3A_158 : vector<16xf32> to vector<16xf32>
          %mul3A_160 = arith.constant 4 : i32
          %mul3A_161 = arith.muli %mul3A_160, %scan3A_155 : i32
          %add3A_162 = arith.constant 0 : i32
          %add3A_163 = arith.addi %mul3A_161, %add3A_162 : i32
          %slice3A = vector.extract_strided_slice %get3A_159 {offsets = [0], sizes = [1], strides = [1]} : vector<16xf32> to vector<1xf32>
          %squeeze3A = vector.extract %slice3A[0] : f32 from vector<1xf32>
          %slice3A_164 = vector.extract_strided_slice %get3A_159 {offsets = [1], sizes = [1], strides = [1]} : vector<16xf32> to vector<1xf32>
          %squeeze3A_165 = vector.extract %slice3A_164[0] : f32 from vector<1xf32>
          %slice3A_166 = vector.extract_strided_slice %get3A_159 {offsets = [2], sizes = [1], strides = [1]} : vector<16xf32> to vector<1xf32>
          %squeeze3A_167 = vector.extract %slice3A_166[0] : f32 from vector<1xf32>
          %slice3A_168 = vector.extract_strided_slice %get3A_159 {offsets = [3], sizes = [1], strides = [1]} : vector<16xf32> to vector<1xf32>
          %squeeze3A_169 = vector.extract %slice3A_168[0] : f32 from vector<1xf32>
          %get3A_170 = arith.index_cast %add3A_163 : i32 to index
          %get3A_171 = arith.constant 64 : index
          %get3A_172 = tpu.vector_load %arg18[%get3A_170, %get3A_171] {strides = array<i32>} : memref<128x80xf32, #tpu.memory_space<vmem>>, vector<1x16xf32>,
          %get3A_173 = vector.shape_cast %get3A_172 : vector<1x16xf32> to vector<16xf32>
          %get3A_174 = arith.index_cast %add3A_163 : i32 to index
          %get3A_175 = arith.constant 0 : index
          %get3A_176 = tpu.vector_load %arg18[%get3A_174, %get3A_175] {strides = array<i32>} : memref<128x80xf32, #tpu.memory_space<vmem>>, vector<1x16xf32>,
          %get3A_177 = vector.shape_cast %get3A_176 : vector<1x16xf32> to vector<16xf32>
          %mul3A_178 = vector.broadcast %squeeze3A : f32 to vector<16xf32>
          %mul3A_179 = arith.mulf %mul3A_178, %get3A_177 : vector<16xf32>
          %add3A_180 = arith.addf %get3A_173, %mul3A_179 : vector<16xf32>
          %get3A_181 = arith.index_cast %add3A_163 : i32 to index
          %get3A_182 = arith.constant 16 : index
          %get3A_183 = tpu.vector_load %arg18[%get3A_181, %get3A_182] {strides = array<i32>} : memref<128x80xf32, #tpu.memory_space<vmem>>, vector<1x16xf32>,
          %get3A_184 = vector.shape_cast %get3A_183 : vector<1x16xf32> to vector<16xf32>
          %mul3A_185 = vector.broadcast %squeeze3A_165 : f32 to vector<16xf32>
          %mul3A_186 = arith.mulf %mul3A_185, %get3A_184 : vector<16xf32>
          %add3A_187 = arith.addf %add3A_180, %mul3A_186 : vector<16xf32>
          %get3A_188 = arith.index_cast %add3A_163 : i32 to index
          %get3A_189 = arith.constant 32 : index
          %get3A_190 = tpu.vector_load %arg18[%get3A_188, %get3A_189] {strides = array<i32>} : memref<128x80xf32, #tpu.memory_space<vmem>>, vector<1x16xf32>,
          %get3A_191 = vector.shape_cast %get3A_190 : vector<1x16xf32> to vector<16xf32>
          %mul3A_192 = vector.broadcast %squeeze3A_167 : f32 to vector<16xf32>
          %mul3A_193 = arith.mulf %mul3A_192, %get3A_191 : vector<16xf32>
          %add3A_194 = arith.addf %add3A_187, %mul3A_193 : vector<16xf32>
          %get3A_195 = arith.index_cast %add3A_163 : i32 to index
          %get3A_196 = arith.constant 48 : index
          %get3A_197 = tpu.vector_load %arg18[%get3A_195, %get3A_196] {strides = array<i32>} : memref<128x80xf32, #tpu.memory_space<vmem>>, vector<1x16xf32>,
          %get3A_198 = vector.shape_cast %get3A_197 : vector<1x16xf32> to vector<16xf32>
          %mul3A_199 = vector.broadcast %squeeze3A_169 : f32 to vector<16xf32>
          %mul3A_200 = arith.mulf %mul3A_199, %get3A_198 : vector<16xf32>
          %add3A_201 = arith.addf %add3A_194, %mul3A_200 : vector<16xf32>
          %swap3A = arith.index_cast %add3A_163 : i32 to index
          %swap3A_202 = arith.constant 0 : index
          %swap3A_203 = tpu.vector_load %arg21[%swap3A, %swap3A_202] {strides = array<i32>} : memref<128x16xf32, #tpu.memory_space<vmem>>, vector<1x16xf32>,
          %swap3A_204 = vector.shape_cast %swap3A_203 : vector<1x16xf32> to vector<16xf32>
          %swap3A_205 = vector.shape_cast %add3A_201 : vector<16xf32> to vector<1x16xf32>
          tpu.vector_store %arg21[%swap3A, %swap3A_202], %swap3A_205 {strides = array<i32>} : memref<128x16xf32, #tpu.memory_space<vmem>>, vector<1x16xf32>,
          %mul3A_206 = arith.constant 4 : i32
          %mul3A_207 = arith.muli %mul3A_206, %scan3A_155 : i32
          %add3A_208 = arith.constant 1 : i32
          %add3A_209 = arith.addi %mul3A_207, %add3A_208 : i32
          %slice3A_210 = vector.extract_strided_slice %get3A_159 {offsets = [4], sizes = [1], strides = [1]} : vector<16xf32> to vector<1xf32>
          %squeeze3A_211 = vector.extract %slice3A_210[0] : f32 from vector<1xf32>
          %slice3A_212 = vector.extract_strided_slice %get3A_159 {offsets = [5], sizes = [1], strides = [1]} : vector<16xf32> to vector<1xf32>
          %squeeze3A_213 = vector.extract %slice3A_212[0] : f32 from vector<1xf32>
          %slice3A_214 = vector.extract_strided_slice %get3A_159 {offsets = [6], sizes = [1], strides = [1]} : vector<16xf32> to vector<1xf32>
          %squeeze3A_215 = vector.extract %slice3A_214[0] : f32 from vector<1xf32>
          %slice3A_216 = vector.extract_strided_slice %get3A_159 {offsets = [7], sizes = [1], strides = [1]} : vector<16xf32> to vector<1xf32>
          %squeeze3A_217 = vector.extract %slice3A_216[0] : f32 from vector<1xf32>
          %get3A_218 = arith.index_cast %add3A_209 : i32 to index
          %get3A_219 = arith.constant 64 : index
          %get3A_220 = tpu.vector_load %arg18[%get3A_218, %get3A_219] {strides = array<i32>} : memref<128x80xf32, #tpu.memory_space<vmem>>, vector<1x16xf32>,
          %get3A_221 = vector.shape_cast %get3A_220 : vector<1x16xf32> to vector<16xf32>
          %get3A_222 = arith.index_cast %add3A_209 : i32 to index
          %get3A_223 = arith.constant 0 : index
          %get3A_224 = tpu.vector_load %arg18[%get3A_222, %get3A_223] {strides = array<i32>} : memref<128x80xf32, #tpu.memory_space<vmem>>, vector<1x16xf32>,
          %get3A_225 = vector.shape_cast %get3A_224 : vector<1x16xf32> to vector<16xf32>
          %mul3A_226 = vector.broadcast %squeeze3A_211 : f32 to vector<16xf32>
          %mul3A_227 = arith.mulf %mul3A_226, %get3A_225 : vector<16xf32>
          %add3A_228 = arith.addf %get3A_221, %mul3A_227 : vector<16xf32>
          %get3A_229 = arith.index_cast %add3A_209 : i32 to index
          %get3A_230 = arith.constant 16 : index
          %get3A_231 = tpu.vector_load %arg18[%get3A_229, %get3A_230] {strides = array<i32>} : memref<128x80xf32, #tpu.memory_space<vmem>>, vector<1x16xf32>,
          %get3A_232 = vector.shape_cast %get3A_231 : vector<1x16xf32> to vector<16xf32>
          %mul3A_233 = vector.broadcast %squeeze3A_213 : f32 to vector<16xf32>
          %mul3A_234 = arith.mulf %mul3A_233, %get3A_232 : vector<16xf32>
          %add3A_235 = arith.addf %add3A_228, %mul3A_234 : vector<16xf32>
          %get3A_236 = arith.index_cast %add3A_209 : i32 to index
          %get3A_237 = arith.constant 32 : index
          %get3A_238 = tpu.vector_load %arg18[%get3A_236, %get3A_237] {strides = array<i32>} : memref<128x80xf32, #tpu.memory_space<vmem>>, vector<1x16xf32>,
          %get3A_239 = vector.shape_cast %get3A_238 : vector<1x16xf32> to vector<16xf32>
          %mul3A_240 = vector.broadcast %squeeze3A_215 : f32 to vector<16xf32>
          %mul3A_241 = arith.mulf %mul3A_240, %get3A_239 : vector<16xf32>
          %add3A_242 = arith.addf %add3A_235, %mul3A_241 : vector<16xf32>
          %get3A_243 = arith.index_cast %add3A_209 : i32 to index
          %get3A_244 = arith.constant 48 : index
          %get3A_245 = tpu.vector_load %arg18[%get3A_243, %get3A_244] {strides = array<i32>} : memref<128x80xf32, #tpu.memory_space<vmem>>, vector<1x16xf32>,
          %get3A_246 = vector.shape_cast %get3A_245 : vector<1x16xf32> to vector<16xf32>
          %mul3A_247 = vector.broadcast %squeeze3A_217 : f32 to vector<16xf32>
          %mul3A_248 = arith.mulf %mul3A_247, %get3A_246 : vector<16xf32>
          %add3A_249 = arith.addf %add3A_242, %mul3A_248 : vector<16xf32>
          %swap3A_250 = arith.index_cast %add3A_209 : i32 to index
          %swap3A_251 = arith.constant 0 : index
          %swap3A_252 = tpu.vector_load %arg21[%swap3A_250, %swap3A_251] {strides = array<i32>} : memref<128x16xf32, #tpu.memory_space<vmem>>, vector<1x16xf32>,
          %swap3A_253 = vector.shape_cast %swap3A_252 : vector<1x16xf32> to vector<16xf32>
          %swap3A_254 = vector.shape_cast %add3A_249 : vector<16xf32> to vector<1x16xf32>
          tpu.vector_store %arg21[%swap3A_250, %swap3A_251], %swap3A_254 {strides = array<i32>} : memref<128x16xf32, #tpu.memory_space<vmem>>, vector<1x16xf32>,
          %mul3A_255 = arith.constant 4 : i32
          %mul3A_256 = arith.muli %mul3A_255, %scan3A_155 : i32
          %add3A_257 = arith.constant 2 : i32
          %add3A_258 = arith.addi %mul3A_256, %add3A_257 : i32
          %slice3A_259 = vector.extract_strided_slice %get3A_159 {offsets = [8], sizes = [1], strides = [1]} : vector<16xf32> to vector<1xf32>
          %squeeze3A_260 = vector.extract %slice3A_259[0] : f32 from vector<1xf32>
          %slice3A_261 = vector.extract_strided_slice %get3A_159 {offsets = [9], sizes = [1], strides = [1]} : vector<16xf32> to vector<1xf32>
          %squeeze3A_262 = vector.extract %slice3A_261[0] : f32 from vector<1xf32>
          %slice3A_263 = vector.extract_strided_slice %get3A_159 {offsets = [10], sizes = [1], strides = [1]} : vector<16xf32> to vector<1xf32>
          %squeeze3A_264 = vector.extract %slice3A_263[0] : f32 from vector<1xf32>
          %slice3A_265 = vector.extract_strided_slice %get3A_159 {offsets = [11], sizes = [1], strides = [1]} : vector<16xf32> to vector<1xf32>
          %squeeze3A_266 = vector.extract %slice3A_265[0] : f32 from vector<1xf32>
          %get3A_267 = arith.index_cast %add3A_258 : i32 to index
          %get3A_268 = arith.constant 64 : index
          %get3A_269 = tpu.vector_load %arg18[%get3A_267, %get3A_268] {strides = array<i32>} : memref<128x80xf32, #tpu.memory_space<vmem>>, vector<1x16xf32>,
          %get3A_270 = vector.shape_cast %get3A_269 : vector<1x16xf32> to vector<16xf32>
          %get3A_271 = arith.index_cast %add3A_258 : i32 to index
          %get3A_272 = arith.constant 0 : index
          %get3A_273 = tpu.vector_load %arg18[%get3A_271, %get3A_272] {strides = array<i32>} : memref<128x80xf32, #tpu.memory_space<vmem>>, vector<1x16xf32>,
          %get3A_274 = vector.shape_cast %get3A_273 : vector<1x16xf32> to vector<16xf32>
          %mul3A_275 = vector.broadcast %squeeze3A_260 : f32 to vector<16xf32>
          %mul3A_276 = arith.mulf %mul3A_275, %get3A_274 : vector<16xf32>
          %add3A_277 = arith.addf %get3A_270, %mul3A_276 : vector<16xf32>
          %get3A_278 = arith.index_cast %add3A_258 : i32 to index
          %get3A_279 = arith.constant 16 : index
          %get3A_280 = tpu.vector_load %arg18[%get3A_278, %get3A_279] {strides = array<i32>} : memref<128x80xf32, #tpu.memory_space<vmem>>, vector<1x16xf32>,
          %get3A_281 = vector.shape_cast %get3A_280 : vector<1x16xf32> to vector<16xf32>
          %mul3A_282 = vector.broadcast %squeeze3A_262 : f32 to vector<16xf32>
          %mul3A_283 = arith.mulf %mul3A_282, %get3A_281 : vector<16xf32>
          %add3A_284 = arith.addf %add3A_277, %mul3A_283 : vector<16xf32>
          %get3A_285 = arith.index_cast %add3A_258 : i32 to index
          %get3A_286 = arith.constant 32 : index
          %get3A_287 = tpu.vector_load %arg18[%get3A_285, %get3A_286] {strides = array<i32>} : memref<128x80xf32, #tpu.memory_space<vmem>>, vector<1x16xf32>,
          %get3A_288 = vector.shape_cast %get3A_287 : vector<1x16xf32> to vector<16xf32>
          %mul3A_289 = vector.broadcast %squeeze3A_264 : f32 to vector<16xf32>
          %mul3A_290 = arith.mulf %mul3A_289, %get3A_288 : vector<16xf32>
          %add3A_291 = arith.addf %add3A_284, %mul3A_290 : vector<16xf32>
          %get3A_292 = arith.index_cast %add3A_258 : i32 to index
          %get3A_293 = arith.constant 48 : index
          %get3A_294 = tpu.vector_load %arg18[%get3A_292, %get3A_293] {strides = array<i32>} : memref<128x80xf32, #tpu.memory_space<vmem>>, vector<1x16xf32>,
          %get3A_295 = vector.shape_cast %get3A_294 : vector<1x16xf32> to vector<16xf32>
          %mul3A_296 = vector.broadcast %squeeze3A_266 : f32 to vector<16xf32>
          %mul3A_297 = arith.mulf %mul3A_296, %get3A_295 : vector<16xf32>
          %add3A_298 = arith.addf %add3A_291, %mul3A_297 : vector<16xf32>
          %swap3A_299 = arith.index_cast %add3A_258 : i32 to index
          %swap3A_300 = arith.constant 0 : index
          %swap3A_301 = tpu.vector_load %arg21[%swap3A_299, %swap3A_300] {strides = array<i32>} : memref<128x16xf32, #tpu.memory_space<vmem>>, vector<1x16xf32>,
          %swap3A_302 = vector.shape_cast %swap3A_301 : vector<1x16xf32> to vector<16xf32>
          %swap3A_303 = vector.shape_cast %add3A_298 : vector<16xf32> to vector<1x16xf32>
          tpu.vector_store %arg21[%swap3A_299, %swap3A_300], %swap3A_303 {strides = array<i32>} : memref<128x16xf32, #tpu.memory_space<vmem>>, vector<1x16xf32>,
          %mul3A_304 = arith.constant 4 : i32
          %mul3A_305 = arith.muli %mul3A_304, %scan3A_155 : i32
          %add3A_306 = arith.constant 3 : i32
          %add3A_307 = arith.addi %mul3A_305, %add3A_306 : i32
          %slice3A_308 = vector.extract_strided_slice %get3A_159 {offsets = [12], sizes = [1], strides = [1]} : vector<16xf32> to vector<1xf32>
          %squeeze3A_309 = vector.extract %slice3A_308[0] : f32 from vector<1xf32>
          %slice3A_310 = vector.extract_strided_slice %get3A_159 {offsets = [13], sizes = [1], strides = [1]} : vector<16xf32> to vector<1xf32>
          %squeeze3A_311 = vector.extract %slice3A_310[0] : f32 from vector<1xf32>
          %slice3A_312 = vector.extract_strided_slice %get3A_159 {offsets = [14], sizes = [1], strides = [1]} : vector<16xf32> to vector<1xf32>
          %squeeze3A_313 = vector.extract %slice3A_312[0] : f32 from vector<1xf32>
          %slice3A_314 = vector.extract_strided_slice %get3A_159 {offsets = [15], sizes = [1], strides = [1]} : vector<16xf32> to vector<1xf32>
          %squeeze3A_315 = vector.extract %slice3A_314[0] : f32 from vector<1xf32>
          %get3A_316 = arith.index_cast %add3A_307 : i32 to index
          %get3A_317 = arith.constant 64 : index
          %get3A_318 = tpu.vector_load %arg18[%get3A_316, %get3A_317] {strides = array<i32>} : memref<128x80xf32, #tpu.memory_space<vmem>>, vector<1x16xf32>,
          %get3A_319 = vector.shape_cast %get3A_318 : vector<1x16xf32> to vector<16xf32>
          %get3A_320 = arith.index_cast %add3A_307 : i32 to index
          %get3A_321 = arith.constant 0 : index
          %get3A_322 = tpu.vector_load %arg18[%get3A_320, %get3A_321] {strides = array<i32>} : memref<128x80xf32, #tpu.memory_space<vmem>>, vector<1x16xf32>,
          %get3A_323 = vector.shape_cast %get3A_322 : vector<1x16xf32> to vector<16xf32>
          %mul3A_324 = vector.broadcast %squeeze3A_309 : f32 to vector<16xf32>
          %mul3A_325 = arith.mulf %mul3A_324, %get3A_323 : vector<16xf32>
          %add3A_326 = arith.addf %get3A_319, %mul3A_325 : vector<16xf32>
          %get3A_327 = arith.index_cast %add3A_307 : i32 to index
          %get3A_328 = arith.constant 16 : index
          %get3A_329 = tpu.vector_load %arg18[%get3A_327, %get3A_328] {strides = array<i32>} : memref<128x80xf32, #tpu.memory_space<vmem>>, vector<1x16xf32>,
          %get3A_330 = vector.shape_cast %get3A_329 : vector<1x16xf32> to vector<16xf32>
          %mul3A_331 = vector.broadcast %squeeze3A_311 : f32 to vector<16xf32>
          %mul3A_332 = arith.mulf %mul3A_331, %get3A_330 : vector<16xf32>
          %add3A_333 = arith.addf %add3A_326, %mul3A_332 : vector<16xf32>
          %get3A_334 = arith.index_cast %add3A_307 : i32 to index
          %get3A_335 = arith.constant 32 : index
          %get3A_336 = tpu.vector_load %arg18[%get3A_334, %get3A_335] {strides = array<i32>} : memref<128x80xf32, #tpu.memory_space<vmem>>, vector<1x16xf32>,
          %get3A_337 = vector.shape_cast %get3A_336 : vector<1x16xf32> to vector<16xf32>
          %mul3A_338 = vector.broadcast %squeeze3A_313 : f32 to vector<16xf32>
          %mul3A_339 = arith.mulf %mul3A_338, %get3A_337 : vector<16xf32>
          %add3A_340 = arith.addf %add3A_333, %mul3A_339 : vector<16xf32>
          %get3A_341 = arith.index_cast %add3A_307 : i32 to index
          %get3A_342 = arith.constant 48 : index
          %get3A_343 = tpu.vector_load %arg18[%get3A_341, %get3A_342] {strides = array<i32>} : memref<128x80xf32, #tpu.memory_space<vmem>>, vector<1x16xf32>,
          %get3A_344 = vector.shape_cast %get3A_343 : vector<1x16xf32> to vector<16xf32>
          %mul3A_345 = vector.broadcast %squeeze3A_315 : f32 to vector<16xf32>
          %mul3A_346 = arith.mulf %mul3A_345, %get3A_344 : vector<16xf32>
          %add3A_347 = arith.addf %add3A_340, %mul3A_346 : vector<16xf32>
          %swap3A_348 = arith.index_cast %add3A_307 : i32 to index
          %swap3A_349 = arith.constant 0 : index
          %swap3A_350 = tpu.vector_load %arg21[%swap3A_348, %swap3A_349] {strides = array<i32>} : memref<128x16xf32, #tpu.memory_space<vmem>>, vector<1x16xf32>,
          %swap3A_351 = vector.shape_cast %swap3A_350 : vector<1x16xf32> to vector<16xf32>
          %swap3A_352 = vector.shape_cast %add3A_347 : vector<16xf32> to vector<1x16xf32>
          tpu.vector_store %arg21[%swap3A_348, %swap3A_349], %swap3A_352 {strides = array<i32>} : memref<128x16xf32, #tpu.memory_space<vmem>>, vector<1x16xf32>,
        }
        %scan3A_154 = arith.constant 32 : i32
        "tpu.region"() ({
          %run_scoped3A = tpu.sem_alloc : memref<!tpu.dma_semaphore, #tpu.memory_space<semaphore_mem>>
          %dma_start3A = arith.constant 0 : i32
          %dma_start3A_155 = tpu.memref_slice %arg12[%add3A_99, %dma_start3A] : memref<80x128xi32, #tpu.memory_space<vmem>> -> memref<1x128xi32, #tpu.memory_space<vmem>>
          %dma_start3A_156 = tpu.memref_squeeze %dma_start3A_155 : memref<1x128xi32, #tpu.memory_space<vmem>> -> memref<128xi32, #tpu.memory_space<vmem>>
          %dma_start3A_157 = arith.constant 0 : i32
          %dma_start3A_158 = arith.constant 0 : i32
          %dma_start3A_159 = tpu.memref_slice %arg9[%dma_start3A_157, %dma_start3A_158] : memref<10000x16xf32, #tpu.memory_space<vmem_shared>> -> memref<10000x16xf32, #tpu.memory_space<vmem_shared>>
          tpu.enqueue_indirect_dma source(%arg21 : memref<128x16xf32, #tpu.memory_space<vmem>>) target(%dma_start3A_159 : memref<10000x16xf32, #tpu.memory_space<vmem_shared>>) offsets(%dma_start3A_156 : memref<128xi32, #tpu.memory_space<vmem>>) semaphore(%run_scoped3A : memref<!tpu.dma_semaphore, #tpu.memory_space<semaphore_mem>>) {add = true}
          %dma_wait3A_160 = arith.constant 0 : i32
          %dma_wait3A_161 = tpu.memref_slice %arg12[%add3A_99, %dma_wait3A_160] : memref<80x128xi32, #tpu.memory_space<vmem>> -> memref<1x128xi32, #tpu.memory_space<vmem>>
          %dma_wait3A_162 = tpu.memref_squeeze %dma_wait3A_161 : memref<1x128xi32, #tpu.memory_space<vmem>> -> memref<128xi32, #tpu.memory_space<vmem>>
          %dma_wait3A_163 = arith.constant 0 : i32
          %dma_wait3A_164 = arith.constant 0 : i32
          %dma_wait3A_165 = tpu.memref_slice %arg9[%dma_wait3A_163, %dma_wait3A_164] : memref<10000x16xf32, #tpu.memory_space<vmem_shared>> -> memref<10000x16xf32, #tpu.memory_space<vmem_shared>>
          tpu.wait_indirect_dma semaphore(%run_scoped3A : memref<!tpu.dma_semaphore, #tpu.memory_space<semaphore_mem>>) src(%arg21 : memref<128x16xf32, #tpu.memory_space<vmem>>) dst(%dma_wait3A_165 : memref<10000x16xf32, #tpu.memory_space<vmem_shared>>)
          tpu.yield
        }) : () -> ()
      } else {
      }
      %add3A_104 = arith.constant 3 : i32
      %add3A_105 = arith.addi %add3A_99, %add3A_104 : i32
      %lt3A_106 = arith.cmpi slt, %add3A_105, %min3A_41 : i32
      %convert_element_type3A_107 = arith.extui %lt3A_106 : i1 to i32
      %cond3A_108 = arith.constant 0 : i32
      %cond3A_109 = arith.cmpi ne, %convert_element_type3A_107, %cond3A_108 : i32
      scf.if %cond3A_109 {
        %dma_start3A = arith.constant 0 : i32
        %dma_start3A_138 = tpu.memref_slice %arg11[%add3A_105, %dma_start3A] : memref<80x128xi32, #tpu.memory_space<vmem>> -> memref<1x128xi32, #tpu.memory_space<vmem>>
        %dma_start3A_139 = tpu.memref_squeeze %dma_start3A_138 : memref<1x128xi32, #tpu.memory_space<vmem>> -> memref<128xi32, #tpu.memory_space<vmem>>
        %dma_start3A_140 = arith.constant 0 : i32
        %dma_start3A_141 = arith.constant 0 : i32
        %dma_start3A_142 = tpu.memref_slice %arg10[%dma_start3A_140, %dma_start3A_141] : memref<10000x80xf32, #tpu.memory_space<vmem_shared>> -> memref<10000x80xf32, #tpu.memory_space<vmem_shared>>
        tpu.enqueue_indirect_dma source(%dma_start3A_142 : memref<10000x80xf32, #tpu.memory_space<vmem_shared>>) target(%arg17 : memref<128x80xf32, #tpu.memory_space<vmem>>) offsets(%dma_start3A_139 : memref<128xi32, #tpu.memory_space<vmem>>) semaphore(%arg22 : memref<!tpu.dma_semaphore, #tpu.memory_space<semaphore_mem>>)
        %add3A_143 = arith.addi %mul3A_39, %add3A_105 : i32
        %dma_start3A_144 = arith.constant 0 : i32
        %dma_start3A_145 = tpu.memref_slice %arg6[%add3A_143, %dma_start3A_144] : memref<1250x512xf32, #tpu.memory_space<hbm>> -> memref<1x512xf32, #tpu.memory_space<hbm>>
        %dma_start3A_146 = tpu.memref_squeeze %dma_start3A_145 : memref<1x512xf32, #tpu.memory_space<hbm>> -> memref<512xf32, #tpu.memory_space<hbm>>
        %dma_start3A_147 = arith.constant 0 : i32
        %dma_start3A_148 = tpu.memref_slice %arg6[%add3A_143, %dma_start3A_147] : memref<1250x512xf32, #tpu.memory_space<hbm>> -> memref<1x512xf32, #tpu.memory_space<hbm>>
        %dma_start3A_149 = tpu.memref_squeeze %dma_start3A_148 : memref<1x512xf32, #tpu.memory_space<hbm>> -> memref<512xf32, #tpu.memory_space<hbm>>
        tpu.enqueue_dma source(%dma_start3A_149 : memref<512xf32, #tpu.memory_space<hbm>>) target(%arg13 : memref<512xf32, #tpu.memory_space<vmem>>) target_semaphore(%arg26 : memref<!tpu.dma_semaphore, #tpu.memory_space<semaphore_mem>>)
      } else {
      }
      %mul3A_110 = arith.constant 4 : i32
      %mul3A_111 = arith.muli %mul3A_110, %scan3A_82 : i32
      %add3A_112 = arith.constant 2 : i32
      %add3A_113 = arith.addi %mul3A_111, %add3A_112 : i32
      %lt3A_114 = arith.cmpi slt, %add3A_113, %min3A_41 : i32
      %convert_element_type3A_115 = arith.extui %lt3A_114 : i1 to i32
      %cond3A_116 = arith.constant 0 : i32
      %cond3A_117 = arith.cmpi ne, %convert_element_type3A_115, %cond3A_116 : i32
      scf.if %cond3A_117 {
        %dma_wait3A = arith.constant 0 : i32
        %dma_wait3A_138 = tpu.memref_slice %arg11[%add3A_113, %dma_wait3A] : memref<80x128xi32, #tpu.memory_space<vmem>> -> memref<1x128xi32, #tpu.memory_space<vmem>>
        %dma_wait3A_139 = tpu.memref_squeeze %dma_wait3A_138 : memref<1x128xi32, #tpu.memory_space<vmem>> -> memref<128xi32, #tpu.memory_space<vmem>>
        %dma_wait3A_140 = arith.constant 0 : i32
        %dma_wait3A_141 = arith.constant 0 : i32
        %dma_wait3A_142 = tpu.memref_slice %arg10[%dma_wait3A_140, %dma_wait3A_141] : memref<10000x80xf32, #tpu.memory_space<vmem_shared>> -> memref<10000x80xf32, #tpu.memory_space<vmem_shared>>
        tpu.wait_indirect_dma semaphore(%arg24 : memref<!tpu.dma_semaphore, #tpu.memory_space<semaphore_mem>>) src(%dma_wait3A_142 : memref<10000x80xf32, #tpu.memory_space<vmem_shared>>) dst(%arg19 : memref<128x80xf32, #tpu.memory_space<vmem>>)
        %dma_wait3A_143 = arith.constant 0 : i32
        %dma_wait3A_144 = tpu.memref_slice %arg6[%mul3A_39, %dma_wait3A_143] : memref<1250x512xf32, #tpu.memory_space<hbm>> -> memref<1x512xf32, #tpu.memory_space<hbm>>
        %dma_wait3A_145 = tpu.memref_squeeze %dma_wait3A_144 : memref<1x512xf32, #tpu.memory_space<hbm>> -> memref<512xf32, #tpu.memory_space<hbm>>
        %dma_wait3A_146 = arith.constant 0 : i32
        %dma_wait3A_147 = tpu.memref_slice %arg6[%mul3A_39, %dma_wait3A_146] : memref<1250x512xf32, #tpu.memory_space<hbm>> -> memref<1x512xf32, #tpu.memory_space<hbm>>
        %dma_wait3A_148 = tpu.memref_squeeze %dma_wait3A_147 : memref<1x512xf32, #tpu.memory_space<hbm>> -> memref<512xf32, #tpu.memory_space<hbm>>
        tpu.wait_dma2 semaphore(%arg28 : memref<!tpu.dma_semaphore, #tpu.memory_space<semaphore_mem>>) src(%dma_wait3A_148 : memref<512xf32, #tpu.memory_space<hbm>>) dst(%arg15 : memref<512xf32, #tpu.memory_space<vmem>>)
        %scan3A_149 = arith.constant 0 : i32
        %scan3A_150 = arith.constant 0 : i32
        %scan3A_151 = arith.constant 32 : i32
        %scan3A_152 = arith.addi %scan3A_150, %scan3A_151 : i32
        %scan3A_153 = arith.constant 1 : i32
        scf.for %scan3A_155 = %scan3A_150 to %scan3A_152 step %scan3A_153  : i32 {
          %mul3A_156 = arith.constant 16 : i32
          %mul3A_157 = arith.muli %mul3A_156, %scan3A_155 : i32
          %get3A = arith.index_cast %mul3A_157 : i32 to index
          %get3A_158 = tpu.vector_load %arg15[%get3A] {strides = array<i32>} : memref<512xf32, #tpu.memory_space<vmem>>, vector<16xf32>,
          %get3A_159 = vector.shape_cast %get3A_158 : vector<16xf32> to vector<16xf32>
          %mul3A_160 = arith.constant 4 : i32
          %mul3A_161 = arith.muli %mul3A_160, %scan3A_155 : i32
          %add3A_162 = arith.constant 0 : i32
          %add3A_163 = arith.addi %mul3A_161, %add3A_162 : i32
          %slice3A = vector.extract_strided_slice %get3A_159 {offsets = [0], sizes = [1], strides = [1]} : vector<16xf32> to vector<1xf32>
          %squeeze3A = vector.extract %slice3A[0] : f32 from vector<1xf32>
          %slice3A_164 = vector.extract_strided_slice %get3A_159 {offsets = [1], sizes = [1], strides = [1]} : vector<16xf32> to vector<1xf32>
          %squeeze3A_165 = vector.extract %slice3A_164[0] : f32 from vector<1xf32>
          %slice3A_166 = vector.extract_strided_slice %get3A_159 {offsets = [2], sizes = [1], strides = [1]} : vector<16xf32> to vector<1xf32>
          %squeeze3A_167 = vector.extract %slice3A_166[0] : f32 from vector<1xf32>
          %slice3A_168 = vector.extract_strided_slice %get3A_159 {offsets = [3], sizes = [1], strides = [1]} : vector<16xf32> to vector<1xf32>
          %squeeze3A_169 = vector.extract %slice3A_168[0] : f32 from vector<1xf32>
          %get3A_170 = arith.index_cast %add3A_163 : i32 to index
          %get3A_171 = arith.constant 64 : index
          %get3A_172 = tpu.vector_load %arg19[%get3A_170, %get3A_171] {strides = array<i32>} : memref<128x80xf32, #tpu.memory_space<vmem>>, vector<1x16xf32>,
          %get3A_173 = vector.shape_cast %get3A_172 : vector<1x16xf32> to vector<16xf32>
          %get3A_174 = arith.index_cast %add3A_163 : i32 to index
          %get3A_175 = arith.constant 0 : index
          %get3A_176 = tpu.vector_load %arg19[%get3A_174, %get3A_175] {strides = array<i32>} : memref<128x80xf32, #tpu.memory_space<vmem>>, vector<1x16xf32>,
          %get3A_177 = vector.shape_cast %get3A_176 : vector<1x16xf32> to vector<16xf32>
          %mul3A_178 = vector.broadcast %squeeze3A : f32 to vector<16xf32>
          %mul3A_179 = arith.mulf %mul3A_178, %get3A_177 : vector<16xf32>
          %add3A_180 = arith.addf %get3A_173, %mul3A_179 : vector<16xf32>
          %get3A_181 = arith.index_cast %add3A_163 : i32 to index
          %get3A_182 = arith.constant 16 : index
          %get3A_183 = tpu.vector_load %arg19[%get3A_181, %get3A_182] {strides = array<i32>} : memref<128x80xf32, #tpu.memory_space<vmem>>, vector<1x16xf32>,
          %get3A_184 = vector.shape_cast %get3A_183 : vector<1x16xf32> to vector<16xf32>
          %mul3A_185 = vector.broadcast %squeeze3A_165 : f32 to vector<16xf32>
          %mul3A_186 = arith.mulf %mul3A_185, %get3A_184 : vector<16xf32>
          %add3A_187 = arith.addf %add3A_180, %mul3A_186 : vector<16xf32>
          %get3A_188 = arith.index_cast %add3A_163 : i32 to index
          %get3A_189 = arith.constant 32 : index
          %get3A_190 = tpu.vector_load %arg19[%get3A_188, %get3A_189] {strides = array<i32>} : memref<128x80xf32, #tpu.memory_space<vmem>>, vector<1x16xf32>,
          %get3A_191 = vector.shape_cast %get3A_190 : vector<1x16xf32> to vector<16xf32>
          %mul3A_192 = vector.broadcast %squeeze3A_167 : f32 to vector<16xf32>
          %mul3A_193 = arith.mulf %mul3A_192, %get3A_191 : vector<16xf32>
          %add3A_194 = arith.addf %add3A_187, %mul3A_193 : vector<16xf32>
          %get3A_195 = arith.index_cast %add3A_163 : i32 to index
          %get3A_196 = arith.constant 48 : index
          %get3A_197 = tpu.vector_load %arg19[%get3A_195, %get3A_196] {strides = array<i32>} : memref<128x80xf32, #tpu.memory_space<vmem>>, vector<1x16xf32>,
          %get3A_198 = vector.shape_cast %get3A_197 : vector<1x16xf32> to vector<16xf32>
          %mul3A_199 = vector.broadcast %squeeze3A_169 : f32 to vector<16xf32>
          %mul3A_200 = arith.mulf %mul3A_199, %get3A_198 : vector<16xf32>
          %add3A_201 = arith.addf %add3A_194, %mul3A_200 : vector<16xf32>
          %swap3A = arith.index_cast %add3A_163 : i32 to index
          %swap3A_202 = arith.constant 0 : index
          %swap3A_203 = tpu.vector_load %arg21[%swap3A, %swap3A_202] {strides = array<i32>} : memref<128x16xf32, #tpu.memory_space<vmem>>, vector<1x16xf32>,
          %swap3A_204 = vector.shape_cast %swap3A_203 : vector<1x16xf32> to vector<16xf32>
          %swap3A_205 = vector.shape_cast %add3A_201 : vector<16xf32> to vector<1x16xf32>
          tpu.vector_store %arg21[%swap3A, %swap3A_202], %swap3A_205 {strides = array<i32>} : memref<128x16xf32, #tpu.memory_space<vmem>>, vector<1x16xf32>,
          %mul3A_206 = arith.constant 4 : i32
          %mul3A_207 = arith.muli %mul3A_206, %scan3A_155 : i32
          %add3A_208 = arith.constant 1 : i32
          %add3A_209 = arith.addi %mul3A_207, %add3A_208 : i32
          %slice3A_210 = vector.extract_strided_slice %get3A_159 {offsets = [4], sizes = [1], strides = [1]} : vector<16xf32> to vector<1xf32>
          %squeeze3A_211 = vector.extract %slice3A_210[0] : f32 from vector<1xf32>
          %slice3A_212 = vector.extract_strided_slice %get3A_159 {offsets = [5], sizes = [1], strides = [1]} : vector<16xf32> to vector<1xf32>
          %squeeze3A_213 = vector.extract %slice3A_212[0] : f32 from vector<1xf32>
          %slice3A_214 = vector.extract_strided_slice %get3A_159 {offsets = [6], sizes = [1], strides = [1]} : vector<16xf32> to vector<1xf32>
          %squeeze3A_215 = vector.extract %slice3A_214[0] : f32 from vector<1xf32>
          %slice3A_216 = vector.extract_strided_slice %get3A_159 {offsets = [7], sizes = [1], strides = [1]} : vector<16xf32> to vector<1xf32>
          %squeeze3A_217 = vector.extract %slice3A_216[0] : f32 from vector<1xf32>
          %get3A_218 = arith.index_cast %add3A_209 : i32 to index
          %get3A_219 = arith.constant 64 : index
          %get3A_220 = tpu.vector_load %arg19[%get3A_218, %get3A_219] {strides = array<i32>} : memref<128x80xf32, #tpu.memory_space<vmem>>, vector<1x16xf32>,
          %get3A_221 = vector.shape_cast %get3A_220 : vector<1x16xf32> to vector<16xf32>
          %get3A_222 = arith.index_cast %add3A_209 : i32 to index
          %get3A_223 = arith.constant 0 : index
          %get3A_224 = tpu.vector_load %arg19[%get3A_222, %get3A_223] {strides = array<i32>} : memref<128x80xf32, #tpu.memory_space<vmem>>, vector<1x16xf32>,
          %get3A_225 = vector.shape_cast %get3A_224 : vector<1x16xf32> to vector<16xf32>
          %mul3A_226 = vector.broadcast %squeeze3A_211 : f32 to vector<16xf32>
          %mul3A_227 = arith.mulf %mul3A_226, %get3A_225 : vector<16xf32>
          %add3A_228 = arith.addf %get3A_221, %mul3A_227 : vector<16xf32>
          %get3A_229 = arith.index_cast %add3A_209 : i32 to index
          %get3A_230 = arith.constant 16 : index
          %get3A_231 = tpu.vector_load %arg19[%get3A_229, %get3A_230] {strides = array<i32>} : memref<128x80xf32, #tpu.memory_space<vmem>>, vector<1x16xf32>,
          %get3A_232 = vector.shape_cast %get3A_231 : vector<1x16xf32> to vector<16xf32>
          %mul3A_233 = vector.broadcast %squeeze3A_213 : f32 to vector<16xf32>
          %mul3A_234 = arith.mulf %mul3A_233, %get3A_232 : vector<16xf32>
          %add3A_235 = arith.addf %add3A_228, %mul3A_234 : vector<16xf32>
          %get3A_236 = arith.index_cast %add3A_209 : i32 to index
          %get3A_237 = arith.constant 32 : index
          %get3A_238 = tpu.vector_load %arg19[%get3A_236, %get3A_237] {strides = array<i32>} : memref<128x80xf32, #tpu.memory_space<vmem>>, vector<1x16xf32>,
          %get3A_239 = vector.shape_cast %get3A_238 : vector<1x16xf32> to vector<16xf32>
          %mul3A_240 = vector.broadcast %squeeze3A_215 : f32 to vector<16xf32>
          %mul3A_241 = arith.mulf %mul3A_240, %get3A_239 : vector<16xf32>
          %add3A_242 = arith.addf %add3A_235, %mul3A_241 : vector<16xf32>
          %get3A_243 = arith.index_cast %add3A_209 : i32 to index
          %get3A_244 = arith.constant 48 : index
          %get3A_245 = tpu.vector_load %arg19[%get3A_243, %get3A_244] {strides = array<i32>} : memref<128x80xf32, #tpu.memory_space<vmem>>, vector<1x16xf32>,
          %get3A_246 = vector.shape_cast %get3A_245 : vector<1x16xf32> to vector<16xf32>
          %mul3A_247 = vector.broadcast %squeeze3A_217 : f32 to vector<16xf32>
          %mul3A_248 = arith.mulf %mul3A_247, %get3A_246 : vector<16xf32>
          %add3A_249 = arith.addf %add3A_242, %mul3A_248 : vector<16xf32>
          %swap3A_250 = arith.index_cast %add3A_209 : i32 to index
          %swap3A_251 = arith.constant 0 : index
          %swap3A_252 = tpu.vector_load %arg21[%swap3A_250, %swap3A_251] {strides = array<i32>} : memref<128x16xf32, #tpu.memory_space<vmem>>, vector<1x16xf32>,
          %swap3A_253 = vector.shape_cast %swap3A_252 : vector<1x16xf32> to vector<16xf32>
          %swap3A_254 = vector.shape_cast %add3A_249 : vector<16xf32> to vector<1x16xf32>
          tpu.vector_store %arg21[%swap3A_250, %swap3A_251], %swap3A_254 {strides = array<i32>} : memref<128x16xf32, #tpu.memory_space<vmem>>, vector<1x16xf32>,
          %mul3A_255 = arith.constant 4 : i32
          %mul3A_256 = arith.muli %mul3A_255, %scan3A_155 : i32
          %add3A_257 = arith.constant 2 : i32
          %add3A_258 = arith.addi %mul3A_256, %add3A_257 : i32
          %slice3A_259 = vector.extract_strided_slice %get3A_159 {offsets = [8], sizes = [1], strides = [1]} : vector<16xf32> to vector<1xf32>
          %squeeze3A_260 = vector.extract %slice3A_259[0] : f32 from vector<1xf32>
          %slice3A_261 = vector.extract_strided_slice %get3A_159 {offsets = [9], sizes = [1], strides = [1]} : vector<16xf32> to vector<1xf32>
          %squeeze3A_262 = vector.extract %slice3A_261[0] : f32 from vector<1xf32>
          %slice3A_263 = vector.extract_strided_slice %get3A_159 {offsets = [10], sizes = [1], strides = [1]} : vector<16xf32> to vector<1xf32>
          %squeeze3A_264 = vector.extract %slice3A_263[0] : f32 from vector<1xf32>
          %slice3A_265 = vector.extract_strided_slice %get3A_159 {offsets = [11], sizes = [1], strides = [1]} : vector<16xf32> to vector<1xf32>
          %squeeze3A_266 = vector.extract %slice3A_265[0] : f32 from vector<1xf32>
          %get3A_267 = arith.index_cast %add3A_258 : i32 to index
          %get3A_268 = arith.constant 64 : index
          %get3A_269 = tpu.vector_load %arg19[%get3A_267, %get3A_268] {strides = array<i32>} : memref<128x80xf32, #tpu.memory_space<vmem>>, vector<1x16xf32>,
          %get3A_270 = vector.shape_cast %get3A_269 : vector<1x16xf32> to vector<16xf32>
          %get3A_271 = arith.index_cast %add3A_258 : i32 to index
          %get3A_272 = arith.constant 0 : index
          %get3A_273 = tpu.vector_load %arg19[%get3A_271, %get3A_272] {strides = array<i32>} : memref<128x80xf32, #tpu.memory_space<vmem>>, vector<1x16xf32>,
          %get3A_274 = vector.shape_cast %get3A_273 : vector<1x16xf32> to vector<16xf32>
          %mul3A_275 = vector.broadcast %squeeze3A_260 : f32 to vector<16xf32>
          %mul3A_276 = arith.mulf %mul3A_275, %get3A_274 : vector<16xf32>
          %add3A_277 = arith.addf %get3A_270, %mul3A_276 : vector<16xf32>
          %get3A_278 = arith.index_cast %add3A_258 : i32 to index
          %get3A_279 = arith.constant 16 : index
          %get3A_280 = tpu.vector_load %arg19[%get3A_278, %get3A_279] {strides = array<i32>} : memref<128x80xf32, #tpu.memory_space<vmem>>, vector<1x16xf32>,
          %get3A_281 = vector.shape_cast %get3A_280 : vector<1x16xf32> to vector<16xf32>
          %mul3A_282 = vector.broadcast %squeeze3A_262 : f32 to vector<16xf32>
          %mul3A_283 = arith.mulf %mul3A_282, %get3A_281 : vector<16xf32>
          %add3A_284 = arith.addf %add3A_277, %mul3A_283 : vector<16xf32>
          %get3A_285 = arith.index_cast %add3A_258 : i32 to index
          %get3A_286 = arith.constant 32 : index
          %get3A_287 = tpu.vector_load %arg19[%get3A_285, %get3A_286] {strides = array<i32>} : memref<128x80xf32, #tpu.memory_space<vmem>>, vector<1x16xf32>,
          %get3A_288 = vector.shape_cast %get3A_287 : vector<1x16xf32> to vector<16xf32>
          %mul3A_289 = vector.broadcast %squeeze3A_264 : f32 to vector<16xf32>
          %mul3A_290 = arith.mulf %mul3A_289, %get3A_288 : vector<16xf32>
          %add3A_291 = arith.addf %add3A_284, %mul3A_290 : vector<16xf32>
          %get3A_292 = arith.index_cast %add3A_258 : i32 to index
          %get3A_293 = arith.constant 48 : index
          %get3A_294 = tpu.vector_load %arg19[%get3A_292, %get3A_293] {strides = array<i32>} : memref<128x80xf32, #tpu.memory_space<vmem>>, vector<1x16xf32>,
          %get3A_295 = vector.shape_cast %get3A_294 : vector<1x16xf32> to vector<16xf32>
          %mul3A_296 = vector.broadcast %squeeze3A_266 : f32 to vector<16xf32>
          %mul3A_297 = arith.mulf %mul3A_296, %get3A_295 : vector<16xf32>
          %add3A_298 = arith.addf %add3A_291, %mul3A_297 : vector<16xf32>
          %swap3A_299 = arith.index_cast %add3A_258 : i32 to index
          %swap3A_300 = arith.constant 0 : index
          %swap3A_301 = tpu.vector_load %arg21[%swap3A_299, %swap3A_300] {strides = array<i32>} : memref<128x16xf32, #tpu.memory_space<vmem>>, vector<1x16xf32>,
          %swap3A_302 = vector.shape_cast %swap3A_301 : vector<1x16xf32> to vector<16xf32>
          %swap3A_303 = vector.shape_cast %add3A_298 : vector<16xf32> to vector<1x16xf32>
          tpu.vector_store %arg21[%swap3A_299, %swap3A_300], %swap3A_303 {strides = array<i32>} : memref<128x16xf32, #tpu.memory_space<vmem>>, vector<1x16xf32>,
          %mul3A_304 = arith.constant 4 : i32
          %mul3A_305 = arith.muli %mul3A_304, %scan3A_155 : i32
          %add3A_306 = arith.constant 3 : i32
          %add3A_307 = arith.addi %mul3A_305, %add3A_306 : i32
          %slice3A_308 = vector.extract_strided_slice %get3A_159 {offsets = [12], sizes = [1], strides = [1]} : vector<16xf32> to vector<1xf32>
          %squeeze3A_309 = vector.extract %slice3A_308[0] : f32 from vector<1xf32>
          %slice3A_310 = vector.extract_strided_slice %get3A_159 {offsets = [13], sizes = [1], strides = [1]} : vector<16xf32> to vector<1xf32>
          %squeeze3A_311 = vector.extract %slice3A_310[0] : f32 from vector<1xf32>
          %slice3A_312 = vector.extract_strided_slice %get3A_159 {offsets = [14], sizes = [1], strides = [1]} : vector<16xf32> to vector<1xf32>
          %squeeze3A_313 = vector.extract %slice3A_312[0] : f32 from vector<1xf32>
          %slice3A_314 = vector.extract_strided_slice %get3A_159 {offsets = [15], sizes = [1], strides = [1]} : vector<16xf32> to vector<1xf32>
          %squeeze3A_315 = vector.extract %slice3A_314[0] : f32 from vector<1xf32>
          %get3A_316 = arith.index_cast %add3A_307 : i32 to index
          %get3A_317 = arith.constant 64 : index
          %get3A_318 = tpu.vector_load %arg19[%get3A_316, %get3A_317] {strides = array<i32>} : memref<128x80xf32, #tpu.memory_space<vmem>>, vector<1x16xf32>,
          %get3A_319 = vector.shape_cast %get3A_318 : vector<1x16xf32> to vector<16xf32>
          %get3A_320 = arith.index_cast %add3A_307 : i32 to index
          %get3A_321 = arith.constant 0 : index
          %get3A_322 = tpu.vector_load %arg19[%get3A_320, %get3A_321] {strides = array<i32>} : memref<128x80xf32, #tpu.memory_space<vmem>>, vector<1x16xf32>,
          %get3A_323 = vector.shape_cast %get3A_322 : vector<1x16xf32> to vector<16xf32>
          %mul3A_324 = vector.broadcast %squeeze3A_309 : f32 to vector<16xf32>
          %mul3A_325 = arith.mulf %mul3A_324, %get3A_323 : vector<16xf32>
          %add3A_326 = arith.addf %get3A_319, %mul3A_325 : vector<16xf32>
          %get3A_327 = arith.index_cast %add3A_307 : i32 to index
          %get3A_328 = arith.constant 16 : index
          %get3A_329 = tpu.vector_load %arg19[%get3A_327, %get3A_328] {strides = array<i32>} : memref<128x80xf32, #tpu.memory_space<vmem>>, vector<1x16xf32>,
          %get3A_330 = vector.shape_cast %get3A_329 : vector<1x16xf32> to vector<16xf32>
          %mul3A_331 = vector.broadcast %squeeze3A_311 : f32 to vector<16xf32>
          %mul3A_332 = arith.mulf %mul3A_331, %get3A_330 : vector<16xf32>
          %add3A_333 = arith.addf %add3A_326, %mul3A_332 : vector<16xf32>
          %get3A_334 = arith.index_cast %add3A_307 : i32 to index
          %get3A_335 = arith.constant 32 : index
          %get3A_336 = tpu.vector_load %arg19[%get3A_334, %get3A_335] {strides = array<i32>} : memref<128x80xf32, #tpu.memory_space<vmem>>, vector<1x16xf32>,
          %get3A_337 = vector.shape_cast %get3A_336 : vector<1x16xf32> to vector<16xf32>
          %mul3A_338 = vector.broadcast %squeeze3A_313 : f32 to vector<16xf32>
          %mul3A_339 = arith.mulf %mul3A_338, %get3A_337 : vector<16xf32>
          %add3A_340 = arith.addf %add3A_333, %mul3A_339 : vector<16xf32>
          %get3A_341 = arith.index_cast %add3A_307 : i32 to index
          %get3A_342 = arith.constant 48 : index
          %get3A_343 = tpu.vector_load %arg19[%get3A_341, %get3A_342] {strides = array<i32>} : memref<128x80xf32, #tpu.memory_space<vmem>>, vector<1x16xf32>,
          %get3A_344 = vector.shape_cast %get3A_343 : vector<1x16xf32> to vector<16xf32>
          %mul3A_345 = vector.broadcast %squeeze3A_315 : f32 to vector<16xf32>
          %mul3A_346 = arith.mulf %mul3A_345, %get3A_344 : vector<16xf32>
          %add3A_347 = arith.addf %add3A_340, %mul3A_346 : vector<16xf32>
          %swap3A_348 = arith.index_cast %add3A_307 : i32 to index
          %swap3A_349 = arith.constant 0 : index
          %swap3A_350 = tpu.vector_load %arg21[%swap3A_348, %swap3A_349] {strides = array<i32>} : memref<128x16xf32, #tpu.memory_space<vmem>>, vector<1x16xf32>,
          %swap3A_351 = vector.shape_cast %swap3A_350 : vector<1x16xf32> to vector<16xf32>
          %swap3A_352 = vector.shape_cast %add3A_347 : vector<16xf32> to vector<1x16xf32>
          tpu.vector_store %arg21[%swap3A_348, %swap3A_349], %swap3A_352 {strides = array<i32>} : memref<128x16xf32, #tpu.memory_space<vmem>>, vector<1x16xf32>,
        }
        %scan3A_154 = arith.constant 32 : i32
        "tpu.region"() ({
          %run_scoped3A = tpu.sem_alloc : memref<!tpu.dma_semaphore, #tpu.memory_space<semaphore_mem>>
          %dma_start3A = arith.constant 0 : i32
          %dma_start3A_155 = tpu.memref_slice %arg12[%add3A_113, %dma_start3A] : memref<80x128xi32, #tpu.memory_space<vmem>> -> memref<1x128xi32, #tpu.memory_space<vmem>>
          %dma_start3A_156 = tpu.memref_squeeze %dma_start3A_155 : memref<1x128xi32, #tpu.memory_space<vmem>> -> memref<128xi32, #tpu.memory_space<vmem>>
          %dma_start3A_157 = arith.constant 0 : i32
          %dma_start3A_158 = arith.constant 0 : i32
          %dma_start3A_159 = tpu.memref_slice %arg9[%dma_start3A_157, %dma_start3A_158] : memref<10000x16xf32, #tpu.memory_space<vmem_shared>> -> memref<10000x16xf32, #tpu.memory_space<vmem_shared>>
          tpu.enqueue_indirect_dma source(%arg21 : memref<128x16xf32, #tpu.memory_space<vmem>>) target(%dma_start3A_159 : memref<10000x16xf32, #tpu.memory_space<vmem_shared>>) offsets(%dma_start3A_156 : memref<128xi32, #tpu.memory_space<vmem>>) semaphore(%run_scoped3A : memref<!tpu.dma_semaphore, #tpu.memory_space<semaphore_mem>>) {add = true}
          %dma_wait3A_160 = arith.constant 0 : i32
          %dma_wait3A_161 = tpu.memref_slice %arg12[%add3A_113, %dma_wait3A_160] : memref<80x128xi32, #tpu.memory_space<vmem>> -> memref<1x128xi32, #tpu.memory_space<vmem>>
          %dma_wait3A_162 = tpu.memref_squeeze %dma_wait3A_161 : memref<1x128xi32, #tpu.memory_space<vmem>> -> memref<128xi32, #tpu.memory_space<vmem>>
          %dma_wait3A_163 = arith.constant 0 : i32
          %dma_wait3A_164 = arith.constant 0 : i32
          %dma_wait3A_165 = tpu.memref_slice %arg9[%dma_wait3A_163, %dma_wait3A_164] : memref<10000x16xf32, #tpu.memory_space<vmem_shared>> -> memref<10000x16xf32, #tpu.memory_space<vmem_shared>>
          tpu.wait_indirect_dma semaphore(%run_scoped3A : memref<!tpu.dma_semaphore, #tpu.memory_space<semaphore_mem>>) src(%arg21 : memref<128x16xf32, #tpu.memory_space<vmem>>) dst(%dma_wait3A_165 : memref<10000x16xf32, #tpu.memory_space<vmem_shared>>)
          tpu.yield
        }) : () -> ()
      } else {
      }
      %add3A_118 = arith.constant 3 : i32
      %add3A_119 = arith.addi %add3A_113, %add3A_118 : i32
      %lt3A_120 = arith.cmpi slt, %add3A_119, %min3A_41 : i32
      %convert_element_type3A_121 = arith.extui %lt3A_120 : i1 to i32
      %cond3A_122 = arith.constant 0 : i32
      %cond3A_123 = arith.cmpi ne, %convert_element_type3A_121, %cond3A_122 : i32
      scf.if %cond3A_123 {
        %dma_start3A = arith.constant 0 : i32
        %dma_start3A_138 = tpu.memref_slice %arg11[%add3A_119, %dma_start3A] : memref<80x128xi32, #tpu.memory_space<vmem>> -> memref<1x128xi32, #tpu.memory_space<vmem>>
        %dma_start3A_139 = tpu.memref_squeeze %dma_start3A_138 : memref<1x128xi32, #tpu.memory_space<vmem>> -> memref<128xi32, #tpu.memory_space<vmem>>
        %dma_start3A_140 = arith.constant 0 : i32
        %dma_start3A_141 = arith.constant 0 : i32
        %dma_start3A_142 = tpu.memref_slice %arg10[%dma_start3A_140, %dma_start3A_141] : memref<10000x80xf32, #tpu.memory_space<vmem_shared>> -> memref<10000x80xf32, #tpu.memory_space<vmem_shared>>
        tpu.enqueue_indirect_dma source(%dma_start3A_142 : memref<10000x80xf32, #tpu.memory_space<vmem_shared>>) target(%arg18 : memref<128x80xf32, #tpu.memory_space<vmem>>) offsets(%dma_start3A_139 : memref<128xi32, #tpu.memory_space<vmem>>) semaphore(%arg23 : memref<!tpu.dma_semaphore, #tpu.memory_space<semaphore_mem>>)
        %add3A_143 = arith.addi %mul3A_39, %add3A_119 : i32
        %dma_start3A_144 = arith.constant 0 : i32
        %dma_start3A_145 = tpu.memref_slice %arg6[%add3A_143, %dma_start3A_144] : memref<1250x512xf32, #tpu.memory_space<hbm>> -> memref<1x512xf32, #tpu.memory_space<hbm>>
        %dma_start3A_146 = tpu.memref_squeeze %dma_start3A_145 : memref<1x512xf32, #tpu.memory_space<hbm>> -> memref<512xf32, #tpu.memory_space<hbm>>
        %dma_start3A_147 = arith.constant 0 : i32
        %dma_start3A_148 = tpu.memref_slice %arg6[%add3A_143, %dma_start3A_147] : memref<1250x512xf32, #tpu.memory_space<hbm>> -> memref<1x512xf32, #tpu.memory_space<hbm>>
        %dma_start3A_149 = tpu.memref_squeeze %dma_start3A_148 : memref<1x512xf32, #tpu.memory_space<hbm>> -> memref<512xf32, #tpu.memory_space<hbm>>
        tpu.enqueue_dma source(%dma_start3A_149 : memref<512xf32, #tpu.memory_space<hbm>>) target(%arg14 : memref<512xf32, #tpu.memory_space<vmem>>) target_semaphore(%arg27 : memref<!tpu.dma_semaphore, #tpu.memory_space<semaphore_mem>>)
      } else {
      }
      %mul3A_124 = arith.constant 4 : i32
      %mul3A_125 = arith.muli %mul3A_124, %scan3A_82 : i32
      %add3A_126 = arith.constant 3 : i32
      %add3A_127 = arith.addi %mul3A_125, %add3A_126 : i32
      %lt3A_128 = arith.cmpi slt, %add3A_127, %min3A_41 : i32
      %convert_element_type3A_129 = arith.extui %lt3A_128 : i1 to i32
      %cond3A_130 = arith.constant 0 : i32
      %cond3A_131 = arith.cmpi ne, %convert_element_type3A_129, %cond3A_130 : i32
      scf.if %cond3A_131 {
        %dma_wait3A = arith.constant 0 : i32
        %dma_wait3A_138 = tpu.memref_slice %arg11[%add3A_127, %dma_wait3A] : memref<80x128xi32, #tpu.memory_space<vmem>> -> memref<1x128xi32, #tpu.memory_space<vmem>>
        %dma_wait3A_139 = tpu.memref_squeeze %dma_wait3A_138 : memref<1x128xi32, #tpu.memory_space<vmem>> -> memref<128xi32, #tpu.memory_space<vmem>>
        %dma_wait3A_140 = arith.constant 0 : i32
        %dma_wait3A_141 = arith.constant 0 : i32
        %dma_wait3A_142 = tpu.memref_slice %arg10[%dma_wait3A_140, %dma_wait3A_141] : memref<10000x80xf32, #tpu.memory_space<vmem_shared>> -> memref<10000x80xf32, #tpu.memory_space<vmem_shared>>
        tpu.wait_indirect_dma semaphore(%arg25 : memref<!tpu.dma_semaphore, #tpu.memory_space<semaphore_mem>>) src(%dma_wait3A_142 : memref<10000x80xf32, #tpu.memory_space<vmem_shared>>) dst(%arg20 : memref<128x80xf32, #tpu.memory_space<vmem>>)
        %dma_wait3A_143 = arith.constant 0 : i32
        %dma_wait3A_144 = tpu.memref_slice %arg6[%mul3A_39, %dma_wait3A_143] : memref<1250x512xf32, #tpu.memory_space<hbm>> -> memref<1x512xf32, #tpu.memory_space<hbm>>
        %dma_wait3A_145 = tpu.memref_squeeze %dma_wait3A_144 : memref<1x512xf32, #tpu.memory_space<hbm>> -> memref<512xf32, #tpu.memory_space<hbm>>
        %dma_wait3A_146 = arith.constant 0 : i32
        %dma_wait3A_147 = tpu.memref_slice %arg6[%mul3A_39, %dma_wait3A_146] : memref<1250x512xf32, #tpu.memory_space<hbm>> -> memref<1x512xf32, #tpu.memory_space<hbm>>
        %dma_wait3A_148 = tpu.memref_squeeze %dma_wait3A_147 : memref<1x512xf32, #tpu.memory_space<hbm>> -> memref<512xf32, #tpu.memory_space<hbm>>
        tpu.wait_dma2 semaphore(%arg29 : memref<!tpu.dma_semaphore, #tpu.memory_space<semaphore_mem>>) src(%dma_wait3A_148 : memref<512xf32, #tpu.memory_space<hbm>>) dst(%arg16 : memref<512xf32, #tpu.memory_space<vmem>>)
        %scan3A_149 = arith.constant 0 : i32
        %scan3A_150 = arith.constant 0 : i32
        %scan3A_151 = arith.constant 32 : i32
        %scan3A_152 = arith.addi %scan3A_150, %scan3A_151 : i32
        %scan3A_153 = arith.constant 1 : i32
        scf.for %scan3A_155 = %scan3A_150 to %scan3A_152 step %scan3A_153  : i32 {
          %mul3A_156 = arith.constant 16 : i32
          %mul3A_157 = arith.muli %mul3A_156, %scan3A_155 : i32
          %get3A = arith.index_cast %mul3A_157 : i32 to index
          %get3A_158 = tpu.vector_load %arg16[%get3A] {strides = array<i32>} : memref<512xf32, #tpu.memory_space<vmem>>, vector<16xf32>,
          %get3A_159 = vector.shape_cast %get3A_158 : vector<16xf32> to vector<16xf32>
          %mul3A_160 = arith.constant 4 : i32
          %mul3A_161 = arith.muli %mul3A_160, %scan3A_155 : i32
          %add3A_162 = arith.constant 0 : i32
          %add3A_163 = arith.addi %mul3A_161, %add3A_162 : i32
          %slice3A = vector.extract_strided_slice %get3A_159 {offsets = [0], sizes = [1], strides = [1]} : vector<16xf32> to vector<1xf32>
          %squeeze3A = vector.extract %slice3A[0] : f32 from vector<1xf32>
          %slice3A_164 = vector.extract_strided_slice %get3A_159 {offsets = [1], sizes = [1], strides = [1]} : vector<16xf32> to vector<1xf32>
          %squeeze3A_165 = vector.extract %slice3A_164[0] : f32 from vector<1xf32>
          %slice3A_166 = vector.extract_strided_slice %get3A_159 {offsets = [2], sizes = [1], strides = [1]} : vector<16xf32> to vector<1xf32>
          %squeeze3A_167 = vector.extract %slice3A_166[0] : f32 from vector<1xf32>
          %slice3A_168 = vector.extract_strided_slice %get3A_159 {offsets = [3], sizes = [1], strides = [1]} : vector<16xf32> to vector<1xf32>
          %squeeze3A_169 = vector.extract %slice3A_168[0] : f32 from vector<1xf32>
          %get3A_170 = arith.index_cast %add3A_163 : i32 to index
          %get3A_171 = arith.constant 64 : index
          %get3A_172 = tpu.vector_load %arg20[%get3A_170, %get3A_171] {strides = array<i32>} : memref<128x80xf32, #tpu.memory_space<vmem>>, vector<1x16xf32>,
          %get3A_173 = vector.shape_cast %get3A_172 : vector<1x16xf32> to vector<16xf32>
          %get3A_174 = arith.index_cast %add3A_163 : i32 to index
          %get3A_175 = arith.constant 0 : index
          %get3A_176 = tpu.vector_load %arg20[%get3A_174, %get3A_175] {strides = array<i32>} : memref<128x80xf32, #tpu.memory_space<vmem>>, vector<1x16xf32>,
          %get3A_177 = vector.shape_cast %get3A_176 : vector<1x16xf32> to vector<16xf32>
          %mul3A_178 = vector.broadcast %squeeze3A : f32 to vector<16xf32>
          %mul3A_179 = arith.mulf %mul3A_178, %get3A_177 : vector<16xf32>
          %add3A_180 = arith.addf %get3A_173, %mul3A_179 : vector<16xf32>
          %get3A_181 = arith.index_cast %add3A_163 : i32 to index
          %get3A_182 = arith.constant 16 : index
          %get3A_183 = tpu.vector_load %arg20[%get3A_181, %get3A_182] {strides = array<i32>} : memref<128x80xf32, #tpu.memory_space<vmem>>, vector<1x16xf32>,
          %get3A_184 = vector.shape_cast %get3A_183 : vector<1x16xf32> to vector<16xf32>
          %mul3A_185 = vector.broadcast %squeeze3A_165 : f32 to vector<16xf32>
          %mul3A_186 = arith.mulf %mul3A_185, %get3A_184 : vector<16xf32>
          %add3A_187 = arith.addf %add3A_180, %mul3A_186 : vector<16xf32>
          %get3A_188 = arith.index_cast %add3A_163 : i32 to index
          %get3A_189 = arith.constant 32 : index
          %get3A_190 = tpu.vector_load %arg20[%get3A_188, %get3A_189] {strides = array<i32>} : memref<128x80xf32, #tpu.memory_space<vmem>>, vector<1x16xf32>,
          %get3A_191 = vector.shape_cast %get3A_190 : vector<1x16xf32> to vector<16xf32>
          %mul3A_192 = vector.broadcast %squeeze3A_167 : f32 to vector<16xf32>
          %mul3A_193 = arith.mulf %mul3A_192, %get3A_191 : vector<16xf32>
          %add3A_194 = arith.addf %add3A_187, %mul3A_193 : vector<16xf32>
          %get3A_195 = arith.index_cast %add3A_163 : i32 to index
          %get3A_196 = arith.constant 48 : index
          %get3A_197 = tpu.vector_load %arg20[%get3A_195, %get3A_196] {strides = array<i32>} : memref<128x80xf32, #tpu.memory_space<vmem>>, vector<1x16xf32>,
          %get3A_198 = vector.shape_cast %get3A_197 : vector<1x16xf32> to vector<16xf32>
          %mul3A_199 = vector.broadcast %squeeze3A_169 : f32 to vector<16xf32>
          %mul3A_200 = arith.mulf %mul3A_199, %get3A_198 : vector<16xf32>
          %add3A_201 = arith.addf %add3A_194, %mul3A_200 : vector<16xf32>
          %swap3A = arith.index_cast %add3A_163 : i32 to index
          %swap3A_202 = arith.constant 0 : index
          %swap3A_203 = tpu.vector_load %arg21[%swap3A, %swap3A_202] {strides = array<i32>} : memref<128x16xf32, #tpu.memory_space<vmem>>, vector<1x16xf32>,
          %swap3A_204 = vector.shape_cast %swap3A_203 : vector<1x16xf32> to vector<16xf32>
          %swap3A_205 = vector.shape_cast %add3A_201 : vector<16xf32> to vector<1x16xf32>
          tpu.vector_store %arg21[%swap3A, %swap3A_202], %swap3A_205 {strides = array<i32>} : memref<128x16xf32, #tpu.memory_space<vmem>>, vector<1x16xf32>,
          %mul3A_206 = arith.constant 4 : i32
          %mul3A_207 = arith.muli %mul3A_206, %scan3A_155 : i32
          %add3A_208 = arith.constant 1 : i32
          %add3A_209 = arith.addi %mul3A_207, %add3A_208 : i32
          %slice3A_210 = vector.extract_strided_slice %get3A_159 {offsets = [4], sizes = [1], strides = [1]} : vector<16xf32> to vector<1xf32>
          %squeeze3A_211 = vector.extract %slice3A_210[0] : f32 from vector<1xf32>
          %slice3A_212 = vector.extract_strided_slice %get3A_159 {offsets = [5], sizes = [1], strides = [1]} : vector<16xf32> to vector<1xf32>
          %squeeze3A_213 = vector.extract %slice3A_212[0] : f32 from vector<1xf32>
          %slice3A_214 = vector.extract_strided_slice %get3A_159 {offsets = [6], sizes = [1], strides = [1]} : vector<16xf32> to vector<1xf32>
          %squeeze3A_215 = vector.extract %slice3A_214[0] : f32 from vector<1xf32>
          %slice3A_216 = vector.extract_strided_slice %get3A_159 {offsets = [7], sizes = [1], strides = [1]} : vector<16xf32> to vector<1xf32>
          %squeeze3A_217 = vector.extract %slice3A_216[0] : f32 from vector<1xf32>
          %get3A_218 = arith.index_cast %add3A_209 : i32 to index
          %get3A_219 = arith.constant 64 : index
          %get3A_220 = tpu.vector_load %arg20[%get3A_218, %get3A_219] {strides = array<i32>} : memref<128x80xf32, #tpu.memory_space<vmem>>, vector<1x16xf32>,
          %get3A_221 = vector.shape_cast %get3A_220 : vector<1x16xf32> to vector<16xf32>
          %get3A_222 = arith.index_cast %add3A_209 : i32 to index
          %get3A_223 = arith.constant 0 : index
          %get3A_224 = tpu.vector_load %arg20[%get3A_222, %get3A_223] {strides = array<i32>} : memref<128x80xf32, #tpu.memory_space<vmem>>, vector<1x16xf32>,
          %get3A_225 = vector.shape_cast %get3A_224 : vector<1x16xf32> to vector<16xf32>
          %mul3A_226 = vector.broadcast %squeeze3A_211 : f32 to vector<16xf32>
          %mul3A_227 = arith.mulf %mul3A_226, %get3A_225 : vector<16xf32>
          %add3A_228 = arith.addf %get3A_221, %mul3A_227 : vector<16xf32>
          %get3A_229 = arith.index_cast %add3A_209 : i32 to index
          %get3A_230 = arith.constant 16 : index
          %get3A_231 = tpu.vector_load %arg20[%get3A_229, %get3A_230] {strides = array<i32>} : memref<128x80xf32, #tpu.memory_space<vmem>>, vector<1x16xf32>,
          %get3A_232 = vector.shape_cast %get3A_231 : vector<1x16xf32> to vector<16xf32>
          %mul3A_233 = vector.broadcast %squeeze3A_213 : f32 to vector<16xf32>
          %mul3A_234 = arith.mulf %mul3A_233, %get3A_232 : vector<16xf32>
          %add3A_235 = arith.addf %add3A_228, %mul3A_234 : vector<16xf32>
          %get3A_236 = arith.index_cast %add3A_209 : i32 to index
          %get3A_237 = arith.constant 32 : index
          %get3A_238 = tpu.vector_load %arg20[%get3A_236, %get3A_237] {strides = array<i32>} : memref<128x80xf32, #tpu.memory_space<vmem>>, vector<1x16xf32>,
          %get3A_239 = vector.shape_cast %get3A_238 : vector<1x16xf32> to vector<16xf32>
          %mul3A_240 = vector.broadcast %squeeze3A_215 : f32 to vector<16xf32>
          %mul3A_241 = arith.mulf %mul3A_240, %get3A_239 : vector<16xf32>
          %add3A_242 = arith.addf %add3A_235, %mul3A_241 : vector<16xf32>
          %get3A_243 = arith.index_cast %add3A_209 : i32 to index
          %get3A_244 = arith.constant 48 : index
          %get3A_245 = tpu.vector_load %arg20[%get3A_243, %get3A_244] {strides = array<i32>} : memref<128x80xf32, #tpu.memory_space<vmem>>, vector<1x16xf32>,
          %get3A_246 = vector.shape_cast %get3A_245 : vector<1x16xf32> to vector<16xf32>
          %mul3A_247 = vector.broadcast %squeeze3A_217 : f32 to vector<16xf32>
          %mul3A_248 = arith.mulf %mul3A_247, %get3A_246 : vector<16xf32>
          %add3A_249 = arith.addf %add3A_242, %mul3A_248 : vector<16xf32>
          %swap3A_250 = arith.index_cast %add3A_209 : i32 to index
          %swap3A_251 = arith.constant 0 : index
          %swap3A_252 = tpu.vector_load %arg21[%swap3A_250, %swap3A_251] {strides = array<i32>} : memref<128x16xf32, #tpu.memory_space<vmem>>, vector<1x16xf32>,
          %swap3A_253 = vector.shape_cast %swap3A_252 : vector<1x16xf32> to vector<16xf32>
          %swap3A_254 = vector.shape_cast %add3A_249 : vector<16xf32> to vector<1x16xf32>
          tpu.vector_store %arg21[%swap3A_250, %swap3A_251], %swap3A_254 {strides = array<i32>} : memref<128x16xf32, #tpu.memory_space<vmem>>, vector<1x16xf32>,
          %mul3A_255 = arith.constant 4 : i32
          %mul3A_256 = arith.muli %mul3A_255, %scan3A_155 : i32
          %add3A_257 = arith.constant 2 : i32
          %add3A_258 = arith.addi %mul3A_256, %add3A_257 : i32
          %slice3A_259 = vector.extract_strided_slice %get3A_159 {offsets = [8], sizes = [1], strides = [1]} : vector<16xf32> to vector<1xf32>
          %squeeze3A_260 = vector.extract %slice3A_259[0] : f32 from vector<1xf32>
          %slice3A_261 = vector.extract_strided_slice %get3A_159 {offsets = [9], sizes = [1], strides = [1]} : vector<16xf32> to vector<1xf32>
          %squeeze3A_262 = vector.extract %slice3A_261[0] : f32 from vector<1xf32>
          %slice3A_263 = vector.extract_strided_slice %get3A_159 {offsets = [10], sizes = [1], strides = [1]} : vector<16xf32> to vector<1xf32>
          %squeeze3A_264 = vector.extract %slice3A_263[0] : f32 from vector<1xf32>
          %slice3A_265 = vector.extract_strided_slice %get3A_159 {offsets = [11], sizes = [1], strides = [1]} : vector<16xf32> to vector<1xf32>
          %squeeze3A_266 = vector.extract %slice3A_265[0] : f32 from vector<1xf32>
          %get3A_267 = arith.index_cast %add3A_258 : i32 to index
          %get3A_268 = arith.constant 64 : index
          %get3A_269 = tpu.vector_load %arg20[%get3A_267, %get3A_268] {strides = array<i32>} : memref<128x80xf32, #tpu.memory_space<vmem>>, vector<1x16xf32>,
          %get3A_270 = vector.shape_cast %get3A_269 : vector<1x16xf32> to vector<16xf32>
          %get3A_271 = arith.index_cast %add3A_258 : i32 to index
          %get3A_272 = arith.constant 0 : index
          %get3A_273 = tpu.vector_load %arg20[%get3A_271, %get3A_272] {strides = array<i32>} : memref<128x80xf32, #tpu.memory_space<vmem>>, vector<1x16xf32>,
          %get3A_274 = vector.shape_cast %get3A_273 : vector<1x16xf32> to vector<16xf32>
          %mul3A_275 = vector.broadcast %squeeze3A_260 : f32 to vector<16xf32>
          %mul3A_276 = arith.mulf %mul3A_275, %get3A_274 : vector<16xf32>
          %add3A_277 = arith.addf %get3A_270, %mul3A_276 : vector<16xf32>
          %get3A_278 = arith.index_cast %add3A_258 : i32 to index
          %get3A_279 = arith.constant 16 : index
          %get3A_280 = tpu.vector_load %arg20[%get3A_278, %get3A_279] {strides = array<i32>} : memref<128x80xf32, #tpu.memory_space<vmem>>, vector<1x16xf32>,
          %get3A_281 = vector.shape_cast %get3A_280 : vector<1x16xf32> to vector<16xf32>
          %mul3A_282 = vector.broadcast %squeeze3A_262 : f32 to vector<16xf32>
          %mul3A_283 = arith.mulf %mul3A_282, %get3A_281 : vector<16xf32>
          %add3A_284 = arith.addf %add3A_277, %mul3A_283 : vector<16xf32>
          %get3A_285 = arith.index_cast %add3A_258 : i32 to index
          %get3A_286 = arith.constant 32 : index
          %get3A_287 = tpu.vector_load %arg20[%get3A_285, %get3A_286] {strides = array<i32>} : memref<128x80xf32, #tpu.memory_space<vmem>>, vector<1x16xf32>,
          %get3A_288 = vector.shape_cast %get3A_287 : vector<1x16xf32> to vector<16xf32>
          %mul3A_289 = vector.broadcast %squeeze3A_264 : f32 to vector<16xf32>
          %mul3A_290 = arith.mulf %mul3A_289, %get3A_288 : vector<16xf32>
          %add3A_291 = arith.addf %add3A_284, %mul3A_290 : vector<16xf32>
          %get3A_292 = arith.index_cast %add3A_258 : i32 to index
          %get3A_293 = arith.constant 48 : index
          %get3A_294 = tpu.vector_load %arg20[%get3A_292, %get3A_293] {strides = array<i32>} : memref<128x80xf32, #tpu.memory_space<vmem>>, vector<1x16xf32>,
          %get3A_295 = vector.shape_cast %get3A_294 : vector<1x16xf32> to vector<16xf32>
          %mul3A_296 = vector.broadcast %squeeze3A_266 : f32 to vector<16xf32>
          %mul3A_297 = arith.mulf %mul3A_296, %get3A_295 : vector<16xf32>
          %add3A_298 = arith.addf %add3A_291, %mul3A_297 : vector<16xf32>
          %swap3A_299 = arith.index_cast %add3A_258 : i32 to index
          %swap3A_300 = arith.constant 0 : index
          %swap3A_301 = tpu.vector_load %arg21[%swap3A_299, %swap3A_300] {strides = array<i32>} : memref<128x16xf32, #tpu.memory_space<vmem>>, vector<1x16xf32>,
          %swap3A_302 = vector.shape_cast %swap3A_301 : vector<1x16xf32> to vector<16xf32>
          %swap3A_303 = vector.shape_cast %add3A_298 : vector<16xf32> to vector<1x16xf32>
          tpu.vector_store %arg21[%swap3A_299, %swap3A_300], %swap3A_303 {strides = array<i32>} : memref<128x16xf32, #tpu.memory_space<vmem>>, vector<1x16xf32>,
          %mul3A_304 = arith.constant 4 : i32
          %mul3A_305 = arith.muli %mul3A_304, %scan3A_155 : i32
          %add3A_306 = arith.constant 3 : i32
          %add3A_307 = arith.addi %mul3A_305, %add3A_306 : i32
          %slice3A_308 = vector.extract_strided_slice %get3A_159 {offsets = [12], sizes = [1], strides = [1]} : vector<16xf32> to vector<1xf32>
          %squeeze3A_309 = vector.extract %slice3A_308[0] : f32 from vector<1xf32>
          %slice3A_310 = vector.extract_strided_slice %get3A_159 {offsets = [13], sizes = [1], strides = [1]} : vector<16xf32> to vector<1xf32>
          %squeeze3A_311 = vector.extract %slice3A_310[0] : f32 from vector<1xf32>
          %slice3A_312 = vector.extract_strided_slice %get3A_159 {offsets = [14], sizes = [1], strides = [1]} : vector<16xf32> to vector<1xf32>
          %squeeze3A_313 = vector.extract %slice3A_312[0] : f32 from vector<1xf32>
          %slice3A_314 = vector.extract_strided_slice %get3A_159 {offsets = [15], sizes = [1], strides = [1]} : vector<16xf32> to vector<1xf32>
          %squeeze3A_315 = vector.extract %slice3A_314[0] : f32 from vector<1xf32>
          %get3A_316 = arith.index_cast %add3A_307 : i32 to index
          %get3A_317 = arith.constant 64 : index
          %get3A_318 = tpu.vector_load %arg20[%get3A_316, %get3A_317] {strides = array<i32>} : memref<128x80xf32, #tpu.memory_space<vmem>>, vector<1x16xf32>,
          %get3A_319 = vector.shape_cast %get3A_318 : vector<1x16xf32> to vector<16xf32>
          %get3A_320 = arith.index_cast %add3A_307 : i32 to index
          %get3A_321 = arith.constant 0 : index
          %get3A_322 = tpu.vector_load %arg20[%get3A_320, %get3A_321] {strides = array<i32>} : memref<128x80xf32, #tpu.memory_space<vmem>>, vector<1x16xf32>,
          %get3A_323 = vector.shape_cast %get3A_322 : vector<1x16xf32> to vector<16xf32>
          %mul3A_324 = vector.broadcast %squeeze3A_309 : f32 to vector<16xf32>
          %mul3A_325 = arith.mulf %mul3A_324, %get3A_323 : vector<16xf32>
          %add3A_326 = arith.addf %get3A_319, %mul3A_325 : vector<16xf32>
          %get3A_327 = arith.index_cast %add3A_307 : i32 to index
          %get3A_328 = arith.constant 16 : index
          %get3A_329 = tpu.vector_load %arg20[%get3A_327, %get3A_328] {strides = array<i32>} : memref<128x80xf32, #tpu.memory_space<vmem>>, vector<1x16xf32>,
          %get3A_330 = vector.shape_cast %get3A_329 : vector<1x16xf32> to vector<16xf32>
          %mul3A_331 = vector.broadcast %squeeze3A_311 : f32 to vector<16xf32>
          %mul3A_332 = arith.mulf %mul3A_331, %get3A_330 : vector<16xf32>
          %add3A_333 = arith.addf %add3A_326, %mul3A_332 : vector<16xf32>
          %get3A_334 = arith.index_cast %add3A_307 : i32 to index
          %get3A_335 = arith.constant 32 : index
          %get3A_336 = tpu.vector_load %arg20[%get3A_334, %get3A_335] {strides = array<i32>} : memref<128x80xf32, #tpu.memory_space<vmem>>, vector<1x16xf32>,
          %get3A_337 = vector.shape_cast %get3A_336 : vector<1x16xf32> to vector<16xf32>
          %mul3A_338 = vector.broadcast %squeeze3A_313 : f32 to vector<16xf32>
          %mul3A_339 = arith.mulf %mul3A_338, %get3A_337 : vector<16xf32>
          %add3A_340 = arith.addf %add3A_333, %mul3A_339 : vector<16xf32>
          %get3A_341 = arith.index_cast %add3A_307 : i32 to index
          %get3A_342 = arith.constant 48 : index
          %get3A_343 = tpu.vector_load %arg20[%get3A_341, %get3A_342] {strides = array<i32>} : memref<128x80xf32, #tpu.memory_space<vmem>>, vector<1x16xf32>,
          %get3A_344 = vector.shape_cast %get3A_343 : vector<1x16xf32> to vector<16xf32>
          %mul3A_345 = vector.broadcast %squeeze3A_315 : f32 to vector<16xf32>
          %mul3A_346 = arith.mulf %mul3A_345, %get3A_344 : vector<16xf32>
          %add3A_347 = arith.addf %add3A_340, %mul3A_346 : vector<16xf32>
          %swap3A_348 = arith.index_cast %add3A_307 : i32 to index
          %swap3A_349 = arith.constant 0 : index
          %swap3A_350 = tpu.vector_load %arg21[%swap3A_348, %swap3A_349] {strides = array<i32>} : memref<128x16xf32, #tpu.memory_space<vmem>>, vector<1x16xf32>,
          %swap3A_351 = vector.shape_cast %swap3A_350 : vector<1x16xf32> to vector<16xf32>
          %swap3A_352 = vector.shape_cast %add3A_347 : vector<16xf32> to vector<1x16xf32>
          tpu.vector_store %arg21[%swap3A_348, %swap3A_349], %swap3A_352 {strides = array<i32>} : memref<128x16xf32, #tpu.memory_space<vmem>>, vector<1x16xf32>,
        }
        %scan3A_154 = arith.constant 32 : i32
        "tpu.region"() ({
          %run_scoped3A = tpu.sem_alloc : memref<!tpu.dma_semaphore, #tpu.memory_space<semaphore_mem>>
          %dma_start3A = arith.constant 0 : i32
          %dma_start3A_155 = tpu.memref_slice %arg12[%add3A_127, %dma_start3A] : memref<80x128xi32, #tpu.memory_space<vmem>> -> memref<1x128xi32, #tpu.memory_space<vmem>>
          %dma_start3A_156 = tpu.memref_squeeze %dma_start3A_155 : memref<1x128xi32, #tpu.memory_space<vmem>> -> memref<128xi32, #tpu.memory_space<vmem>>
          %dma_start3A_157 = arith.constant 0 : i32
          %dma_start3A_158 = arith.constant 0 : i32
          %dma_start3A_159 = tpu.memref_slice %arg9[%dma_start3A_157, %dma_start3A_158] : memref<10000x16xf32, #tpu.memory_space<vmem_shared>> -> memref<10000x16xf32, #tpu.memory_space<vmem_shared>>
          tpu.enqueue_indirect_dma source(%arg21 : memref<128x16xf32, #tpu.memory_space<vmem>>) target(%dma_start3A_159 : memref<10000x16xf32, #tpu.memory_space<vmem_shared>>) offsets(%dma_start3A_156 : memref<128xi32, #tpu.memory_space<vmem>>) semaphore(%run_scoped3A : memref<!tpu.dma_semaphore, #tpu.memory_space<semaphore_mem>>) {add = true}
          %dma_wait3A_160 = arith.constant 0 : i32
          %dma_wait3A_161 = tpu.memref_slice %arg12[%add3A_127, %dma_wait3A_160] : memref<80x128xi32, #tpu.memory_space<vmem>> -> memref<1x128xi32, #tpu.memory_space<vmem>>
          %dma_wait3A_162 = tpu.memref_squeeze %dma_wait3A_161 : memref<1x128xi32, #tpu.memory_space<vmem>> -> memref<128xi32, #tpu.memory_space<vmem>>
          %dma_wait3A_163 = arith.constant 0 : i32
          %dma_wait3A_164 = arith.constant 0 : i32
          %dma_wait3A_165 = tpu.memref_slice %arg9[%dma_wait3A_163, %dma_wait3A_164] : memref<10000x16xf32, #tpu.memory_space<vmem_shared>> -> memref<10000x16xf32, #tpu.memory_space<vmem_shared>>
          tpu.wait_indirect_dma semaphore(%run_scoped3A : memref<!tpu.dma_semaphore, #tpu.memory_space<semaphore_mem>>) src(%arg21 : memref<128x16xf32, #tpu.memory_space<vmem>>) dst(%dma_wait3A_165 : memref<10000x16xf32, #tpu.memory_space<vmem_shared>>)
          tpu.yield
        }) : () -> ()
      } else {
      }
      %add3A_132 = arith.constant 3 : i32
      %add3A_133 = arith.addi %add3A_127, %add3A_132 : i32
      %lt3A_134 = arith.cmpi slt, %add3A_133, %min3A_41 : i32
      %convert_element_type3A_135 = arith.extui %lt3A_134 : i1 to i32
      %cond3A_136 = arith.constant 0 : i32
      %cond3A_137 = arith.cmpi ne, %convert_element_type3A_135, %cond3A_136 : i32
      scf.if %cond3A_137 {
        %dma_start3A = arith.constant 0 : i32
        %dma_start3A_138 = tpu.memref_slice %arg11[%add3A_133, %dma_start3A] : memref<80x128xi32, #tpu.memory_space<vmem>> -> memref<1x128xi32, #tpu.memory_space<vmem>>
        %dma_start3A_139 = tpu.memref_squeeze %dma_start3A_138 : memref<1x128xi32, #tpu.memory_space<vmem>> -> memref<128xi32, #tpu.memory_space<vmem>>
        %dma_start3A_140 = arith.constant 0 : i32
        %dma_start3A_141 = arith.constant 0 : i32
        %dma_start3A_142 = tpu.memref_slice %arg10[%dma_start3A_140, %dma_start3A_141] : memref<10000x80xf32, #tpu.memory_space<vmem_shared>> -> memref<10000x80xf32, #tpu.memory_space<vmem_shared>>
        tpu.enqueue_indirect_dma source(%dma_start3A_142 : memref<10000x80xf32, #tpu.memory_space<vmem_shared>>) target(%arg19 : memref<128x80xf32, #tpu.memory_space<vmem>>) offsets(%dma_start3A_139 : memref<128xi32, #tpu.memory_space<vmem>>) semaphore(%arg24 : memref<!tpu.dma_semaphore, #tpu.memory_space<semaphore_mem>>)
        %add3A_143 = arith.addi %mul3A_39, %add3A_133 : i32
        %dma_start3A_144 = arith.constant 0 : i32
        %dma_start3A_145 = tpu.memref_slice %arg6[%add3A_143, %dma_start3A_144] : memref<1250x512xf32, #tpu.memory_space<hbm>> -> memref<1x512xf32, #tpu.memory_space<hbm>>
        %dma_start3A_146 = tpu.memref_squeeze %dma_start3A_145 : memref<1x512xf32, #tpu.memory_space<hbm>> -> memref<512xf32, #tpu.memory_space<hbm>>
        %dma_start3A_147 = arith.constant 0 : i32
        %dma_start3A_148 = tpu.memref_slice %arg6[%add3A_143, %dma_start3A_147] : memref<1250x512xf32, #tpu.memory_space<hbm>> -> memref<1x512xf32, #tpu.memory_space<hbm>>
        %dma_start3A_149 = tpu.memref_squeeze %dma_start3A_148 : memref<1x512xf32, #tpu.memory_space<hbm>> -> memref<512xf32, #tpu.memory_space<hbm>>
        tpu.enqueue_dma source(%dma_start3A_149 : memref<512xf32, #tpu.memory_space<hbm>>) target(%arg15 : memref<512xf32, #tpu.memory_space<vmem>>) target_semaphore(%arg28 : memref<!tpu.dma_semaphore, #tpu.memory_space<semaphore_mem>>)
      } else {
      }
    }
    %scan3A_70 = arith.constant 20 : i32
    %barrier3A_71 = arith.constant 0 : index
    tpu.barrier barrier_id(%barrier3A_71)
    %lt3A_72 = arith.constant 15 : i32
    %lt3A_73 = arith.cmpi slt, %arg1, %lt3A_72 : i32
    %convert_element_type3A_74 = arith.extui %lt3A_73 : i1 to i32
    %cond3A_75 = arith.constant 0 : i32
    %cond3A_76 = arith.cmpi ne, %convert_element_type3A_74, %cond3A_75 : i32
    scf.if %cond3A_76 {
      "tpu.region"() ({
        %run_scoped3A = tpu.sem_alloc : memref<!tpu.dma_semaphore, #tpu.memory_space<semaphore_mem>>
        %dma_start3A = arith.constant 0 : i32
        %dma_start3A_82 = tpu.memref_slice %arg8[%arg0, %mul3A_0, %dma_start3A] : memref<2x10000x16xf32, #tpu.memory_space<hbm>> -> memref<1x624x16xf32, #tpu.memory_space<hbm>>
        %dma_start3A_83 = tpu.memref_squeeze %dma_start3A_82 : memref<1x624x16xf32, #tpu.memory_space<hbm>> -> memref<624x16xf32, #tpu.memory_space<hbm>>
        %dma_start3A_84 = arith.constant 0 : i32
        %dma_start3A_85 = tpu.memref_slice %arg9[%mul3A_0, %dma_start3A_84] : memref<10000x16xf32, #tpu.memory_space<vmem_shared>> -> memref<624x16xf32, #tpu.memory_space<vmem_shared>>
        tpu.enqueue_dma source(%dma_start3A_85 : memref<624x16xf32, #tpu.memory_space<vmem_shared>>) target(%dma_start3A_83 : memref<624x16xf32, #tpu.memory_space<hbm>>) target_semaphore(%run_scoped3A : memref<!tpu.dma_semaphore, #tpu.memory_space<semaphore_mem>>)
        %dma_wait3A = arith.constant 0 : i32
        %dma_wait3A_86 = tpu.memref_slice %arg8[%arg0, %mul3A_0, %dma_wait3A] : memref<2x10000x16xf32, #tpu.memory_space<hbm>> -> memref<1x624x16xf32, #tpu.memory_space<hbm>>
        %dma_wait3A_87 = tpu.memref_squeeze %dma_wait3A_86 : memref<1x624x16xf32, #tpu.memory_space<hbm>> -> memref<624x16xf32, #tpu.memory_space<hbm>>
        %dma_wait3A_88 = arith.constant 0 : i32
        %dma_wait3A_89 = tpu.memref_slice %arg9[%mul3A_0, %dma_wait3A_88] : memref<10000x16xf32, #tpu.memory_space<vmem_shared>> -> memref<624x16xf32, #tpu.memory_space<vmem_shared>>
        tpu.wait_dma2 semaphore(%run_scoped3A : memref<!tpu.dma_semaphore, #tpu.memory_space<semaphore_mem>>) src(%dma_wait3A_89 : memref<624x16xf32, #tpu.memory_space<vmem_shared>>) dst(%dma_wait3A_87 : memref<624x16xf32, #tpu.memory_space<hbm>>)
        tpu.yield
      }) : () -> ()
    } else {
    }
    %eq3A_77 = arith.constant 15 : i32
    %eq3A_78 = arith.cmpi eq, %arg1, %eq3A_77 : i32
    %convert_element_type3A_79 = arith.extui %eq3A_78 : i1 to i32
    %cond3A_80 = arith.constant 0 : i32
    %cond3A_81 = arith.cmpi ne, %convert_element_type3A_79, %cond3A_80 : i32
    scf.if %cond3A_81 {
      "tpu.region"() ({
        %run_scoped3A = tpu.sem_alloc : memref<!tpu.dma_semaphore, #tpu.memory_space<semaphore_mem>>
        %dma_start3A = arith.constant 0 : i32
        %dma_start3A_82 = tpu.memref_slice %arg8[%arg0, %mul3A_0, %dma_start3A] : memref<2x10000x16xf32, #tpu.memory_space<hbm>> -> memref<1x640x16xf32, #tpu.memory_space<hbm>>
        %dma_start3A_83 = tpu.memref_squeeze %dma_start3A_82 : memref<1x640x16xf32, #tpu.memory_space<hbm>> -> memref<640x16xf32, #tpu.memory_space<hbm>>
        %dma_start3A_84 = arith.constant 0 : i32
        %dma_start3A_85 = tpu.memref_slice %arg9[%mul3A_0, %dma_start3A_84] : memref<10000x16xf32, #tpu.memory_space<vmem_shared>> -> memref<640x16xf32, #tpu.memory_space<vmem_shared>>
        tpu.enqueue_dma source(%dma_start3A_85 : memref<640x16xf32, #tpu.memory_space<vmem_shared>>) target(%dma_start3A_83 : memref<640x16xf32, #tpu.memory_space<hbm>>) target_semaphore(%run_scoped3A : memref<!tpu.dma_semaphore, #tpu.memory_space<semaphore_mem>>)
        %dma_wait3A = arith.constant 0 : i32
        %dma_wait3A_86 = tpu.memref_slice %arg8[%arg0, %mul3A_0, %dma_wait3A] : memref<2x10000x16xf32, #tpu.memory_space<hbm>> -> memref<1x640x16xf32, #tpu.memory_space<hbm>>
        %dma_wait3A_87 = tpu.memref_squeeze %dma_wait3A_86 : memref<1x640x16xf32, #tpu.memory_space<hbm>> -> memref<640x16xf32, #tpu.memory_space<hbm>>
        %dma_wait3A_88 = arith.constant 0 : i32
        %dma_wait3A_89 = tpu.memref_slice %arg9[%mul3A_0, %dma_wait3A_88] : memref<10000x16xf32, #tpu.memory_space<vmem_shared>> -> memref<640x16xf32, #tpu.memory_space<vmem_shared>>
        tpu.wait_dma2 semaphore(%run_scoped3A : memref<!tpu.dma_semaphore, #tpu.memory_space<semaphore_mem>>) src(%dma_wait3A_89 : memref<640x16xf32, #tpu.memory_space<vmem_shared>>) dst(%dma_wait3A_87 : memref<640x16xf32, #tpu.memory_space<hbm>>)
        tpu.yield
      }) : () -> ()
    } else {
    }
    return
  }
}

module attributes {stable_mosaic.version = 14 : i64} {
  func.func @_stage1_body(%arg0: memref<10000x128xf32, #tpu.memory_space<vmem>>, %arg1: memref<128x192xf32, #tpu.memory_space<vmem>>, %arg2: memref<10000x80xf32, #tpu.memory_space<vmem>>, %arg3: memref<10000x80xf32, #tpu.memory_space<vmem>>, %arg4: memref<10000x32xf32, #tpu.memory_space<vmem>>) attributes {dimension_semantics = [], scalar_prefetch = 0 : i64, scratch_operands = 0 : i64, tpu.core_type = #tpu.core_type<tc>} {
    %get3A = arith.constant 0 : index
    %get3A_0 = arith.constant 0 : index
    %get3A_1 = vector.load %arg0[%get3A, %get3A_0] : memref<10000x128xf32, #tpu.memory_space<vmem>>, vector<10000x128xf32>
    %get3A_2 = arith.constant 0 : index
    %get3A_3 = arith.constant 0 : index
    %get3A_4 = vector.load %arg1[%get3A_2, %get3A_3] : memref<128x192xf32, #tpu.memory_space<vmem>>, vector<128x192xf32>
    %dot_general3A = arith.constant dense<0.000000e+00> : vector<10000x192xf32>
    %dot_general3A_5 = tpu.matmul %get3A_1, %get3A_4, %dot_general3A {dimension_numbers = #tpu.dot_dimension_numbers<[1], [0], [0], [1], [0, 0, 1, 1], [], []>, transpose_lhs_hint = false} : vector<10000x128xf32>, vector<128x192xf32>, vector<10000x192xf32> -> vector<10000x192xf32>
    %slice3A = vector.extract_strided_slice %dot_general3A_5 {offsets = [0, 0], sizes = [10000, 80], strides = [1, 1]} : vector<10000x192xf32> to vector<10000x80xf32>
    %swap3A = arith.constant 0 : index
    %swap3A_6 = arith.constant 0 : index
    %swap3A_7 = vector.load %arg2[%swap3A, %swap3A_6] : memref<10000x80xf32, #tpu.memory_space<vmem>>, vector<10000x80xf32>
    tpu.vector_store %arg2[%swap3A, %swap3A_6], %slice3A {strides = array<i32>} : memref<10000x80xf32, #tpu.memory_space<vmem>>, vector<10000x80xf32>,
    %slice3A_8 = vector.extract_strided_slice %dot_general3A_5 {offsets = [0, 80], sizes = [10000, 80], strides = [1, 1]} : vector<10000x192xf32> to vector<10000x80xf32>
    %swap3A_9 = arith.constant 0 : index
    %swap3A_10 = arith.constant 0 : index
    %swap3A_11 = vector.load %arg3[%swap3A_9, %swap3A_10] : memref<10000x80xf32, #tpu.memory_space<vmem>>, vector<10000x80xf32>
    tpu.vector_store %arg3[%swap3A_9, %swap3A_10], %slice3A_8 {strides = array<i32>} : memref<10000x80xf32, #tpu.memory_space<vmem>>, vector<10000x80xf32>,
    %slice3A_12 = vector.extract_strided_slice %dot_general3A_5 {offsets = [0, 160], sizes = [10000, 32], strides = [1, 1]} : vector<10000x192xf32> to vector<10000x32xf32>
    %swap3A_13 = arith.constant 0 : index
    %swap3A_14 = arith.constant 0 : index
    %swap3A_15 = vector.load %arg4[%swap3A_13, %swap3A_14] : memref<10000x32xf32, #tpu.memory_space<vmem>>, vector<10000x32xf32>
    tpu.vector_store %arg4[%swap3A_13, %swap3A_14], %slice3A_12 {strides = array<i32>} : memref<10000x32xf32, #tpu.memory_space<vmem>>, vector<10000x32xf32>,
    return
  }
}

module attributes {stable_mosaic.version = 14 : i64} {
  func.func @_stage3_body(%arg0: memref<2x10000x16xf32, #tpu.memory_space<vmem>>, %arg1: memref<10000x32xf32, #tpu.memory_space<vmem>>, %arg2: memref<10000x1xf32, #tpu.memory_space<vmem>>, %arg3: memref<32x128xf32, #tpu.memory_space<vmem>>, %arg4: memref<32x128xf32, #tpu.memory_space<vmem>>, %arg5: memref<1x128xf32, #tpu.memory_space<vmem>>, %arg6: memref<1x32xf32, #tpu.memory_space<vmem>>, %arg7: memref<1x32xf32, #tpu.memory_space<vmem>>, %arg8: memref<1x32xf32, #tpu.memory_space<vmem>>, %arg9: memref<1x32xf32, #tpu.memory_space<vmem>>, %arg10: memref<32x64xf32, #tpu.memory_space<vmem>>, %arg11: memref<1x64xf32, #tpu.memory_space<vmem>>, %arg12: memref<1x64xf32, #tpu.memory_space<vmem>>, %arg13: memref<1x1xf32, #tpu.memory_space<vmem>>, %arg14: memref<32x16xf32, #tpu.memory_space<vmem>>, %arg15: memref<1x16xf32, #tpu.memory_space<vmem>>, %arg16: memref<32x8xf32, #tpu.memory_space<vmem>>, %arg17: memref<1x8xf32, #tpu.memory_space<vmem>>, %arg18: memref<1x32xf32, #tpu.memory_space<vmem>>, %arg19: memref<10000x8xf32, #tpu.memory_space<vmem>>, %arg20: memref<1x16xf32, #tpu.memory_space<vmem>>) attributes {dimension_semantics = [], scalar_prefetch = 0 : i64, scratch_operands = 0 : i64, tpu.core_type = #tpu.core_type<tc>} {
    %get3A = arith.constant 0 : index
    %get3A_0 = arith.constant 0 : index
    %get3A_1 = arith.constant 0 : index
    %get3A_2 = vector.load %arg0[%get3A, %get3A_0, %get3A_1] : memref<2x10000x16xf32, #tpu.memory_space<vmem>>, vector<1x10000x16xf32>
    %get3A_3 = vector.shape_cast %get3A_2 : vector<1x10000x16xf32> to vector<10000x16xf32>
    %get3A_4 = arith.constant 1 : index
    %get3A_5 = arith.constant 0 : index
    %get3A_6 = arith.constant 0 : index
    %get3A_7 = vector.load %arg0[%get3A_4, %get3A_5, %get3A_6] : memref<2x10000x16xf32, #tpu.memory_space<vmem>>, vector<1x10000x16xf32>
    %get3A_8 = vector.shape_cast %get3A_7 : vector<1x10000x16xf32> to vector<10000x16xf32>
    %concatenate3A = tpu.concatenate %get3A_3, %get3A_8 in 1 : vector<10000x16xf32>, vector<10000x16xf32> -> vector<10000x32xf32>
    %get3A_9 = arith.constant 0 : index
    %get3A_10 = arith.constant 0 : index
    %get3A_11 = vector.load %arg1[%get3A_9, %get3A_10] : memref<10000x32xf32, #tpu.memory_space<vmem>>, vector<10000x32xf32>
    %add3A = arith.addf %concatenate3A, %get3A_11 : vector<10000x32xf32>
    %get3A_12 = arith.constant 0 : index
    %get3A_13 = arith.constant 0 : index
    %get3A_14 = vector.load %arg18[%get3A_12, %get3A_13] : memref<1x32xf32, #tpu.memory_space<vmem>>, vector<1x32xf32>
    %add3A_15 = vector.broadcast %get3A_14 : vector<1x32xf32> to vector<10000x32xf32>
    %add3A_16 = arith.addf %add3A, %add3A_15 : vector<10000x32xf32>
    %max3A = arith.constant 0.000000e+00 : f32
    %max3A_17 = vector.broadcast %max3A : f32 to vector<10000x32xf32>
    %max3A_18 = arith.maximumf %add3A_16, %max3A_17 : vector<10000x32xf32>
    %get3A_19 = arith.constant 0 : index
    %get3A_20 = arith.constant 0 : index
    %get3A_21 = vector.load %arg2[%get3A_19, %get3A_20] : memref<10000x1xf32, #tpu.memory_space<vmem>>, vector<10000x1xf32>
    %get3A_22 = arith.constant 0 : index
    %get3A_23 = arith.constant 0 : index
    %get3A_24 = vector.load %arg6[%get3A_22, %get3A_23] : memref<1x32xf32, #tpu.memory_space<vmem>>, vector<1x32xf32>
    %mul3A = vector.broadcast %get3A_21 : vector<10000x1xf32> to vector<10000x32xf32>
    %mul3A_25 = vector.broadcast %get3A_24 : vector<1x32xf32> to vector<10000x32xf32>
    %mul3A_26 = arith.mulf %mul3A, %mul3A_25 : vector<10000x32xf32>
    %get3A_27 = arith.constant 0 : index
    %get3A_28 = arith.constant 0 : index
    %get3A_29 = vector.load %arg7[%get3A_27, %get3A_28] : memref<1x32xf32, #tpu.memory_space<vmem>>, vector<1x32xf32>
    %add3A_30 = vector.broadcast %get3A_29 : vector<1x32xf32> to vector<10000x32xf32>
    %add3A_31 = arith.addf %mul3A_26, %add3A_30 : vector<10000x32xf32>
    %get3A_32 = arith.constant 0 : index
    %get3A_33 = arith.constant 0 : index
    %get3A_34 = vector.load %arg2[%get3A_32, %get3A_33] : memref<10000x1xf32, #tpu.memory_space<vmem>>, vector<10000x1xf32>
    %get3A_35 = arith.constant 0 : index
    %get3A_36 = arith.constant 0 : index
    %get3A_37 = vector.load %arg8[%get3A_35, %get3A_36] : memref<1x32xf32, #tpu.memory_space<vmem>>, vector<1x32xf32>
    %mul3A_38 = vector.broadcast %get3A_34 : vector<10000x1xf32> to vector<10000x32xf32>
    %mul3A_39 = vector.broadcast %get3A_37 : vector<1x32xf32> to vector<10000x32xf32>
    %mul3A_40 = arith.mulf %mul3A_38, %mul3A_39 : vector<10000x32xf32>
    %get3A_41 = arith.constant 0 : index
    %get3A_42 = arith.constant 0 : index
    %get3A_43 = vector.load %arg9[%get3A_41, %get3A_42] : memref<1x32xf32, #tpu.memory_space<vmem>>, vector<1x32xf32>
    %add3A_44 = vector.broadcast %get3A_43 : vector<1x32xf32> to vector<10000x32xf32>
    %add3A_45 = arith.addf %mul3A_40, %add3A_44 : vector<10000x32xf32>
    %get3A_46 = arith.constant 0 : index
    %get3A_47 = arith.constant 0 : index
    %get3A_48 = vector.load %arg3[%get3A_46, %get3A_47] : memref<32x128xf32, #tpu.memory_space<vmem>>, vector<32x128xf32>
    %dot_general3A = arith.constant dense<0.000000e+00> : vector<10000x128xf32>
    %dot_general3A_49 = tpu.matmul %max3A_18, %get3A_48, %dot_general3A {dimension_numbers = #tpu.dot_dimension_numbers<[1], [0], [0], [1], [0, 0, 1, 1], [], []>, transpose_lhs_hint = false} : vector<10000x32xf32>, vector<32x128xf32>, vector<10000x128xf32> -> vector<10000x128xf32>
    %get3A_50 = arith.constant 0 : index
    %get3A_51 = arith.constant 0 : index
    %get3A_52 = vector.load %arg4[%get3A_50, %get3A_51] : memref<32x128xf32, #tpu.memory_space<vmem>>, vector<32x128xf32>
    %dot_general3A_53 = arith.constant dense<0.000000e+00> : vector<10000x128xf32>
    %dot_general3A_54 = tpu.matmul %add3A_31, %get3A_52, %dot_general3A_53 {dimension_numbers = #tpu.dot_dimension_numbers<[1], [0], [0], [1], [0, 0, 1, 1], [], []>, transpose_lhs_hint = false} : vector<10000x32xf32>, vector<32x128xf32>, vector<10000x128xf32> -> vector<10000x128xf32>
    %add3A_55 = arith.addf %dot_general3A_49, %dot_general3A_54 : vector<10000x128xf32>
    %get3A_56 = arith.constant 0 : index
    %get3A_57 = arith.constant 0 : index
    %get3A_58 = vector.load %arg5[%get3A_56, %get3A_57] : memref<1x128xf32, #tpu.memory_space<vmem>>, vector<1x128xf32>
    %add3A_59 = vector.broadcast %get3A_58 : vector<1x128xf32> to vector<10000x128xf32>
    %add3A_60 = arith.addf %add3A_55, %add3A_59 : vector<10000x128xf32>
    %slice3A = vector.extract_strided_slice %add3A_60 {offsets = [0, 0], sizes = [10000, 32], strides = [1, 1]} : vector<10000x128xf32> to vector<10000x32xf32>
    %slice3A_61 = vector.extract_strided_slice %add3A_60 {offsets = [0, 32], sizes = [10000, 32], strides = [1, 1]} : vector<10000x128xf32> to vector<10000x32xf32>
    %slice3A_62 = vector.extract_strided_slice %add3A_60 {offsets = [0, 64], sizes = [10000, 32], strides = [1, 1]} : vector<10000x128xf32> to vector<10000x32xf32>
    %slice3A_63 = vector.extract_strided_slice %add3A_60 {offsets = [0, 96], sizes = [10000, 32], strides = [1, 1]} : vector<10000x128xf32> to vector<10000x32xf32>
    %neg3A = arith.constant 0.000000e+00 : f32
    %neg3A_64 = vector.broadcast %neg3A : f32 to vector<10000x32xf32>
    %neg3A_65 = arith.subf %neg3A_64, %slice3A_61 : vector<10000x32xf32>
    %exp3A = math.exp %neg3A_65 : vector<10000x32xf32>
    %add3A_66 = arith.constant 1.000000e+00 : f32
    %add3A_67 = vector.broadcast %add3A_66 : f32 to vector<10000x32xf32>
    %add3A_68 = arith.addf %add3A_67, %exp3A : vector<10000x32xf32>
    %div3A = arith.constant 1.000000e+00 : f32
    %div3A_69 = vector.broadcast %div3A : f32 to vector<10000x32xf32>
    %div3A_70 = arith.divf %div3A_69, %add3A_68 : vector<10000x32xf32>
    %mul3A_71 = arith.mulf %div3A_70, %add3A_45 : vector<10000x32xf32>
    %neg3A_72 = arith.constant 0.000000e+00 : f32
    %neg3A_73 = vector.broadcast %neg3A_72 : f32 to vector<10000x32xf32>
    %neg3A_74 = arith.subf %neg3A_73, %slice3A : vector<10000x32xf32>
    %exp3A_75 = math.exp %neg3A_74 : vector<10000x32xf32>
    %add3A_76 = arith.constant 1.000000e+00 : f32
    %add3A_77 = vector.broadcast %add3A_76 : f32 to vector<10000x32xf32>
    %add3A_78 = arith.addf %add3A_77, %exp3A_75 : vector<10000x32xf32>
    %div3A_79 = arith.constant 1.000000e+00 : f32
    %div3A_80 = vector.broadcast %div3A_79 : f32 to vector<10000x32xf32>
    %div3A_81 = arith.divf %div3A_80, %add3A_78 : vector<10000x32xf32>
    %tanh3A = math.tanh %slice3A_62 : vector<10000x32xf32>
    %mul3A_82 = arith.mulf %div3A_81, %tanh3A : vector<10000x32xf32>
    %add3A_83 = arith.addf %mul3A_71, %mul3A_82 : vector<10000x32xf32>
    %neg3A_84 = arith.constant 0.000000e+00 : f32
    %neg3A_85 = vector.broadcast %neg3A_84 : f32 to vector<10000x32xf32>
    %neg3A_86 = arith.subf %neg3A_85, %slice3A_63 : vector<10000x32xf32>
    %exp3A_87 = math.exp %neg3A_86 : vector<10000x32xf32>
    %add3A_88 = arith.constant 1.000000e+00 : f32
    %add3A_89 = vector.broadcast %add3A_88 : f32 to vector<10000x32xf32>
    %add3A_90 = arith.addf %add3A_89, %exp3A_87 : vector<10000x32xf32>
    %div3A_91 = arith.constant 1.000000e+00 : f32
    %div3A_92 = vector.broadcast %div3A_91 : f32 to vector<10000x32xf32>
    %div3A_93 = arith.divf %div3A_92, %add3A_90 : vector<10000x32xf32>
    %tanh3A_94 = math.tanh %add3A_83 : vector<10000x32xf32>
    %mul3A_95 = arith.mulf %div3A_93, %tanh3A_94 : vector<10000x32xf32>
    %get3A_96 = arith.constant 0 : index
    %get3A_97 = arith.constant 0 : index
    %get3A_98 = vector.load %arg10[%get3A_96, %get3A_97] : memref<32x64xf32, #tpu.memory_space<vmem>>, vector<32x64xf32>
    %dot_general3A_99 = arith.constant dense<0.000000e+00> : vector<10000x64xf32>
    %dot_general3A_100 = tpu.matmul %mul3A_95, %get3A_98, %dot_general3A_99 {dimension_numbers = #tpu.dot_dimension_numbers<[1], [0], [0], [1], [0, 0, 1, 1], [], []>, transpose_lhs_hint = false} : vector<10000x32xf32>, vector<32x64xf32>, vector<10000x64xf32> -> vector<10000x64xf32>
    %get3A_101 = arith.constant 0 : index
    %get3A_102 = arith.constant 0 : index
    %get3A_103 = vector.load %arg11[%get3A_101, %get3A_102] : memref<1x64xf32, #tpu.memory_space<vmem>>, vector<1x64xf32>
    %add3A_104 = vector.broadcast %get3A_103 : vector<1x64xf32> to vector<10000x64xf32>
    %add3A_105 = arith.addf %dot_general3A_100, %add3A_104 : vector<10000x64xf32>
    %max3A_106 = arith.constant 0.000000e+00 : f32
    %max3A_107 = vector.broadcast %max3A_106 : f32 to vector<10000x64xf32>
    %max3A_108 = arith.maximumf %add3A_105, %max3A_107 : vector<10000x64xf32>
    %get3A_109 = arith.constant 0 : index
    %get3A_110 = arith.constant 0 : index
    %get3A_111 = vector.load %arg12[%get3A_109, %get3A_110] : memref<1x64xf32, #tpu.memory_space<vmem>>, vector<1x64xf32>
    %mul3A_112 = vector.broadcast %get3A_111 : vector<1x64xf32> to vector<10000x64xf32>
    %mul3A_113 = arith.mulf %max3A_108, %mul3A_112 : vector<10000x64xf32>
    %reduce_sum3A = arith.constant dense<0.000000e+00> : vector<10000xf32>
    %reduce_sum3A_114 = vector.multi_reduction <add>, %mul3A_113, %reduce_sum3A [1] : vector<10000x64xf32> to vector<10000xf32>
    %broadcast_in_dim3A = vector.shape_cast %reduce_sum3A_114 : vector<10000xf32> to vector<10000x1xf32>
    %get3A_115 = arith.constant 0 : index
    %get3A_116 = arith.constant 0 : index
    %get3A_117 = vector.load %arg13[%get3A_115, %get3A_116] : memref<1x1xf32, #tpu.memory_space<vmem>>, vector<1x1xf32>
    %add3A_118 = vector.broadcast %get3A_117 : vector<1x1xf32> to vector<10000x1xf32>
    %add3A_119 = arith.addf %broadcast_in_dim3A, %add3A_118 : vector<10000x1xf32>
    %reduce_max3A = vector.shape_cast %add3A_119 : vector<10000x1xf32> to vector<1x10000x1xf32>
    %reduce_max3A_120 = arith.constant dense<0xFF800000> : vector<1xf32>
    %reduce_max3A_121 = vector.multi_reduction <maximumf>, %reduce_max3A, %reduce_max3A_120 [1, 2] : vector<1x10000x1xf32> to vector<1xf32>
    %reduce_max3A_122 = vector.shape_cast %reduce_max3A_121 : vector<1xf32> to vector<1x1x1xf32>
    %reduce_max3A_123 = vector.extract %reduce_max3A_122[0, 0, 0] : f32 from vector<1x1x1xf32>
    %sub3A = vector.broadcast %reduce_max3A_123 : f32 to vector<10000x1xf32>
    %sub3A_124 = arith.subf %add3A_119, %sub3A : vector<10000x1xf32>
    %exp3A_125 = math.exp %sub3A_124 : vector<10000x1xf32>
    %reduce_sum3A_126 = vector.shape_cast %exp3A_125 : vector<10000x1xf32> to vector<1x10000x1xf32>
    %reduce_sum3A_127 = arith.constant dense<0.000000e+00> : vector<1xf32>
    %reduce_sum3A_128 = vector.multi_reduction <add>, %reduce_sum3A_126, %reduce_sum3A_127 [1, 2] : vector<1x10000x1xf32> to vector<1xf32>
    %reduce_sum3A_129 = vector.shape_cast %reduce_sum3A_128 : vector<1xf32> to vector<1x1x1xf32>
    %reduce_sum3A_130 = vector.extract %reduce_sum3A_129[0, 0, 0] : f32 from vector<1x1x1xf32>
    %div3A_131 = vector.broadcast %reduce_sum3A_130 : f32 to vector<10000x1xf32>
    %div3A_132 = arith.divf %exp3A_125, %div3A_131 : vector<10000x1xf32>
    %mul3A_133 = vector.broadcast %div3A_132 : vector<10000x1xf32> to vector<10000x32xf32>
    %mul3A_134 = arith.mulf %mul3A_133, %mul3A_95 : vector<10000x32xf32>
    %reduce_sum3A_135 = arith.constant dense<0.000000e+00> : vector<32xf32>
    %reduce_sum3A_136 = vector.multi_reduction <add>, %mul3A_134, %reduce_sum3A_135 [0] : vector<10000x32xf32> to vector<32xf32>
    %broadcast_in_dim3A_137 = vector.shape_cast %reduce_sum3A_136 : vector<32xf32> to vector<1x32xf32>
    %get3A_138 = arith.constant 0 : index
    %get3A_139 = arith.constant 0 : index
    %get3A_140 = vector.load %arg14[%get3A_138, %get3A_139] : memref<32x16xf32, #tpu.memory_space<vmem>>, vector<32x16xf32>
    %dot_general3A_141 = arith.constant dense<0.000000e+00> : vector<1x16xf32>
    %dot_general3A_142 = tpu.matmul %broadcast_in_dim3A_137, %get3A_140, %dot_general3A_141 {dimension_numbers = #tpu.dot_dimension_numbers<[1], [0], [0], [1], [0, 0, 1, 1], [], []>, transpose_lhs_hint = false} : vector<1x32xf32>, vector<32x16xf32>, vector<1x16xf32> -> vector<1x16xf32>
    %get3A_143 = arith.constant 0 : index
    %get3A_144 = arith.constant 0 : index
    %get3A_145 = vector.load %arg15[%get3A_143, %get3A_144] : memref<1x16xf32, #tpu.memory_space<vmem>>, vector<1x16xf32>
    %add3A_146 = arith.addf %dot_general3A_142, %get3A_145 : vector<1x16xf32>
    %reduce_max3A_147 = vector.shape_cast %add3A_146 : vector<1x16xf32> to vector<1x1x16xf32>
    %reduce_max3A_148 = arith.constant dense<0xFF800000> : vector<1xf32>
    %reduce_max3A_149 = vector.multi_reduction <maximumf>, %reduce_max3A_147, %reduce_max3A_148 [1, 2] : vector<1x1x16xf32> to vector<1xf32>
    %reduce_max3A_150 = vector.shape_cast %reduce_max3A_149 : vector<1xf32> to vector<1x1x1xf32>
    %reduce_max3A_151 = vector.extract %reduce_max3A_150[0, 0, 0] : f32 from vector<1x1x1xf32>
    %sub3A_152 = vector.broadcast %reduce_max3A_151 : f32 to vector<1x16xf32>
    %sub3A_153 = arith.subf %add3A_146, %sub3A_152 : vector<1x16xf32>
    %exp3A_154 = math.exp %sub3A_153 : vector<1x16xf32>
    %reduce_sum3A_155 = vector.shape_cast %exp3A_154 : vector<1x16xf32> to vector<1x1x16xf32>
    %reduce_sum3A_156 = arith.constant dense<0.000000e+00> : vector<1xf32>
    %reduce_sum3A_157 = vector.multi_reduction <add>, %reduce_sum3A_155, %reduce_sum3A_156 [1, 2] : vector<1x1x16xf32> to vector<1xf32>
    %reduce_sum3A_158 = vector.shape_cast %reduce_sum3A_157 : vector<1xf32> to vector<1x1x1xf32>
    %reduce_sum3A_159 = vector.extract %reduce_sum3A_158[0, 0, 0] : f32 from vector<1x1x1xf32>
    %div3A_160 = vector.broadcast %reduce_sum3A_159 : f32 to vector<1x16xf32>
    %div3A_161 = arith.divf %exp3A_154, %div3A_160 : vector<1x16xf32>
    %swap3A = arith.constant 0 : index
    %swap3A_162 = arith.constant 0 : index
    %swap3A_163 = vector.load %arg20[%swap3A, %swap3A_162] : memref<1x16xf32, #tpu.memory_space<vmem>>, vector<1x16xf32>
    tpu.vector_store %arg20[%swap3A, %swap3A_162], %div3A_161 {strides = array<i32>} : memref<1x16xf32, #tpu.memory_space<vmem>>, vector<1x16xf32>,
    %get3A_164 = arith.constant 0 : index
    %get3A_165 = arith.constant 0 : index
    %get3A_166 = vector.load %arg16[%get3A_164, %get3A_165] : memref<32x8xf32, #tpu.memory_space<vmem>>, vector<32x8xf32>
    %dot_general3A_167 = arith.constant dense<0.000000e+00> : vector<10000x8xf32>
    %dot_general3A_168 = tpu.matmul %mul3A_95, %get3A_166, %dot_general3A_167 {dimension_numbers = #tpu.dot_dimension_numbers<[1], [0], [0], [1], [0, 0, 1, 1], [], []>, transpose_lhs_hint = false} : vector<10000x32xf32>, vector<32x8xf32>, vector<10000x8xf32> -> vector<10000x8xf32>
    %get3A_169 = arith.constant 0 : index
    %get3A_170 = arith.constant 0 : index
    %get3A_171 = vector.load %arg17[%get3A_169, %get3A_170] : memref<1x8xf32, #tpu.memory_space<vmem>>, vector<1x8xf32>
    %add3A_172 = vector.broadcast %get3A_171 : vector<1x8xf32> to vector<10000x8xf32>
    %add3A_173 = arith.addf %dot_general3A_168, %add3A_172 : vector<10000x8xf32>
    %reduce_max3A_174 = vector.shape_cast %add3A_173 : vector<10000x8xf32> to vector<1x10000x8xf32>
    %reduce_max3A_175 = arith.constant dense<0xFF800000> : vector<1xf32>
    %reduce_max3A_176 = vector.multi_reduction <maximumf>, %reduce_max3A_174, %reduce_max3A_175 [1, 2] : vector<1x10000x8xf32> to vector<1xf32>
    %reduce_max3A_177 = vector.shape_cast %reduce_max3A_176 : vector<1xf32> to vector<1x1x1xf32>
    %reduce_max3A_178 = vector.extract %reduce_max3A_177[0, 0, 0] : f32 from vector<1x1x1xf32>
    %sub3A_179 = vector.broadcast %reduce_max3A_178 : f32 to vector<10000x8xf32>
    %sub3A_180 = arith.subf %add3A_173, %sub3A_179 : vector<10000x8xf32>
    %exp3A_181 = math.exp %sub3A_180 : vector<10000x8xf32>
    %reduce_sum3A_182 = vector.shape_cast %exp3A_181 : vector<10000x8xf32> to vector<1x10000x8xf32>
    %reduce_sum3A_183 = arith.constant dense<0.000000e+00> : vector<1xf32>
    %reduce_sum3A_184 = vector.multi_reduction <add>, %reduce_sum3A_182, %reduce_sum3A_183 [1, 2] : vector<1x10000x8xf32> to vector<1xf32>
    %reduce_sum3A_185 = vector.shape_cast %reduce_sum3A_184 : vector<1xf32> to vector<1x1x1xf32>
    %reduce_sum3A_186 = vector.extract %reduce_sum3A_185[0, 0, 0] : f32 from vector<1x1x1xf32>
    %div3A_187 = vector.broadcast %reduce_sum3A_186 : f32 to vector<10000x8xf32>
    %div3A_188 = arith.divf %exp3A_181, %div3A_187 : vector<10000x8xf32>
    %swap3A_189 = arith.constant 0 : index
    %swap3A_190 = arith.constant 0 : index
    %swap3A_191 = vector.load %arg19[%swap3A_189, %swap3A_190] : memref<10000x8xf32, #tpu.memory_space<vmem>>, vector<10000x8xf32>
    tpu.vector_store %arg19[%swap3A_189, %swap3A_190], %div3A_188 {strides = array<i32>} : memref<10000x8xf32, #tpu.memory_space<vmem>>, vector<10000x8xf32>,
    return
  }
}

</mosaic_0001>

<sc_bundles>
// kernel: kernel.5.cloned.1.call-start
scs
__scs_entry_jumppad:
0x0: {  	(pc) =	sbr.rel $0x88, $3  }
0x1: {  	(tag) =	ssettag $0x0;
	lr =	simm.s32 $0x1  }
0x2: {  	[smem:$0x3F89] =	sst lr;
	_ =	strace $0xD0000000  }
0x3: {  	_ = 	snop  }
0x4: {  	_ = 	snop  }
0x5: {  	_ = 	snop  }
0x6: {  	_ = 	snop  }
0x7: {  	_ = 	snop  }
__scs_overlays_trampoline_lowered:
0x8: {  	[smem:$0x3F98] =	sst s0  }
0x9: {  	[smem:$0x3F99] =	sst s1  }
0xa: {  	[smem:$0x3F9A] =	sst s2  }
0xb: {  	[smem:$0x3F9B] =	sst s3  }
0xc: {  	[smem:$0x3F9C] =	sst s4  }
0xd: {  	[smem:$0x3F9D] =	sst s5  }
0xe: {  	[smem:$0x3F9E] =	sst s6  }
0xf: {  	[smem:$0x3F9F] =	sst s7  }
0x10: {  	[smem:$0x3FA0] =	sst s8  }
0x11: {  	[smem:$0x3FA1] =	sst s9;
	s0 =	simm.s32 @!p0 $0x0  }
0x12: {  	s1 =	sld [smem:$0x3F87];
	s0 =	simm.s32 @p0 $0x1  }
0x13: {  	[smem:$0x3FA2] =	sst s0;
	s0 =	simm.s32 @!p1 $0x0  }
0x14: {  	s2 =	sld [smem:$0x3F86];
	s0 =	simm.s32 @p1 $0x1  }
0x15: {  	[smem:$0x3FA3] =	sst s0;
	s0 =	simm.s32 @!p2 $0x0  }
0x16: {  	s3 =	sld [smem:$0x3FDB];
	s0 =	simm.s32 @p2 $0x1  }
0x17: {  	s4 =	simm.s32 $0x1BF5;
	[smem:$0x3FA5] =	sst s0  }
0x18: {  	s0 =	sld [smem:$0x3F88];
	_ =	swait.ge [sflag:s4], $0x0  }
0x19: {  	s7 =	sld [smem:$0x3F89]  }
0x1a: {  	s8 =	sadd.s32 $0xFFFFE003, lr  }
0x1b: {  	s9 =	sadd.s32 $0xFFFFFEF7, lr;
	s5 =	simm.s32 $0xFFFFFFFF;
	p2 =	slt.u32 s8, $0xFFFFF086  }
0x1c: {  	p1 =	slt.u32 s9, $0xF7A;
	s5 =	simm.s32 @!p2 $0x0  }
0x1d: {  	s5 =	simm.s32 @p1 $0x1;
	p0 =	seq.s32 s7, s2  }
0x1e: {  	s7 =	smul.u32 @!p0 $0xF7A, s2;
	p2 =	seq.s32 @!p0 s5, $0x0  }
0x1f: {  	s9 =	smul.u32 $0xF7A, s1;
	s8 =	simm.s32 @!p0 $0x1BF5;
	p2 =	por !p2, p0  }
0x20: {  	[sflag:s8] =	ssyncset.s32 @!p0 $0xFFFFF086;
	s6 =	sadd.s32 @!p0 s3, s7;
	s7 =	simm.s32 @!p0 $0x108  }
0x21: {  	s3 =	sadd.s32 s3, s9;
	s6 =	sadd.s32 @!p0 $0x88, s6;
	s7 =	simm.s32 @p2 $0x1082  }
0x22: {  	[simem:s7], [sflag:s8] =	dma.local @!p0 [hbm:s6], $0xF7A  }
0x23: {  	s9 =	sor.u32 $0xD0000000, s2;
	s6 =	simm.s32 $0x108;
	_ =	swait.ge @!p0 [sflag:s8], $0x0  }
0x24: {  	s3 =	sadd.s32 $0x88, s3;
	s6 =	simm.s32 @!p1 $0x1082;
	[sflag:s4] =	ssyncset.s32 $0xFFFFF086  }
0x25: {  	[simem:s6], [sflag:s4] =	dma.local [hbm:s3], $0xF7A  }
0x26: {  	[smem:$0x3F89] =	sst s1;
	(tag) =	ssettag s2;
	_ =	strace s9  }
0x27: {  	s1 =	sld [smem:$0x3F99]  }
0x28: {  	s2 =	sld [smem:$0x3F9A]  }
0x29: {  	s4 =	sld [smem:$0x3F9C]  }
0x2a: {  	p0 =	seq.s32 s5, $0x0;
	s5 =	sld [smem:$0x3F9D]  }
0x2b: {  	s6 =	sld [smem:$0x3F9E]  }
0x2c: {  	s7 =	sld [smem:$0x3F9F]  }
0x2d: {  	s3 =	simm.s32 $0x108;
	s8 =	sld [smem:$0x3FA0]  }
0x2e: {  	s3 =	simm.s32 @!p0 $0x1082;
	s9 =	sld [smem:$0x3FA1]  }
0x2f: {  	lr =	sadd.s32 s0, s3;
	s0 =	sld [smem:$0x3F98]  }
0x30: {  	s3 =	sld [smem:$0x3F9B]  }
0x31: {  	[smem:$0x3FA4] =	sst s10  }
0x32: {  	s10 =	sld [smem:$0x3FA2];
	_ =	sdelay $0x3  }
0x33: {  	p0 =	seq.s32 s10, $0x1;
	s10 =	sld [smem:$0x3FA4];
	_ =	sdelay $0x3  }
0x34: {  	[smem:$0x3FA4] =	sst s10  }
0x35: {  	s10 =	sld [smem:$0x3FA3];
	_ =	sdelay $0x3  }
0x36: {  	p1 =	seq.s32 s10, $0x1;
	s10 =	sld [smem:$0x3FA4];
	_ =	sdelay $0x3  }
0x37: {  	[smem:$0x3FA4] =	sst s10  }
0x38: {  	s10 =	sld [smem:$0x3FA5]  }
0x39: {  	_ = 	snop;
	(pc) =	sbr.ind lr, $3  }
0x3a: {  	_ = 	snop  }
0x3b: {  	_ = 	snop  }
0x3c: {  	p2 =	seq.s32 s10, $0x1;
	s10 =	sld [smem:$0x3FA4]  }
0x3d: {  	_ =	shalt  }
0x3e: {  	_ =	shalt  }
0x3f: {  	_ =	shalt  }
0x40: {  	_ =	shalt  }
0x41: {  	_ =	shalt  }
0x42: {  	_ =	shalt  }
0x43: {  	_ =	shalt  }
0x44: {  	_ =	shalt  }
0x45: {  	_ =	shalt  }
0x46: {  	_ =	shalt  }
0x47: {  	_ =	shalt  }
0x48: {  	_ =	shalt  }
0x49: {  	_ =	shalt  }
0x4a: {  	_ =	shalt  }
0x4b: {  	_ =	shalt  }
0x4c: {  	_ =	shalt  }
0x4d: {  	_ =	shalt  }
0x4e: {  	_ =	shalt  }
0x4f: {  	_ =	shalt  }
0x50: {  	_ =	shalt  }
0x51: {  	_ =	shalt  }
0x52: {  	_ =	shalt  }
0x53: {  	_ =	shalt  }
0x54: {  	_ =	shalt  }
0x55: {  	_ =	shalt  }
0x56: {  	_ =	shalt  }
0x57: {  	_ =	shalt  }
0x58: {  	_ =	shalt  }
0x59: {  	_ =	shalt  }
0x5a: {  	_ =	shalt  }
0x5b: {  	_ =	shalt  }
0x5c: {  	_ =	shalt  }
0x5d: {  	_ =	shalt  }
0x5e: {  	_ =	shalt  }
0x5f: {  	_ =	shalt  }
0x60: {  	_ =	shalt  }
0x61: {  	_ =	shalt  }
0x62: {  	_ =	shalt  }
0x63: {  	_ =	shalt  }
0x64: {  	_ =	shalt  }
0x65: {  	_ =	shalt  }
0x66: {  	_ =	shalt  }
0x67: {  	_ =	shalt  }
0x68: {  	_ =	shalt  }
0x69: {  	_ =	shalt  }
0x6a: {  	_ =	shalt  }
0x6b: {  	_ =	shalt  }
0x6c: {  	_ =	shalt  }
0x6d: {  	_ =	shalt  }
0x6e: {  	_ =	shalt  }
0x6f: {  	_ =	shalt  }
0x70: {  	_ =	shalt  }
0x71: {  	_ =	shalt  }
0x72: {  	_ =	shalt  }
0x73: {  	_ =	shalt  }
0x74: {  	_ =	shalt  }
0x75: {  	_ =	shalt  }
0x76: {  	_ =	shalt  }
0x77: {  	_ =	shalt  }
0x78: {  	_ =	shalt  }
0x79: {  	_ =	shalt  }
0x7a: {  	_ =	shalt  }
0x7b: {  	_ =	shalt  }
0x7c: {  	_ =	shalt  }
0x7d: {  	_ =	shalt  }
0x7e: {  	_ =	shalt  }
0x7f: {  	_ =	shalt  }
0x80: {  	_ =	shalt  }
0x81: {  	_ =	shalt  }
0x82: {  	_ =	shalt  }
0x83: {  	_ =	shalt  }
0x84: {  	_ =	shalt  }
0x85: {  	_ =	shalt  }
0x86: {  	_ =	shalt  }
0x87: {  	_ =	shalt  }
.Lfunc_end0:
.L_simem_size_0:
called_computation_lowered:
.L_overlay_start_0:
0x88: {  	s2 =	sld [smem:$0x3FD9]  }
0x89: {  	s3 =	sld [smem:$0x3FFE];
	_ =	sdelay $0x1  }
0x8a: {  	s1 =	srdreg.scid  }
0x8b: {  	s0 =	sand.u32 $0x1, s1  }
0x8c: {  	s16 =	sshll.u32 s0, $0xA;
	s2 =	sadd.s32 s3, s2  }
0x8d: {  	s2 =	sadd.s32 s2, s16  }
0x8e: {  	[smem:$0x3FB0] =	sst s2  }
0x8f: {  	_ = 	snop  }
0x90: {  	(tm) =	ssettm $0x1  }
0x91: {  	s17 =	sld [smem:$0x3FFB];
	_ =	sdelay $0x3  }
0x92: {  	_ =	strace s17  }
0x93: {  	s2 =	sld [smem:$0x3FFC];
	_ =	sdelay $0x3  }
0x94: {  	_ =	strace s2  }
0x95: {  	s2 =	sld [smem:$0x3FFD];
	_ =	sdelay $0x3  }
0x96: {  	_ =	strace s2  }
0x97: {  	_ =	strace $0x8FFFFFFF  }
0x98: {  	s18 =	sld [smem:$0x3FDB];
	_ =	sdelay $0x1  }
0x99: {  	s19 =	simm.s32 $_scs_section_size  }
0x9a: {  	s4 =	simm.s32 $_size__tile_overlayer_lowered;
	s5 =	simm.s32 $_tile_overlayer_lowered  }
0x9b: {  	s22 =	simm.s32 $0x1BFF;
	s21 =	sshll.u32 s5, $0x1;
	s2 =	sadd.s32 s19, s18  }
0x9c: {  	s6 =	simm.s32 $0x0;
	s20 =	sshll.u32 s4, $0x1;
	s4 =	sadd.s32 s21, s2  }
0x9d: {  	[timem:s6], [sflag:s22] =	dma.local [hbm:s4], s20  }
0x9e: {  	_ =	swait.ge [sflag:s22], s20  }
0x9f: {  	s3 =	ssub.s32 $0x0, s20;
	[sflag:s22] =	ssyncset.done $0x0  }
0xa0: {  	[sflag:s22] =	ssyncadd.s32 s3;
	_ =	sdelay $0x1  }
0xa1: {  	s23 =	simm.s32 $0x1B8B  }
0xa2: {  	_ =	swait.ge [sflag:s23], $0x1  }
0xa3: {  	[sflag:s23] =	ssyncset.done $0x0  }
0xa4: {  	s25 =	simm.s32 $0x1B8E;
	s24 =	sld [smem:$0x3FFE];
	[sflag:s23] =	ssyncadd.s32 $0xFFFFFFFF  }
0xa5: {  	s26 =	simm.s32 $execute0_lowered;
	[smem:$0x3FD2] =	sst s25  }
0xa6: {  	s4 =	sshll.u32 s26, $0x1;
	_ =	strace $0x80000046;
	[dreg:$0x1] =	wrdreg $0xFFFFFFFF  }
0xa7: {  	s28 =	simm.s32 $_size_execute0_lowered;
	s2 =	sadd.s32 s2, s4;
	[dreg:$0x0] =	wrdreg $0x0  }
0xa8: {  	s4 =	sshll.u32 s28, $0x1;
	[dreg:$0x2] =	wrdreg s2  }
0xa9: {  	[dreg:$0x3] =	wrdreg s4  }
0xaa: {  	[dreg:$0x4] =	wrdreg $0xC0  }
0xab: {  	_ =	task [dreg:s6], $0x5FFFF  }
0xac: {  	[dreg:$0x1] =	wrdreg $0xFFFFFFFF  }
0xad: {  	[dreg:$0x0] =	wrdreg $0x60  }
0xae: {  	[dreg:$0x2] =	wrdreg s24  }
0xaf: {  	[dreg:$0x3] =	wrdreg $0x0  }
0xb0: {  	[dreg:$0x4] =	wrdreg $0x27100  }
0xb1: {  	[dreg:$0x5] =	wrdreg $0x9  }
0xb2: {  	_ =	task.clear_ibuf [dreg:s6], $0x6FFFF;
	_ =	strace $0x90000046  }
0xb3: {  	s29 =	simm.s32 $0x9;
	_ =	strace $0x80000048  }
0xb4: {  	_ =	swait.ge [sflag:s29], $0x1  }
0xb5: {  	[sflag:s29] =	ssyncadd.s32 $0xFFFFFFFF  }
0xb6: {  	_ =	strace $0x90000048  }
0xb7: {  	_ =	sfence  }
0xb8: {  	s30 =	sld [smem:$0x0];
	_ =	sdelay $0x2  }
0xb9: {  	s31 =	sshll.u32 s1, $0xD;
	s1 =	sshrl.u32 s1, $0x2  }
0xba: {  	s3 =	sand.u32 $0x4000, s31;
	s1 =	sadd.s32 s1, s30  }
0xbb: {  	s0 =	sor.u32 s3, s0;
	s1 =	sshll.u32 s1, $0x11  }
0xbc: {  	s0 =	sor.u32 s1, s0  }
0xbd: {  	s0 =	sadd.s32 $0x8F2B, s0  }
0xbe: {  	[sflag:s0] =	ssyncadd.remote.s32 $0x1  }
0xbf: {  	_ =	sfence.sel $0xFFFF  }
0xc0: {  	[dreg:$0x0] =	wrdreg $0xFFFFFFFF;
	(pc) =	sbr.abs _section_cstart, $3  }
0xc1: {  	[dreg:$0x1] =	wrdreg $0xFFFFFFFF  }
0xc2: {  	_ =	task.clear_ibuf [dreg:s6], $0x2FFFF;
	_ =	strace $0x9FFFFFFF  }
0xc3: {  	(tm) =	ssettm $0x7FFFFFFF  }
tec
execute0_lowered:
.L_overlay_start_1:
0x0: {  	(tag) =	ssettag $0x1  }
0x1: {  	s0 =	rddreg [dreg:$0x0]  }
0x2: {  	s2 =	rddreg [dreg:$0x1]  }
0x3: {  	s3 =	rddreg [dreg:$0x2];
	s13 =	stileid.u32  }
0x4: {  	s4 =	simm.s32 $0x0;
	s7 =	srdreg.scid;
	s1 =	smul.u32 $0xC300, s13  }
0x5: {  	s30 =	simm.s32 $0x9;
	[smem:$0x7FF] =	sst s4;
	s11 =	smul.u32 $0x500, s13  }
0x6: {  	s6 =	smul.u32 $0x2700, s13;
	s9 =	sand.u32 $0x1, s7;
	s19 =	sadd.s32 $0x42320, s0  }
0x7: {  	s20 =	sadd.s32 $0xB6D00, s3;
	s22 =	sadd.s32 $0x31FA0, s0;
	s23 =	smul.u32 $0x1400, s13  }
0x8: {  	s24 =	sadd.s32 $0x197A0, s0;
	_ =	strace $0x80000047;
	[dreg:$0xc] =	wrdreg s19  }
0x9: {  	s25 =	sadd.s32 $0x3D500, s0;
	p2 =	seq.s32 s13, $0xF;
	[dreg:$0xd] =	wrdreg s20  }
0xa: {  	s10 =	ssub.s32 $0x2, s9;
	p0 =	seq.s32 s9, $0x1;
	[dreg:$0xe] =	wrdreg s22  }
0xb: {  	s17 =	smul.u32 $0x27100, s9;
	[dreg:$0x10] =	wrdreg s24;
	p1 =	sne.s32 s9, $0x0  }
0xc: {  	[dreg:$0x11] =	wrdreg s25;
	s9 =	simm.s32 $0x1FC9;
	s20 =	simm.s32 $0x4  }
0xd: {  	s5 =	sshrl.u32 s1, $0x3;
	s4 =	sadd.s32 s11, s0;
	s12 =	sshrl.u32 s6, $0x3  }
0xe: {  	s14 =	sshrl.u32 s10, $0x1;
	s7 =	sadd.s32 s6, s2;
	s1 =	sadd.s32 s1, s3  }
0xf: {  	s8 =	sadd.s32 s5, s0;
	s5 =	sadd.s32 $0x2AEA00, s0;
	s11 =	sadd.s32 s12, s0  }
0x10: {  	s12 =	sadd.s32 $0x42A00, s0;
	s10 =	ssub.s32 s10, s14;
	s14 =	smul.u32 $0x50, s13  }
0x11: {  	[dreg:$0x6] =	wrdreg s1;
	s18 =	sadd.s32 $0x38A00, s4;
	s4 =	sadd.s32 $0x33A00, s4  }
0x12: {  	s21 =	sadd.s32 s6, s17;
	s0 =	sadd.s32 $0x38500, s0;
	[dreg:$0xa] =	wrdreg s18  }
0x13: {  	s13 =	simm.s32 $0x2;
	s11 =	sadd.s32 $0x3DA00, s11;
	[dreg:$0xb] =	wrdreg s4  }
0x14: {  	s15 =	sadd.s32 $0x1B200, s8;
	s8 =	sadd.s32 $0x2A00, s8;
	[dreg:$0x12] =	wrdreg s0  }
0x15: {  	s4 =	sshrl.u32 s21, $0x3;
	s23 =	sadd.s32 s5, s23;
	[dreg:$0x5] =	wrdreg s11  }
0x16: {  	s28 =	smax.u32 s10, $0x1;
	s0 =	simm.s32 $0x80;
	[dreg:$0x7] =	wrdreg s15  }
0x17: {  	s10 =	simm.s32 $0x5;
	s18 =	simm.s32 $0x7;
	[dreg:$0x4] =	wrdreg s14  }
0x18: {  	s21 =	simm.s32 $0x0;
	s16 =	ssub.s32 $0x4E2, s14;
	[dreg:$0x8] =	wrdreg s8  }
0x19: {  	s15 =	sadd.s32 $0x24900, s2;
	s4 =	sadd.s32 s12, s4;
	[dreg:$0x14] =	wrdreg s28  }
0x1a: {  	s29 =	sadd.s32 $0x40, s23;
	s31 =	sadd.s32 $0x80, s23;
	s8 =	simm.s32 $0x1  }
.Ltmp0:
0x1b: {  	s1 =	smin.u32 s16, $0x50;
	[dreg:$0xf] =	wrdreg s4;
	(pc) =	sbr.rel .LBB2_1-.Ltmp0, $4  }
0x1c: {  	s11 =	simm.s32 $0x1E260;
	[dreg:$0x9] =	wrdreg s1;
	s1 =	sshrl.u32 s17, $0x3  }
0x1d: {  	s14 =	simm.s32 $0x6;
	[dreg:$0x15] =	wrdreg s29;
	s1 =	sadd.s32 s12, s1  }
0x1e: {  	[dreg:$0x16] =	wrdreg s31;
	s16 =	simm.s32 $0x3;
	s26 =	sadd.s32 $0x4920, s1  }
0x1f: {  	s17 =	simm.s32 $0xEA60;
	s12 =	simm.s32 $0x8;
	[dreg:$0x13] =	wrdreg s26  }
.LBB2_22:
0x20: {  	[bflag:$0x0] =	sbarrier.arrive $0xFFFF  }
0x21: {  	s1 =	sshrl.u32 @p2 s15, $0x3;
	s4 =	simm.s32 @p2 $0x1FC9;
	s6 =	rddreg [dreg:$0x13]  }
0x22: {  	[hbm:s6], [sflag:s4] =	dma.local @p2 [spmem:s1], $0x500  }
0x23: {  	s1 =	simm.s32 @p2 $0x9  }
0x24: {  	s4 =	stileid.u32;
	_ =	swait.ge @p2 [sflag:s1], $0x500  }
0x25: {  	s4 =	sshll.u32 @!p2 s4, $0x6;
	[sflag:s1] =	ssyncset.done @p2 $0x0;
	s6 =	rddreg [dreg:$0xf]  }
0x26: {  	[sflag:s1] =	ssyncadd.s32 @p2 $0xFFFFFB00;
	s1 =	sor.u32 @!p2 $0x1C09, s4;
	s4 =	sshrl.u32 @!p2 s7, $0x3  }
0x27: {  	[hbm:s6], [sflag:s1] =	dma.local @!p2 [spmem:s4], $0x4E0  }
0x28: {  	s1 =	simm.s32 @!p2 $0x9  }
0x29: {  	_ =	swait.ge @!p2 [sflag:s1], $0x4E0  }
0x2a: {  	s21 =	sadd.s32 $0x1, s21;
	s31 =	rddreg [dreg:$0x14]  }
0x2b: {  	p3 =	sne.s32 s21, s31  }
.Ltmp1:
0x2c: {  	_ = 	snop;
	(pc) =	sbr.rel @!p3 .LBB2_23-.Ltmp1, $3  }
0x2d: {  	_ =	sdelay $0x1  }
0x2e: {  	[sflag:s1] =	ssyncset.done @!p2 $0x0  }
0x2f: {  	s9 =	simm.s32 $0x1FC9;
	s17 =	simm.s32 $0xEA60;
	[sflag:s1] =	ssyncadd.s32 @!p2 $0xFFFFFB20  }
.LBB2_1:
.Ltmp2:
0x30: {  	(pc) =	sbr.rel @!p2 .LBB2_2-.Ltmp2, $1  }
0x31: {  	_ =	sdelay $0x3  }
0x32: {  	s1 =	sshrl.u32 s15, $0x3;
	s4 =	rddreg [dreg:$0xc]  }
0x33: {  	[spmem:s1], [sflag:s9] =	dma.local [hbm:s4], $0x500  }
0x34: {  	_ =	swait.ge [sflag:s30], $0x500  }
0x35: {  	[sflag:s30] =	ssyncset.done $0x0;
	s4 =	rddreg [dreg:$0xd]  }
0x36: {  	s6 =	rddreg [dreg:$0xe];
	[sflag:s30] =	ssyncadd.s32 $0xFFFFFB00;
	s1 =	sshrl.u32 @!p1 s4, $0x3  }
0x37: {  	[spmem:s1], [sflag:s9] =	dma.local @!p1 [hbm:s6], $0x1900  }
0x38: {  	s1 =	simm.s32 @!p1 $0x9  }
0x39: {  	_ =	swait.ge @!p1 [sflag:s1], $0x1900  }
0x3a: {  	[sflag:s1] =	ssyncset.done @!p1 $0x0  }
0x3b: {  	[sflag:s1] =	ssyncadd.s32 @!p1 $0xFFFFE700;
	s1 =	sshrl.u32 @p0 s4, $0x3;
	s4 =	rddreg [dreg:$0x10]  }
0x3c: {  	[spmem:s1], [sflag:s9] =	dma.local @p0 [hbm:s4], $0x1900  }
0x3d: {  	s1 =	simm.s32 @p0 $0x9  }
0x3e: {  	_ =	swait.ge @p0 [sflag:s1], $0x1900  }
0x3f: {  	[sflag:s1] =	ssyncset.done @p0 $0x0  }
0x40: {  	s26 =	simm.s32 $0x0;
	s28 =	rddreg [dreg:$0x11];
	[sflag:s1] =	ssyncadd.s32 @p0 $0xFFFFE700  }
0x41: {  	[tilespmem:s17], [sflag:$0x9] =	stream.linear.gather [hbm4b:s28+s26], $0x1900, $0x38;
	[tilespmem:$0x1EA60] =	vst v63  }
0x42: {  	_ =	swait.ge [sflag:s30], $0x1900  }
0x43: {  	s31 =	simm.s32 $0x11260;
	[sflag:s30] =	ssyncset.done $0x0  }
.Ltmp3:
0x44: {  	s29 =	rddreg [dreg:$0x12];
	[sflag:s30] =	ssyncadd.s32 $0xFFFFE700;
	(pc) =	sbr.rel .LBB2_4-.Ltmp3, $4  }
0x45: {  	[tilespmem:s31], [sflag:$0x9] =	stream.linear.gather [hbm4b:s29+s26], $0x1900, $0x38;
	[tilespmem:$0x1EA60] =	vst v63  }
0x46: {  	_ =	swait.ge [sflag:s30], $0x1900  }
0x47: {  	[sflag:s30] =	ssyncset.done $0x0  }
0x48: {  	s22 =	simm.s32 $0x32;
	s6 =	simm.s32 $0x4B0;
	[sflag:s30] =	ssyncadd.s32 $0xFFFFE700  }
.LBB2_2:
0x49: {  	s1 =	stileid.u32  }
0x4a: {  	s1 =	sshll.u32 s1, $0x6  }
0x4b: {  	s4 =	sshrl.u32 s7, $0x3;
	s6 =	rddreg [dreg:$0x5];
	s1 =	sor.u32 $0x1C09, s1  }
0x4c: {  	[spmem:s4], [sflag:s1] =	dma.local [hbm:s6], $0x4E0  }
0x4d: {  	_ =	swait.ge [sflag:s30], $0x4E0  }
0x4e: {  	[sflag:s30] =	ssyncset.done $0x0;
	s6 =	rddreg [dreg:$0x6]  }
0x4f: {  	s9 =	rddreg [dreg:$0x7];
	[sflag:s30] =	ssyncadd.s32 $0xFFFFFB20;
	s4 =	sshrl.u32 @!p1 s6, $0x3  }
0x50: {  	[spmem:s4], [sflag:s1] =	dma.local @!p1 [hbm:s9], $0x1860  }
0x51: {  	s4 =	simm.s32 @!p1 $0x9  }
0x52: {  	_ =	swait.ge @!p1 [sflag:s4], $0x1860  }
0x53: {  	[sflag:s4] =	ssyncset.done @!p1 $0x0  }
0x54: {  	[sflag:s4] =	ssyncadd.s32 @!p1 $0xFFFFE7A0;
	s4 =	sshrl.u32 @p0 s6, $0x3;
	s6 =	rddreg [dreg:$0x8]  }
0x55: {  	[spmem:s4], [sflag:s1] =	dma.local @p0 [hbm:s6], $0x1860  }
0x56: {  	s1 =	simm.s32 @p0 $0x9  }
0x57: {  	_ =	swait.ge @p0 [sflag:s1], $0x1860  }
0x58: {  	[sflag:s1] =	ssyncset.done @p0 $0x0  }
0x59: {  	s26 =	simm.s32 $0x0;
	s28 =	rddreg [dreg:$0xa];
	[sflag:s1] =	ssyncadd.s32 @p0 $0xFFFFE7A0  }
0x5a: {  	[tilespmem:s17], [sflag:$0x9] =	stream.linear.gather [hbm4b:s28+s26], $0x2800, $0x38;
	[tilespmem:$0x1EA60] =	vst v63  }
0x5b: {  	_ =	swait.ge [sflag:s30], $0x2800  }
0x5c: {  	[sflag:s30] =	ssyncset.done $0x0  }
0x5d: {  	s31 =	simm.s32 $0x11260;
	s29 =	rddreg [dreg:$0xb];
	[sflag:s30] =	ssyncadd.s32 $0xFFFFD800  }
0x5e: {  	[tilespmem:s31], [sflag:$0x9] =	stream.linear.gather [hbm4b:s29+s26], $0x2800, $0x38;
	[tilespmem:$0x1EA60] =	vst v63  }
0x5f: {  	_ =	swait.ge [sflag:s30], $0x2800  }
0x60: {  	[sflag:s30] =	ssyncset.done $0x0;
	s6 =	rddreg [dreg:$0x4]  }
0x61: {  	s22 =	rddreg [dreg:$0x9];
	[sflag:s30] =	ssyncadd.s32 $0xFFFFD800  }
.LBB2_4:
0x62: {  	[bflag:$0x0] =	sbarrier.arrive $0xFFFF;
	s1 =	simm.s32 $0x14260  }
0x63: {  	[tilespmem:s1], [sflag:$0x1] =	stream.indirect.gather [spmem:s3], $0x50, s17, s0, $0xb8;
	[tilespmem:$0x1EA60] =	vst v63  }
0x64: {  	s29 =	simm.s32 $0x0;
	s9 =	simm.s32 $0x13A60  }
0x65: {  	[tilespmem:s9], [sflag:$0x5] =	stream.linear.gather [hbm4b:s23+s29], $0x200, $0x38;
	[tilespmem:$0x1EA60] =	vst v63  }
0x66: {  	s4 =	simm.s32 $0x16A60;
	s17 =	simm.s32 $0xEAE0  }
0x67: {  	[tilespmem:s4], [sflag:$0x2] =	stream.indirect.gather [spmem:s3], $0x50, s17, s0, $0xb8;
	[tilespmem:$0x1EA60] =	vst v63  }
0x68: {  	s24 =	simm.s32 $0x13C60;
	s19 =	rddreg [dreg:$0x15]  }
0x69: {  	[tilespmem:s24], [sflag:$0x6] =	stream.linear.gather [hbm4b:s19+s29], $0x200, $0x38;
	[tilespmem:$0x1EA60] =	vst v63  }
.Ltmp4:
0x6a: {  	_ = 	snop;
	(pc) =	sbr.rel .LBB2_5-.Ltmp4, $4  }
0x6b: {  	s25 =	simm.s32 $0xEB60;
	s26 =	simm.s32 $0x19260  }
0x6c: {  	[tilespmem:s26], [sflag:$0x3] =	stream.indirect.gather [spmem:s3], $0x50, s25, s0, $0xb8;
	[tilespmem:$0x1EA60] =	vst v63  }
0x6d: {  	s31 =	simm.s32 $0x13E60;
	s28 =	rddreg [dreg:$0x16]  }
0x6e: {  	[tilespmem:s31], [sflag:$0x7] =	stream.linear.gather [hbm4b:s28+s29], $0x200, $0x38;
	[tilespmem:$0x1EA60] =	vst v63  }
.LBB2_21:
0x6f: {  	s1 =	sadd.s32 $0x6, s1  }
0x70: {  	p3 =	sge.u32 s1, s22  }
0x71: {  	s29 =	sadd.s32 $0x1, s29;
	s4 =	sshll.u32 @!p3 s1, $0x7  }
0x72: {  	s9 =	simm.s32 @!p3 $0x80;
	s1 =	sadd.s32 @!p3 s6, s1;
	s4 =	sand.u32 @!p3 $0x3FFFFF80, s4  }
0x73: {  	s17 =	simm.s32 @!p3 $0x19260;
	s1 =	sshll.u32 @!p3 s1, $0x6;
	s4 =	sadd.s32 @!p3 $0xEA60, s4  }
0x74: {  	[tilespmem:s17], [sflag:$0x3] =	stream.indirect.gather @!p3 [spmem:s3], $0x50, s4, s9, $0xb8;
	[tilespmem:$0x1EA60] =	vst v63  }
0x75: {  	s1 =	sadd.s32 @!p3 s5, s1;
	s4 =	simm.s32 @!p3 $0x0;
	s9 =	simm.s32 @!p3 $0x13E60  }
0x76: {  	[tilespmem:s9], [sflag:$0x7] =	stream.linear.gather @!p3 [hbm4b:s1+s4], $0x200, $0x38;
	[tilespmem:$0x1EA60] =	vst v63  }
0x77: {  	p3 =	sne.s32 s29, $0x14  }
.Ltmp5:
0x78: {  	_ = 	snop;
	(pc) =	sbr.rel @!p3 .LBB2_22-.Ltmp5, $1  }
0x79: {  	_ =	sdelay $0x3  }
.LBB2_5:
0x7a: {  	s1 =	sshll.u32 s29, $0x2  }
0x7b: {  	p3 =	sge.u32 s1, s22  }
.Ltmp6:
0x7c: {  	_ = 	snop;
	(pc) =	sbr.rel @p3 .LBB2_9-.Ltmp6, $1  }
0x7d: {  	_ =	sdelay $0x3  }
0x7e: {  	_ =	swait.ge [sflag:s8], $0x2800  }
0x7f: {  	[sflag:s8] =	ssyncset.done $0x0  }
0x80: {  	[sflag:s8] =	ssyncadd.s32 $0xFFFFD800  }
0x81: {  	_ =	swait.ge [sflag:s10], $0x200  }
0x82: {  	[sflag:s10] =	ssyncset.done $0x0  }
0x83: {  	s4 =	simm.s32 $0x0;
	[sflag:s10] =	ssyncadd.s32 $0xFFFFFE00  }
0x84: {  	v0 =	vld [tilespmem:s4+$0x13A60]  }
0x85: {  	s4 =	simm.s32 $0x14300  }
0x86: {  	v1 =	vld [tilespmem:s4+$0xFFFFFF60]  }
0x87: {  	v2 =	vld [tilespmem:s4+$0xFFFFFF70]  }
0x88: {  	v3 =	vld [tilespmem:s4+$0xFFFFFFA0]  }
0x89: {  	v4 =	vbroadcast v0, $0x0  }
0x8a: {  	v5 =	vld [tilespmem:s4+$0xFFFFFF80]  }
0x8b: {  	v6 =	vbroadcast v0, $0x1;
	v1 =	vmul.f32 v1, v4  }
0x8c: {  	v51 =	vld [tilespmem:s4+$0xFFFFFF90]  }
0x8d: {  	v7 =	vbroadcast v0, $0x2;
	v2 =	vmul.f32 v2, v6;
	v1 =	vadd.f32 v1, v3;
	_ =	sdelay $0x1  }
0x8e: {  	v3 =	vbroadcast v0, $0x3;
	v1 =	vadd.f32 v2, v1;
	v2 =	vmul.f32 v5, v7;
	_ =	sdelay $0x1  }
0x8f: {  	v1 =	vadd.f32 v2, v1;
	v2 =	vmul.f32 v51, v3;
	_ =	sdelay $0x1  }
0x90: {  	v1 =	vadd.f32 v2, v1  }
0x91: {  	s17 =	simm.s32 $0x1E280  }
0x92: {  	[tilespmem:s17+$0xFFFFFFE0] =	vst v1  }
0x93: {  	v1 =	vld [tilespmem:s4+$0xFFFFFFB0]  }
0x94: {  	v2 =	vld [tilespmem:s4+$0xFFFFFFC0]  }
0x95: {  	v3 =	vld [tilespmem:s4+$0xFFFFFFF0]  }
0x96: {  	v52 =	vbroadcast v0, $0x4  }
0x97: {  	v53 =	vld [tilespmem:s4+$0xFFFFFFD0]  }
0x98: {  	v54 =	vbroadcast v0, $0x5;
	v1 =	vmul.f32 v1, v52  }
0x99: {  	v55 =	vld [tilespmem:s4+$0xFFFFFFE0]  }
0x9a: {  	v2 =	vmul.f32 v2, v54;
	v1 =	vadd.f32 v1, v3;
	v3 =	vbroadcast v0, $0x6;
	_ =	sdelay $0x1  }
0x9b: {  	v1 =	vadd.f32 v2, v1;
	v2 =	vmul.f32 v53, v3;
	v3 =	vbroadcast v0, $0x7;
	_ =	sdelay $0x1  }
0x9c: {  	v1 =	vadd.f32 v2, v1;
	v2 =	vmul.f32 v55, v3;
	_ =	sdelay $0x1  }
0x9d: {  	v1 =	vadd.f32 v2, v1;
	_ =	sdelay $0x1  }
0x9e: {  	[tilespmem:s17+$0xFFFFFFF0] =	vst v1  }
0x9f: {  	v1 =	vld [tilespmem:s4+$0x0]  }
0xa0: {  	v2 =	vld [tilespmem:s4+$0x10]  }
0xa1: {  	v3 =	vld [tilespmem:s4+$0x40]  }
0xa2: {  	v56 =	vbroadcast v0, $0x8  }
0xa3: {  	v57 =	vld [tilespmem:s4+$0x20]  }
0xa4: {  	v58 =	vbroadcast v0, $0x9;
	v1 =	vmul.f32 v1, v56  }
0xa5: {  	v59 =	vld [tilespmem:s4+$0x30]  }
0xa6: {  	v2 =	vmul.f32 v2, v58;
	v1 =	vadd.f32 v1, v3;
	v3 =	vbroadcast v0, $0xA;
	_ =	sdelay $0x1  }
0xa7: {  	v1 =	vadd.f32 v2, v1;
	v2 =	vmul.f32 v57, v3;
	v3 =	vbroadcast v0, $0xB;
	_ =	sdelay $0x1  }
0xa8: {  	v1 =	vadd.f32 v2, v1;
	v2 =	vmul.f32 v59, v3;
	_ =	sdelay $0x1  }
0xa9: {  	v1 =	vadd.f32 v2, v1;
	_ =	sdelay $0x1  }
0xaa: {  	[tilespmem:s17+$0x0] =	vst v1  }
0xab: {  	v1 =	vld [tilespmem:s4+$0x50]  }
0xac: {  	v2 =	vld [tilespmem:s4+$0x90]  }
0xad: {  	v3 =	vld [tilespmem:s4+$0x60]  }
0xae: {  	v60 =	vbroadcast v0, $0xC  }
0xaf: {  	v61 =	vld [tilespmem:s4+$0x70]  }
0xb0: {  	v62 =	vbroadcast v0, $0xD;
	v1 =	vmul.f32 v1, v60  }
0xb1: {  	v63 =	vld [tilespmem:s4+$0x80]  }
0xb2: {  	v1 =	vadd.f32 v1, v2;
	v2 =	vmul.f32 v3, v62;
	v3 =	vbroadcast v0, $0xE;
	_ =	sdelay $0x1  }
0xb3: {  	v0 =	vbroadcast v0, $0xF;
	v1 =	vadd.f32 v2, v1;
	v2 =	vmul.f32 v61, v3;
	_ =	sdelay $0x1  }
0xb4: {  	v0 =	vmul.f32 v63, v0;
	v1 =	vadd.f32 v2, v1;
	_ =	sdelay $0x1  }
0xb5: {  	s19 =	simm.s32 $0x40;
	s25 =	simm.s32 $0x80;
	s9 =	simm.s32 $0x1E2C0;
	v0 =	vadd.f32 v0, v1  }
.LBB2_7:
0xb6: {  	s26 =	sshra.s32 s19, $0x2;
	s4 =	sadd.s32 $0x140, s4  }
0xb7: {  	[tilespmem:s17+$0x10] =	vst v0;
	s19 =	smov.u32 s25;
	s24 =	sadd.s32 $0x40, s25;
	s17 =	smov.u32 s9  }
0xb8: {  	p3 =	sne.s32 s25, $0x7C0;
	v0 =	vld [tilespmem:s26+$0x13A60];
	_ =	sdelay $0x1  }
0xb9: {  	v1 =	vld [tilespmem:s4+$0xFFFFFF60]  }
0xba: {  	v2 =	vld [tilespmem:s4+$0xFFFFFF70]  }
0xbb: {  	v3 =	vld [tilespmem:s4+$0xFFFFFFA0]  }
0xbc: {  	v4 =	vbroadcast v0, $0x0;
	v5 =	vbroadcast v0, $0x1  }
0xbd: {  	v7 =	vbroadcast v0, $0x2;
	v8 =	vbroadcast v0, $0x3;
	v6 =	vld [tilespmem:s4+$0xFFFFFF80]  }
0xbe: {  	v1 =	vmul.f32 v1, v4  }
0xbf: {  	v4 =	vld [tilespmem:s4+$0xFFFFFF90]  }
0xc0: {  	v2 =	vmul.f32 v2, v5;
	v1 =	vadd.f32 v1, v3;
	_ =	sdelay $0x1  }
0xc1: {  	v1 =	vadd.f32 v2, v1;
	v2 =	vmul.f32 v6, v7;
	_ =	sdelay $0x1  }
0xc2: {  	v1 =	vadd.f32 v2, v1;
	v2 =	vmul.f32 v4, v8;
	_ =	sdelay $0x1  }
0xc3: {  	v1 =	vadd.f32 v2, v1;
	_ =	sdelay $0x1  }
0xc4: {  	[tilespmem:s9+$0xFFFFFFE0] =	vst v1  }
0xc5: {  	v1 =	vld [tilespmem:s4+$0xFFFFFFB0]  }
0xc6: {  	v2 =	vld [tilespmem:s4+$0xFFFFFFC0]  }
0xc7: {  	v3 =	vld [tilespmem:s4+$0xFFFFFFF0]  }
0xc8: {  	v4 =	vbroadcast v0, $0x4  }
0xc9: {  	v5 =	vld [tilespmem:s4+$0xFFFFFFD0]  }
0xca: {  	v1 =	vmul.f32 v1, v4;
	v4 =	vbroadcast v0, $0x5  }
0xcb: {  	v6 =	vld [tilespmem:s4+$0xFFFFFFE0]  }
0xcc: {  	v1 =	vadd.f32 v1, v3;
	v2 =	vmul.f32 v2, v4;
	v3 =	vbroadcast v0, $0x6;
	_ =	sdelay $0x1  }
0xcd: {  	v1 =	vadd.f32 v2, v1;
	v2 =	vmul.f32 v5, v3;
	v3 =	vbroadcast v0, $0x7;
	_ =	sdelay $0x1  }
0xce: {  	v1 =	vadd.f32 v2, v1;
	v2 =	vmul.f32 v6, v3;
	_ =	sdelay $0x1  }
0xcf: {  	v1 =	vadd.f32 v2, v1;
	_ =	sdelay $0x1  }
0xd0: {  	[tilespmem:s9+$0xFFFFFFF0] =	vst v1  }
0xd1: {  	v1 =	vld [tilespmem:s4+$0x0]  }
0xd2: {  	v2 =	vld [tilespmem:s4+$0x10]  }
0xd3: {  	v3 =	vld [tilespmem:s4+$0x40]  }
0xd4: {  	v4 =	vbroadcast v0, $0x8  }
0xd5: {  	v5 =	vld [tilespmem:s4+$0x20]  }
0xd6: {  	v1 =	vmul.f32 v1, v4;
	v4 =	vbroadcast v0, $0x9  }
0xd7: {  	v6 =	vld [tilespmem:s4+$0x30]  }
0xd8: {  	v1 =	vadd.f32 v1, v3;
	v2 =	vmul.f32 v2, v4;
	v3 =	vbroadcast v0, $0xA;
	_ =	sdelay $0x1  }
0xd9: {  	v1 =	vadd.f32 v2, v1;
	v2 =	vmul.f32 v5, v3;
	v3 =	vbroadcast v0, $0xB;
	_ =	sdelay $0x1  }
0xda: {  	v1 =	vadd.f32 v2, v1;
	v2 =	vmul.f32 v6, v3;
	_ =	sdelay $0x1  }
0xdb: {  	v1 =	vadd.f32 v2, v1;
	_ =	sdelay $0x1  }
0xdc: {  	[tilespmem:s9+$0x0] =	vst v1  }
0xdd: {  	v1 =	vld [tilespmem:s4+$0x50]  }
0xde: {  	v2 =	vld [tilespmem:s4+$0x90]  }
0xdf: {  	v3 =	vld [tilespmem:s4+$0x60]  }
0xe0: {  	v4 =	vbroadcast v0, $0xC;
	v5 =	vld [tilespmem:s4+$0x70]  }
0xe1: {  	v6 =	vld [tilespmem:s4+$0x80]  }
0xe2: {  	v1 =	vmul.f32 v1, v4;
	v4 =	vbroadcast v0, $0xD;
	_ =	sdelay $0x1  }
0xe3: {  	v1 =	vadd.f32 v1, v2;
	v2 =	vmul.f32 v3, v4;
	v3 =	vbroadcast v0, $0xE;
	_ =	sdelay $0x1  }
0xe4: {  	v0 =	vbroadcast v0, $0xF;
	v1 =	vadd.f32 v2, v1;
	v2 =	vmul.f32 v5, v3  }
.Ltmp7:
0xe5: {  	(pc) =	sbr.rel @p3 .LBB2_7-.Ltmp7, $3  }
0xe6: {  	v0 =	vmul.f32 v6, v0;
	v1 =	vadd.f32 v2, v1;
	_ =	sdelay $0x1  }
0xe7: {  	v0 =	vadd.f32 v0, v1  }
0xe8: {  	s25 =	smov.u32 s24;
	s9 =	sadd.s32 $0x40, s9  }
0xe9: {  	s19 =	sshra.s32 s19, $0x2;
	[tilespmem:s17+$0x10] =	vst v0  }
0xea: {  	v0 =	vld [tilespmem:s19+$0x13A60]  }
0xeb: {  	s4 =	sadd.s32 $0x140, s4  }
0xec: {  	v1 =	vld [tilespmem:s4+$0xFFFFFF60]  }
0xed: {  	v2 =	vld [tilespmem:s4+$0xFFFFFF70]  }
0xee: {  	v3 =	vld [tilespmem:s4+$0xFFFFFFA0]  }
0xef: {  	v4 =	vbroadcast v0, $0x0  }
0xf0: {  	v5 =	vld [tilespmem:s4+$0xFFFFFF80]  }
0xf1: {  	v6 =	vbroadcast v0, $0x1;
	v1 =	vmul.f32 v1, v4  }
0xf2: {  	v31 =	vld [tilespmem:s4+$0xFFFFFF90]  }
0xf3: {  	v7 =	vbroadcast v0, $0x2;
	v2 =	vmul.f32 v2, v6;
	v1 =	vadd.f32 v1, v3;
	_ =	sdelay $0x1  }
0xf4: {  	v32 =	vbroadcast v0, $0x3;
	v33 =	vmul.f32 v5, v7;
	v1 =	vadd.f32 v2, v1;
	_ =	sdelay $0x1  }
0xf5: {  	v34 =	vmul.f32 v31, v32;
	v1 =	vadd.f32 v33, v1;
	_ =	sdelay $0x1  }
0xf6: {  	v1 =	vadd.f32 v34, v1;
	_ =	sdelay $0x1  }
0xf7: {  	[tilespmem:s9+$0xFFFFFFE0] =	vst v1  }
0xf8: {  	v1 =	vld [tilespmem:s4+$0xFFFFFFB0]  }
0xf9: {  	v35 =	vld [tilespmem:s4+$0xFFFFFFC0]  }
0xfa: {  	v36 =	vld [tilespmem:s4+$0xFFFFFFF0]  }
0xfb: {  	v37 =	vbroadcast v0, $0x4  }
0xfc: {  	v38 =	vld [tilespmem:s4+$0xFFFFFFD0]  }
0xfd: {  	v39 =	vbroadcast v0, $0x5;
	v1 =	vmul.f32 v1, v37  }
0xfe: {  	v40 =	vld [tilespmem:s4+$0xFFFFFFE0]  }
0xff: {  	v41 =	vbroadcast v0, $0x6;
	v2 =	vmul.f32 v35, v39;
	v1 =	vadd.f32 v1, v36;
	_ =	sdelay $0x1  }
0x100: {  	v43 =	vbroadcast v0, $0x7;
	v42 =	vmul.f32 v38, v41;
	v1 =	vadd.f32 v2, v1;
	_ =	sdelay $0x1  }
0x101: {  	v44 =	vmul.f32 v40, v43;
	v1 =	vadd.f32 v42, v1;
	_ =	sdelay $0x1  }
0x102: {  	v1 =	vadd.f32 v44, v1;
	_ =	sdelay $0x1  }
0x103: {  	[tilespmem:s9+$0xFFFFFFF0] =	vst v1  }
0x104: {  	v1 =	vld [tilespmem:s4+$0x0]  }
0x105: {  	v45 =	vld [tilespmem:s4+$0x10]  }
0x106: {  	v46 =	vld [tilespmem:s4+$0x40]  }
0x107: {  	v47 =	vbroadcast v0, $0x8  }
0x108: {  	v48 =	vld [tilespmem:s4+$0x20]  }
0x109: {  	v49 =	vbroadcast v0, $0x9;
	v1 =	vmul.f32 v1, v47  }
0x10a: {  	v50 =	vld [tilespmem:s4+$0x30]  }
0x10b: {  	v51 =	vbroadcast v0, $0xA;
	v2 =	vmul.f32 v45, v49;
	v1 =	vadd.f32 v1, v46;
	_ =	sdelay $0x1  }
0x10c: {  	v53 =	vbroadcast v0, $0xB;
	v52 =	vmul.f32 v48, v51;
	v1 =	vadd.f32 v2, v1;
	_ =	sdelay $0x1  }
0x10d: {  	v54 =	vmul.f32 v50, v53;
	v1 =	vadd.f32 v52, v1;
	_ =	sdelay $0x1  }
0x10e: {  	v1 =	vadd.f32 v54, v1;
	_ =	sdelay $0x1  }
0x10f: {  	[tilespmem:s9+$0x0] =	vst v1  }
0x110: {  	v1 =	vld [tilespmem:s4+$0x50]  }
0x111: {  	v55 =	vld [tilespmem:s4+$0x90]  }
0x112: {  	v56 =	vld [tilespmem:s4+$0x60]  }
0x113: {  	v57 =	vbroadcast v0, $0xC  }
0x114: {  	v58 =	vld [tilespmem:s4+$0x70]  }
0x115: {  	v59 =	vbroadcast v0, $0xD;
	v1 =	vmul.f32 v1, v57  }
0x116: {  	v60 =	vld [tilespmem:s4+$0x80]  }
0x117: {  	v62 =	vbroadcast v0, $0xE;
	v61 =	vmul.f32 v56, v59;
	v1 =	vadd.f32 v1, v55;
	_ =	sdelay $0x1  }
0x118: {  	v0 =	vbroadcast v0, $0xF;
	v63 =	vmul.f32 v58, v62;
	v1 =	vadd.f32 v61, v1;
	_ =	sdelay $0x1  }
0x119: {  	v0 =	vmul.f32 v60, v0;
	v1 =	vadd.f32 v63, v1;
	_ =	sdelay $0x1  }
0x11a: {  	s31 =	sshll.u32 s29, $0x9;
	v0 =	vadd.f32 v0, v1  }
0x11b: {  	s4 =	sand.u32 $0x3FFFFE00, s31  }
0x11c: {  	s4 =	sadd.s32 $0x11260, s4;
	[tilespmem:s9+$0x10] =	vst v0  }
0x11d: {  	[spmem:s2] =	stream.indirect.scatter.add.f32 [tilespmem:s11], [sflag:$0x9], $0x10, s4, s0, $0xb8;
	[tilespmem:$0x1EA60] =	vst v63  }
0x11e: {  	_ =	swait.ge [sflag:s30], $0x800  }
0x11f: {  	[sflag:s30] =	ssyncset.done $0x0  }
0x120: {  	[sflag:s30] =	ssyncadd.s32 $0xFFFFF800  }
.LBB2_9:
0x121: {  	s4 =	sor.u32 $0x3, s1  }
0x122: {  	p3 =	sge.u32 s4, s22  }
0x123: {  	s9 =	sshll.u32 @!p3 s4, $0x7  }
0x124: {  	s9 =	sand.u32 @!p3 $0x3FFFFF80, s9  }
0x125: {  	s17 =	simm.s32 @!p3 $0x80;
	s19 =	simm.s32 @!p3 $0x1BA60;
	s9 =	sadd.s32 @!p3 $0xEA60, s9  }
0x126: {  	[tilespmem:s19], [sflag:$0x4] =	stream.indirect.gather @!p3 [spmem:s3], $0x50, s9, s17, $0xb8;
	[tilespmem:$0x1EA60] =	vst v63  }
0x127: {  	s9 =	sadd.s32 @!p3 s6, s4  }
0x128: {  	s9 =	sshll.u32 @!p3 s9, $0x6  }
0x129: {  	s17 =	simm.s32 @!p3 $0x0;
	s19 =	simm.s32 @!p3 $0x14060;
	s9 =	sadd.s32 @!p3 s5, s9  }
0x12a: {  	[tilespmem:s19], [sflag:$0x8] =	stream.linear.gather @!p3 [hbm4b:s9+s17], $0x200, $0x38;
	[tilespmem:$0x1EA60] =	vst v63  }
0x12b: {  	s9 =	sor.u32 $0x1, s1  }
0x12c: {  	p4 =	sge.u32 s9, s22  }
.Ltmp8:
0x12d: {  	_ = 	snop;
	(pc) =	sbr.rel @p4 .LBB2_13-.Ltmp8, $1  }
0x12e: {  	_ =	sdelay $0x3  }
0x12f: {  	_ =	swait.ge [sflag:s13], $0x2800  }
0x130: {  	[sflag:s13] =	ssyncset.done $0x0  }
0x131: {  	[sflag:s13] =	ssyncadd.s32 $0xFFFFD800  }
0x132: {  	_ =	swait.ge [sflag:s14], $0x200  }
0x133: {  	[sflag:s14] =	ssyncset.done $0x0  }
0x134: {  	s17 =	simm.s32 $0x0;
	[sflag:s14] =	ssyncadd.s32 $0xFFFFFE00  }
0x135: {  	v0 =	vld [tilespmem:s17+$0x13C60]  }
0x136: {  	s31 =	simm.s32 $0x16B00  }
0x137: {  	v1 =	vld [tilespmem:s31+$0xFFFFFF60]  }
0x138: {  	v2 =	vld [tilespmem:s31+$0xFFFFFF70]  }
0x139: {  	v3 =	vld [tilespmem:s31+$0xFFFFFFA0]  }
0x13a: {  	v4 =	vbroadcast v0, $0x0  }
0x13b: {  	v5 =	vld [tilespmem:s31+$0xFFFFFF80]  }
0x13c: {  	v6 =	vbroadcast v0, $0x1;
	v1 =	vmul.f32 v1, v4  }
0x13d: {  	v51 =	vld [tilespmem:s31+$0xFFFFFF90]  }
0x13e: {  	v7 =	vbroadcast v0, $0x2;
	v2 =	vmul.f32 v2, v6;
	v1 =	vadd.f32 v1, v3;
	_ =	sdelay $0x1  }
0x13f: {  	v3 =	vbroadcast v0, $0x3;
	v1 =	vadd.f32 v2, v1;
	v2 =	vmul.f32 v5, v7;
	_ =	sdelay $0x1  }
0x140: {  	v1 =	vadd.f32 v2, v1;
	v2 =	vmul.f32 v51, v3;
	_ =	sdelay $0x1  }
0x141: {  	v1 =	vadd.f32 v2, v1  }
0x142: {  	s19 =	simm.s32 $0x1E280  }
0x143: {  	[tilespmem:s19+$0xFFFFFFE0] =	vst v1  }
0x144: {  	v1 =	vld [tilespmem:s31+$0xFFFFFFB0]  }
0x145: {  	v2 =	vld [tilespmem:s31+$0xFFFFFFC0]  }
0x146: {  	v3 =	vld [tilespmem:s31+$0xFFFFFFF0]  }
0x147: {  	v52 =	vbroadcast v0, $0x4  }
0x148: {  	v53 =	vld [tilespmem:s31+$0xFFFFFFD0]  }
0x149: {  	v54 =	vbroadcast v0, $0x5;
	v1 =	vmul.f32 v1, v52  }
0x14a: {  	v55 =	vld [tilespmem:s31+$0xFFFFFFE0]  }
0x14b: {  	v2 =	vmul.f32 v2, v54;
	v1 =	vadd.f32 v1, v3;
	v3 =	vbroadcast v0, $0x6;
	_ =	sdelay $0x1  }
0x14c: {  	v1 =	vadd.f32 v2, v1;
	v2 =	vmul.f32 v53, v3;
	v3 =	vbroadcast v0, $0x7;
	_ =	sdelay $0x1  }
0x14d: {  	v1 =	vadd.f32 v2, v1;
	v2 =	vmul.f32 v55, v3;
	_ =	sdelay $0x1  }
0x14e: {  	v1 =	vadd.f32 v2, v1;
	_ =	sdelay $0x1  }
0x14f: {  	[tilespmem:s19+$0xFFFFFFF0] =	vst v1  }
0x150: {  	v1 =	vld [tilespmem:s31+$0x0]  }
0x151: {  	v2 =	vld [tilespmem:s31+$0x10]  }
0x152: {  	v3 =	vld [tilespmem:s31+$0x40]  }
0x153: {  	v56 =	vbroadcast v0, $0x8  }
0x154: {  	v57 =	vld [tilespmem:s31+$0x20]  }
0x155: {  	v58 =	vbroadcast v0, $0x9;
	v1 =	vmul.f32 v1, v56  }
0x156: {  	v59 =	vld [tilespmem:s31+$0x30]  }
0x157: {  	v2 =	vmul.f32 v2, v58;
	v1 =	vadd.f32 v1, v3;
	v3 =	vbroadcast v0, $0xA;
	_ =	sdelay $0x1  }
0x158: {  	v1 =	vadd.f32 v2, v1;
	v2 =	vmul.f32 v57, v3;
	v3 =	vbroadcast v0, $0xB;
	_ =	sdelay $0x1  }
0x159: {  	v1 =	vadd.f32 v2, v1;
	v2 =	vmul.f32 v59, v3;
	_ =	sdelay $0x1  }
0x15a: {  	v1 =	vadd.f32 v2, v1;
	_ =	sdelay $0x1  }
0x15b: {  	[tilespmem:s19+$0x0] =	vst v1  }
0x15c: {  	v1 =	vld [tilespmem:s31+$0x50]  }
0x15d: {  	v2 =	vld [tilespmem:s31+$0x90]  }
0x15e: {  	v3 =	vld [tilespmem:s31+$0x60]  }
0x15f: {  	v60 =	vbroadcast v0, $0xC  }
0x160: {  	v61 =	vld [tilespmem:s31+$0x70]  }
0x161: {  	v62 =	vbroadcast v0, $0xD;
	v1 =	vmul.f32 v1, v60  }
0x162: {  	v63 =	vld [tilespmem:s31+$0x80]  }
0x163: {  	v1 =	vadd.f32 v1, v2;
	v2 =	vmul.f32 v3, v62;
	v3 =	vbroadcast v0, $0xE;
	_ =	sdelay $0x1  }
0x164: {  	v0 =	vbroadcast v0, $0xF;
	v1 =	vadd.f32 v2, v1;
	v2 =	vmul.f32 v61, v3;
	_ =	sdelay $0x1  }
0x165: {  	v0 =	vmul.f32 v63, v0;
	v1 =	vadd.f32 v2, v1;
	_ =	sdelay $0x1  }
0x166: {  	s24 =	simm.s32 $0x40;
	s25 =	simm.s32 $0x80;
	s17 =	simm.s32 $0x1E2C0;
	v0 =	vadd.f32 v0, v1  }
.LBB2_11:
0x167: {  	s28 =	sshra.s32 s24, $0x2;
	s31 =	sadd.s32 $0x140, s31  }
0x168: {  	[tilespmem:s19+$0x10] =	vst v0;
	s24 =	smov.u32 s25;
	s26 =	sadd.s32 $0x40, s25;
	s19 =	smov.u32 s17  }
0x169: {  	p4 =	sne.s32 s25, $0x7C0;
	v0 =	vld [tilespmem:s28+$0x13C60];
	_ =	sdelay $0x1  }
0x16a: {  	v1 =	vld [tilespmem:s31+$0xFFFFFF60]  }
0x16b: {  	v2 =	vld [tilespmem:s31+$0xFFFFFF70]  }
0x16c: {  	v3 =	vld [tilespmem:s31+$0xFFFFFFA0]  }
0x16d: {  	v4 =	vbroadcast v0, $0x0;
	v5 =	vbroadcast v0, $0x1  }
0x16e: {  	v7 =	vbroadcast v0, $0x2;
	v8 =	vbroadcast v0, $0x3;
	v6 =	vld [tilespmem:s31+$0xFFFFFF80]  }
0x16f: {  	v1 =	vmul.f32 v1, v4  }
0x170: {  	v4 =	vld [tilespmem:s31+$0xFFFFFF90]  }
0x171: {  	v2 =	vmul.f32 v2, v5;
	v1 =	vadd.f32 v1, v3;
	_ =	sdelay $0x1  }
0x172: {  	v1 =	vadd.f32 v2, v1;
	v2 =	vmul.f32 v6, v7;
	_ =	sdelay $0x1  }
0x173: {  	v1 =	vadd.f32 v2, v1;
	v2 =	vmul.f32 v4, v8;
	_ =	sdelay $0x1  }
0x174: {  	v1 =	vadd.f32 v2, v1;
	_ =	sdelay $0x1  }
0x175: {  	[tilespmem:s17+$0xFFFFFFE0] =	vst v1  }
0x176: {  	v1 =	vld [tilespmem:s31+$0xFFFFFFB0]  }
0x177: {  	v2 =	vld [tilespmem:s31+$0xFFFFFFC0]  }
0x178: {  	v3 =	vld [tilespmem:s31+$0xFFFFFFF0]  }
0x179: {  	v4 =	vbroadcast v0, $0x4  }
0x17a: {  	v5 =	vld [tilespmem:s31+$0xFFFFFFD0]  }
0x17b: {  	v1 =	vmul.f32 v1, v4;
	v4 =	vbroadcast v0, $0x5  }
0x17c: {  	v6 =	vld [tilespmem:s31+$0xFFFFFFE0]  }
0x17d: {  	v1 =	vadd.f32 v1, v3;
	v2 =	vmul.f32 v2, v4;
	v3 =	vbroadcast v0, $0x6;
	_ =	sdelay $0x1  }
0x17e: {  	v1 =	vadd.f32 v2, v1;
	v2 =	vmul.f32 v5, v3;
	v3 =	vbroadcast v0, $0x7;
	_ =	sdelay $0x1  }
0x17f: {  	v1 =	vadd.f32 v2, v1;
	v2 =	vmul.f32 v6, v3;
	_ =	sdelay $0x1  }
0x180: {  	v1 =	vadd.f32 v2, v1;
	_ =	sdelay $0x1  }
0x181: {  	[tilespmem:s17+$0xFFFFFFF0] =	vst v1  }
0x182: {  	v1 =	vld [tilespmem:s31+$0x0]  }
0x183: {  	v2 =	vld [tilespmem:s31+$0x10]  }
0x184: {  	v3 =	vld [tilespmem:s31+$0x40]  }
0x185: {  	v4 =	vbroadcast v0, $0x8  }
0x186: {  	v5 =	vld [tilespmem:s31+$0x20]  }
0x187: {  	v1 =	vmul.f32 v1, v4;
	v4 =	vbroadcast v0, $0x9  }
0x188: {  	v6 =	vld [tilespmem:s31+$0x30]  }
0x189: {  	v1 =	vadd.f32 v1, v3;
	v2 =	vmul.f32 v2, v4;
	v3 =	vbroadcast v0, $0xA;
	_ =	sdelay $0x1  }
0x18a: {  	v1 =	vadd.f32 v2, v1;
	v2 =	vmul.f32 v5, v3;
	v3 =	vbroadcast v0, $0xB;
	_ =	sdelay $0x1  }
0x18b: {  	v1 =	vadd.f32 v2, v1;
	v2 =	vmul.f32 v6, v3;
	_ =	sdelay $0x1  }
0x18c: {  	v1 =	vadd.f32 v2, v1;
	_ =	sdelay $0x1  }
0x18d: {  	[tilespmem:s17+$0x0] =	vst v1  }
0x18e: {  	v1 =	vld [tilespmem:s31+$0x50]  }
0x18f: {  	v2 =	vld [tilespmem:s31+$0x90]  }
0x190: {  	v3 =	vld [tilespmem:s31+$0x60]  }
0x191: {  	v4 =	vbroadcast v0, $0xC;
	v5 =	vld [tilespmem:s31+$0x70]  }
0x192: {  	v6 =	vld [tilespmem:s31+$0x80]  }
0x193: {  	v1 =	vmul.f32 v1, v4;
	v4 =	vbroadcast v0, $0xD;
	_ =	sdelay $0x1  }
0x194: {  	v1 =	vadd.f32 v1, v2;
	v2 =	vmul.f32 v3, v4;
	v3 =	vbroadcast v0, $0xE;
	_ =	sdelay $0x1  }
0x195: {  	v0 =	vbroadcast v0, $0xF;
	v1 =	vadd.f32 v2, v1;
	v2 =	vmul.f32 v5, v3  }
.Ltmp9:
0x196: {  	(pc) =	sbr.rel @p4 .LBB2_11-.Ltmp9, $3  }
0x197: {  	v0 =	vmul.f32 v6, v0;
	v1 =	vadd.f32 v2, v1;
	_ =	sdelay $0x1  }
0x198: {  	v0 =	vadd.f32 v0, v1  }
0x199: {  	s25 =	smov.u32 s26;
	s17 =	sadd.s32 $0x40, s17  }
0x19a: {  	s24 =	sshra.s32 s24, $0x2;
	[tilespmem:s19+$0x10] =	vst v0  }
0x19b: {  	v0 =	vld [tilespmem:s24+$0x13C60]  }
0x19c: {  	s31 =	sadd.s32 $0x140, s31  }
0x19d: {  	v1 =	vld [tilespmem:s31+$0xFFFFFF60]  }
0x19e: {  	v2 =	vld [tilespmem:s31+$0xFFFFFF70]  }
0x19f: {  	v3 =	vld [tilespmem:s31+$0xFFFFFFA0]  }
0x1a0: {  	v4 =	vbroadcast v0, $0x0  }
0x1a1: {  	v5 =	vld [tilespmem:s31+$0xFFFFFF80]  }
0x1a2: {  	v6 =	vbroadcast v0, $0x1;
	v1 =	vmul.f32 v1, v4  }
0x1a3: {  	v31 =	vld [tilespmem:s31+$0xFFFFFF90]  }
0x1a4: {  	v7 =	vbroadcast v0, $0x2;
	v2 =	vmul.f32 v2, v6;
	v1 =	vadd.f32 v1, v3;
	_ =	sdelay $0x1  }
0x1a5: {  	v32 =	vbroadcast v0, $0x3;
	v33 =	vmul.f32 v5, v7;
	v1 =	vadd.f32 v2, v1;
	_ =	sdelay $0x1  }
0x1a6: {  	v34 =	vmul.f32 v31, v32;
	v1 =	vadd.f32 v33, v1;
	_ =	sdelay $0x1  }
0x1a7: {  	v1 =	vadd.f32 v34, v1;
	_ =	sdelay $0x1  }
0x1a8: {  	[tilespmem:s17+$0xFFFFFFE0] =	vst v1  }
0x1a9: {  	v1 =	vld [tilespmem:s31+$0xFFFFFFB0]  }
0x1aa: {  	v35 =	vld [tilespmem:s31+$0xFFFFFFC0]  }
0x1ab: {  	v36 =	vld [tilespmem:s31+$0xFFFFFFF0]  }
0x1ac: {  	v37 =	vbroadcast v0, $0x4  }
0x1ad: {  	v38 =	vld [tilespmem:s31+$0xFFFFFFD0]  }
0x1ae: {  	v39 =	vbroadcast v0, $0x5;
	v1 =	vmul.f32 v1, v37  }
0x1af: {  	v40 =	vld [tilespmem:s31+$0xFFFFFFE0]  }
0x1b0: {  	v41 =	vbroadcast v0, $0x6;
	v2 =	vmul.f32 v35, v39;
	v1 =	vadd.f32 v1, v36;
	_ =	sdelay $0x1  }
0x1b1: {  	v43 =	vbroadcast v0, $0x7;
	v42 =	vmul.f32 v38, v41;
	v1 =	vadd.f32 v2, v1;
	_ =	sdelay $0x1  }
0x1b2: {  	v44 =	vmul.f32 v40, v43;
	v1 =	vadd.f32 v42, v1;
	_ =	sdelay $0x1  }
0x1b3: {  	v1 =	vadd.f32 v44, v1;
	_ =	sdelay $0x1  }
0x1b4: {  	[tilespmem:s17+$0xFFFFFFF0] =	vst v1  }
0x1b5: {  	v1 =	vld [tilespmem:s31+$0x0]  }
0x1b6: {  	v45 =	vld [tilespmem:s31+$0x10]  }
0x1b7: {  	v46 =	vld [tilespmem:s31+$0x40]  }
0x1b8: {  	v47 =	vbroadcast v0, $0x8  }
0x1b9: {  	v48 =	vld [tilespmem:s31+$0x20]  }
0x1ba: {  	v49 =	vbroadcast v0, $0x9;
	v1 =	vmul.f32 v1, v47  }
0x1bb: {  	v50 =	vld [tilespmem:s31+$0x30]  }
0x1bc: {  	v51 =	vbroadcast v0, $0xA;
	v2 =	vmul.f32 v45, v49;
	v1 =	vadd.f32 v1, v46;
	_ =	sdelay $0x1  }
0x1bd: {  	v53 =	vbroadcast v0, $0xB;
	v52 =	vmul.f32 v48, v51;
	v1 =	vadd.f32 v2, v1;
	_ =	sdelay $0x1  }
0x1be: {  	v54 =	vmul.f32 v50, v53;
	v1 =	vadd.f32 v52, v1;
	_ =	sdelay $0x1  }
0x1bf: {  	v1 =	vadd.f32 v54, v1;
	_ =	sdelay $0x1  }
0x1c0: {  	[tilespmem:s17+$0x0] =	vst v1  }
0x1c1: {  	v1 =	vld [tilespmem:s31+$0x50]  }
0x1c2: {  	v55 =	vld [tilespmem:s31+$0x90]  }
0x1c3: {  	v56 =	vld [tilespmem:s31+$0x60]  }
0x1c4: {  	v57 =	vbroadcast v0, $0xC  }
0x1c5: {  	v58 =	vld [tilespmem:s31+$0x70]  }
0x1c6: {  	v59 =	vbroadcast v0, $0xD;
	v1 =	vmul.f32 v1, v57  }
0x1c7: {  	v60 =	vld [tilespmem:s31+$0x80]  }
0x1c8: {  	v62 =	vbroadcast v0, $0xE;
	v61 =	vmul.f32 v56, v59;
	v1 =	vadd.f32 v1, v55;
	_ =	sdelay $0x1  }
0x1c9: {  	v0 =	vbroadcast v0, $0xF;
	v63 =	vmul.f32 v58, v62;
	v1 =	vadd.f32 v61, v1;
	_ =	sdelay $0x1  }
0x1ca: {  	v0 =	vmul.f32 v60, v0;
	v1 =	vadd.f32 v63, v1;
	_ =	sdelay $0x1  }
0x1cb: {  	s9 =	sshll.u32 s9, $0x7;
	v0 =	vadd.f32 v0, v1  }
0x1cc: {  	s9 =	sand.u32 $0x3FFFFF80, s9  }
0x1cd: {  	s9 =	sadd.s32 $0x11260, s9;
	[tilespmem:s17+$0x10] =	vst v0  }
0x1ce: {  	[spmem:s2] =	stream.indirect.scatter.add.f32 [tilespmem:s11], [sflag:$0x9], $0x10, s9, s0, $0xb8;
	[tilespmem:$0x1EA60] =	vst v63  }
0x1cf: {  	_ =	swait.ge [sflag:s30], $0x800  }
0x1d0: {  	[sflag:s30] =	ssyncset.done $0x0  }
0x1d1: {  	[sflag:s30] =	ssyncadd.s32 $0xFFFFF800  }
.LBB2_13:
0x1d2: {  	s9 =	sadd.s32 $0x4, s1  }
0x1d3: {  	p4 =	sge.u32 s9, s22  }
0x1d4: {  	s17 =	sshll.u32 @!p4 s9, $0x7  }
0x1d5: {  	s19 =	simm.s32 @!p4 $0x80;
	s9 =	sadd.s32 @!p4 s6, s9;
	s17 =	sand.u32 @!p4 $0x3FFFFF80, s17  }
0x1d6: {  	s24 =	simm.s32 @!p4 $0x14260;
	s9 =	sshll.u32 @!p4 s9, $0x6;
	s17 =	sadd.s32 @!p4 $0xEA60, s17  }
0x1d7: {  	[tilespmem:s24], [sflag:$0x1] =	stream.indirect.gather @!p4 [spmem:s3], $0x50, s17, s19, $0xb8;
	[tilespmem:$0x1EA60] =	vst v63  }
0x1d8: {  	s9 =	sadd.s32 @!p4 s5, s9;
	s17 =	simm.s32 @!p4 $0x0;
	s19 =	simm.s32 @!p4 $0x13A60  }
0x1d9: {  	[tilespmem:s19], [sflag:$0x5] =	stream.linear.gather @!p4 [hbm4b:s9+s17], $0x200, $0x38;
	[tilespmem:$0x1EA60] =	vst v63  }
0x1da: {  	s9 =	sor.u32 $0x2, s1  }
0x1db: {  	p4 =	sge.u32 s9, s22  }
.Ltmp10:
0x1dc: {  	_ = 	snop;
	(pc) =	sbr.rel @p4 .LBB2_17-.Ltmp10, $1  }
0x1dd: {  	_ =	sdelay $0x3  }
0x1de: {  	_ =	swait.ge [sflag:s16], $0x2800  }
0x1df: {  	[sflag:s16] =	ssyncset.done $0x0  }
0x1e0: {  	[sflag:s16] =	ssyncadd.s32 $0xFFFFD800  }
0x1e1: {  	_ =	swait.ge [sflag:s18], $0x200  }
0x1e2: {  	[sflag:s18] =	ssyncset.done $0x0  }
0x1e3: {  	s17 =	simm.s32 $0x0;
	[sflag:s18] =	ssyncadd.s32 $0xFFFFFE00  }
0x1e4: {  	v0 =	vld [tilespmem:s17+$0x13E60]  }
0x1e5: {  	s31 =	simm.s32 $0x19300  }
0x1e6: {  	v1 =	vld [tilespmem:s31+$0xFFFFFF60]  }
0x1e7: {  	v2 =	vld [tilespmem:s31+$0xFFFFFF70]  }
0x1e8: {  	v3 =	vld [tilespmem:s31+$0xFFFFFFA0]  }
0x1e9: {  	v4 =	vbroadcast v0, $0x0  }
0x1ea: {  	v5 =	vld [tilespmem:s31+$0xFFFFFF80]  }
0x1eb: {  	v6 =	vbroadcast v0, $0x1;
	v1 =	vmul.f32 v1, v4  }
0x1ec: {  	v51 =	vld [tilespmem:s31+$0xFFFFFF90]  }
0x1ed: {  	v7 =	vbroadcast v0, $0x2;
	v2 =	vmul.f32 v2, v6;
	v1 =	vadd.f32 v1, v3;
	_ =	sdelay $0x1  }
0x1ee: {  	v3 =	vbroadcast v0, $0x3;
	v1 =	vadd.f32 v2, v1;
	v2 =	vmul.f32 v5, v7;
	_ =	sdelay $0x1  }
0x1ef: {  	v1 =	vadd.f32 v2, v1;
	v2 =	vmul.f32 v51, v3;
	_ =	sdelay $0x1  }
0x1f0: {  	v1 =	vadd.f32 v2, v1  }
0x1f1: {  	s19 =	simm.s32 $0x1E280  }
0x1f2: {  	[tilespmem:s19+$0xFFFFFFE0] =	vst v1  }
0x1f3: {  	v1 =	vld [tilespmem:s31+$0xFFFFFFB0]  }
0x1f4: {  	v2 =	vld [tilespmem:s31+$0xFFFFFFC0]  }
0x1f5: {  	v3 =	vld [tilespmem:s31+$0xFFFFFFF0]  }
0x1f6: {  	v52 =	vbroadcast v0, $0x4  }
0x1f7: {  	v53 =	vld [tilespmem:s31+$0xFFFFFFD0]  }
0x1f8: {  	v54 =	vbroadcast v0, $0x5;
	v1 =	vmul.f32 v1, v52  }
0x1f9: {  	v55 =	vld [tilespmem:s31+$0xFFFFFFE0]  }
0x1fa: {  	v2 =	vmul.f32 v2, v54;
	v1 =	vadd.f32 v1, v3;
	v3 =	vbroadcast v0, $0x6;
	_ =	sdelay $0x1  }
0x1fb: {  	v1 =	vadd.f32 v2, v1;
	v2 =	vmul.f32 v53, v3;
	v3 =	vbroadcast v0, $0x7;
	_ =	sdelay $0x1  }
0x1fc: {  	v1 =	vadd.f32 v2, v1;
	v2 =	vmul.f32 v55, v3;
	_ =	sdelay $0x1  }
0x1fd: {  	v1 =	vadd.f32 v2, v1;
	_ =	sdelay $0x1  }
0x1fe: {  	[tilespmem:s19+$0xFFFFFFF0] =	vst v1  }
0x1ff: {  	v1 =	vld [tilespmem:s31+$0x0]  }
0x200: {  	v2 =	vld [tilespmem:s31+$0x10]  }
0x201: {  	v3 =	vld [tilespmem:s31+$0x40]  }
0x202: {  	v56 =	vbroadcast v0, $0x8  }
0x203: {  	v57 =	vld [tilespmem:s31+$0x20]  }
0x204: {  	v58 =	vbroadcast v0, $0x9;
	v1 =	vmul.f32 v1, v56  }
0x205: {  	v59 =	vld [tilespmem:s31+$0x30]  }
0x206: {  	v2 =	vmul.f32 v2, v58;
	v1 =	vadd.f32 v1, v3;
	v3 =	vbroadcast v0, $0xA;
	_ =	sdelay $0x1  }
0x207: {  	v1 =	vadd.f32 v2, v1;
	v2 =	vmul.f32 v57, v3;
	v3 =	vbroadcast v0, $0xB;
	_ =	sdelay $0x1  }
0x208: {  	v1 =	vadd.f32 v2, v1;
	v2 =	vmul.f32 v59, v3;
	_ =	sdelay $0x1  }
0x209: {  	v1 =	vadd.f32 v2, v1;
	_ =	sdelay $0x1  }
0x20a: {  	[tilespmem:s19+$0x0] =	vst v1  }
0x20b: {  	v1 =	vld [tilespmem:s31+$0x50]  }
0x20c: {  	v2 =	vld [tilespmem:s31+$0x90]  }
0x20d: {  	v3 =	vld [tilespmem:s31+$0x60]  }
0x20e: {  	v60 =	vbroadcast v0, $0xC  }
0x20f: {  	v61 =	vld [tilespmem:s31+$0x70]  }
0x210: {  	v62 =	vbroadcast v0, $0xD;
	v1 =	vmul.f32 v1, v60  }
0x211: {  	v63 =	vld [tilespmem:s31+$0x80]  }
0x212: {  	v1 =	vadd.f32 v1, v2;
	v2 =	vmul.f32 v3, v62;
	v3 =	vbroadcast v0, $0xE;
	_ =	sdelay $0x1  }
0x213: {  	v0 =	vbroadcast v0, $0xF;
	v1 =	vadd.f32 v2, v1;
	v2 =	vmul.f32 v61, v3;
	_ =	sdelay $0x1  }
0x214: {  	v0 =	vmul.f32 v63, v0;
	v1 =	vadd.f32 v2, v1;
	_ =	sdelay $0x1  }
0x215: {  	s24 =	simm.s32 $0x40;
	s26 =	simm.s32 $0x80;
	s17 =	simm.s32 $0x1E2C0;
	v0 =	vadd.f32 v0, v1  }
.LBB2_15:
0x216: {  	s28 =	sshra.s32 s24, $0x2;
	s31 =	sadd.s32 $0x140, s31  }
0x217: {  	[tilespmem:s19+$0x10] =	vst v0;
	s24 =	smov.u32 s26;
	s25 =	sadd.s32 $0x40, s26;
	s19 =	smov.u32 s17  }
0x218: {  	p4 =	sne.s32 s26, $0x7C0;
	v0 =	vld [tilespmem:s28+$0x13E60];
	_ =	sdelay $0x1  }
0x219: {  	v1 =	vld [tilespmem:s31+$0xFFFFFF60]  }
0x21a: {  	v2 =	vld [tilespmem:s31+$0xFFFFFF70]  }
0x21b: {  	v3 =	vld [tilespmem:s31+$0xFFFFFFA0]  }
0x21c: {  	v4 =	vbroadcast v0, $0x0;
	v5 =	vbroadcast v0, $0x1  }
0x21d: {  	v7 =	vbroadcast v0, $0x2;
	v8 =	vbroadcast v0, $0x3;
	v6 =	vld [tilespmem:s31+$0xFFFFFF80]  }
0x21e: {  	v1 =	vmul.f32 v1, v4  }
0x21f: {  	v4 =	vld [tilespmem:s31+$0xFFFFFF90]  }
0x220: {  	v2 =	vmul.f32 v2, v5;
	v1 =	vadd.f32 v1, v3;
	_ =	sdelay $0x1  }
0x221: {  	v1 =	vadd.f32 v2, v1;
	v2 =	vmul.f32 v6, v7;
	_ =	sdelay $0x1  }
0x222: {  	v1 =	vadd.f32 v2, v1;
	v2 =	vmul.f32 v4, v8;
	_ =	sdelay $0x1  }
0x223: {  	v1 =	vadd.f32 v2, v1;
	_ =	sdelay $0x1  }
0x224: {  	[tilespmem:s17+$0xFFFFFFE0] =	vst v1  }
0x225: {  	v1 =	vld [tilespmem:s31+$0xFFFFFFB0]  }
0x226: {  	v2 =	vld [tilespmem:s31+$0xFFFFFFC0]  }
0x227: {  	v3 =	vld [tilespmem:s31+$0xFFFFFFF0]  }
0x228: {  	v4 =	vbroadcast v0, $0x4  }
0x229: {  	v5 =	vld [tilespmem:s31+$0xFFFFFFD0]  }
0x22a: {  	v1 =	vmul.f32 v1, v4;
	v4 =	vbroadcast v0, $0x5  }
0x22b: {  	v6 =	vld [tilespmem:s31+$0xFFFFFFE0]  }
0x22c: {  	v1 =	vadd.f32 v1, v3;
	v2 =	vmul.f32 v2, v4;
	v3 =	vbroadcast v0, $0x6;
	_ =	sdelay $0x1  }
0x22d: {  	v1 =	vadd.f32 v2, v1;
	v2 =	vmul.f32 v5, v3;
	v3 =	vbroadcast v0, $0x7;
	_ =	sdelay $0x1  }
0x22e: {  	v1 =	vadd.f32 v2, v1;
	v2 =	vmul.f32 v6, v3;
	_ =	sdelay $0x1  }
0x22f: {  	v1 =	vadd.f32 v2, v1;
	_ =	sdelay $0x1  }
0x230: {  	[tilespmem:s17+$0xFFFFFFF0] =	vst v1  }
0x231: {  	v1 =	vld [tilespmem:s31+$0x0]  }
0x232: {  	v2 =	vld [tilespmem:s31+$0x10]  }
0x233: {  	v3 =	vld [tilespmem:s31+$0x40]  }
0x234: {  	v4 =	vbroadcast v0, $0x8  }
0x235: {  	v5 =	vld [tilespmem:s31+$0x20]  }
0x236: {  	v1 =	vmul.f32 v1, v4;
	v4 =	vbroadcast v0, $0x9  }
0x237: {  	v6 =	vld [tilespmem:s31+$0x30]  }
0x238: {  	v1 =	vadd.f32 v1, v3;
	v2 =	vmul.f32 v2, v4;
	v3 =	vbroadcast v0, $0xA;
	_ =	sdelay $0x1  }
0x239: {  	v1 =	vadd.f32 v2, v1;
	v2 =	vmul.f32 v5, v3;
	v3 =	vbroadcast v0, $0xB;
	_ =	sdelay $0x1  }
0x23a: {  	v1 =	vadd.f32 v2, v1;
	v2 =	vmul.f32 v6, v3;
	_ =	sdelay $0x1  }
0x23b: {  	v1 =	vadd.f32 v2, v1;
	_ =	sdelay $0x1  }
0x23c: {  	[tilespmem:s17+$0x0] =	vst v1  }
0x23d: {  	v1 =	vld [tilespmem:s31+$0x50]  }
0x23e: {  	v2 =	vld [tilespmem:s31+$0x90]  }
0x23f: {  	v3 =	vld [tilespmem:s31+$0x60]  }
0x240: {  	v4 =	vbroadcast v0, $0xC;
	v5 =	vld [tilespmem:s31+$0x70]  }
0x241: {  	v6 =	vld [tilespmem:s31+$0x80]  }
0x242: {  	v1 =	vmul.f32 v1, v4;
	v4 =	vbroadcast v0, $0xD;
	_ =	sdelay $0x1  }
0x243: {  	v1 =	vadd.f32 v1, v2;
	v2 =	vmul.f32 v3, v4;
	v3 =	vbroadcast v0, $0xE;
	_ =	sdelay $0x1  }
0x244: {  	v0 =	vbroadcast v0, $0xF;
	v1 =	vadd.f32 v2, v1;
	v2 =	vmul.f32 v5, v3  }
.Ltmp11:
0x245: {  	(pc) =	sbr.rel @p4 .LBB2_15-.Ltmp11, $3  }
0x246: {  	v0 =	vmul.f32 v6, v0;
	v1 =	vadd.f32 v2, v1;
	_ =	sdelay $0x1  }
0x247: {  	v0 =	vadd.f32 v0, v1  }
0x248: {  	s26 =	smov.u32 s25;
	s17 =	sadd.s32 $0x40, s17  }
0x249: {  	s24 =	sshra.s32 s24, $0x2;
	[tilespmem:s19+$0x10] =	vst v0  }
0x24a: {  	v0 =	vld [tilespmem:s24+$0x13E60]  }
0x24b: {  	s31 =	sadd.s32 $0x140, s31  }
0x24c: {  	v1 =	vld [tilespmem:s31+$0xFFFFFF60]  }
0x24d: {  	v2 =	vld [tilespmem:s31+$0xFFFFFF70]  }
0x24e: {  	v3 =	vld [tilespmem:s31+$0xFFFFFFA0]  }
0x24f: {  	v4 =	vbroadcast v0, $0x0  }
0x250: {  	v5 =	vld [tilespmem:s31+$0xFFFFFF80]  }
0x251: {  	v6 =	vbroadcast v0, $0x1;
	v1 =	vmul.f32 v1, v4  }
0x252: {  	v31 =	vld [tilespmem:s31+$0xFFFFFF90]  }
0x253: {  	v7 =	vbroadcast v0, $0x2;
	v2 =	vmul.f32 v2, v6;
	v1 =	vadd.f32 v1, v3;
	_ =	sdelay $0x1  }
0x254: {  	v32 =	vbroadcast v0, $0x3;
	v33 =	vmul.f32 v5, v7;
	v1 =	vadd.f32 v2, v1;
	_ =	sdelay $0x1  }
0x255: {  	v34 =	vmul.f32 v31, v32;
	v1 =	vadd.f32 v33, v1;
	_ =	sdelay $0x1  }
0x256: {  	v1 =	vadd.f32 v34, v1;
	_ =	sdelay $0x1  }
0x257: {  	[tilespmem:s17+$0xFFFFFFE0] =	vst v1  }
0x258: {  	v1 =	vld [tilespmem:s31+$0xFFFFFFB0]  }
0x259: {  	v35 =	vld [tilespmem:s31+$0xFFFFFFC0]  }
0x25a: {  	v36 =	vld [tilespmem:s31+$0xFFFFFFF0]  }
0x25b: {  	v37 =	vbroadcast v0, $0x4  }
0x25c: {  	v38 =	vld [tilespmem:s31+$0xFFFFFFD0]  }
0x25d: {  	v39 =	vbroadcast v0, $0x5;
	v1 =	vmul.f32 v1, v37  }
0x25e: {  	v40 =	vld [tilespmem:s31+$0xFFFFFFE0]  }
0x25f: {  	v41 =	vbroadcast v0, $0x6;
	v2 =	vmul.f32 v35, v39;
	v1 =	vadd.f32 v1, v36;
	_ =	sdelay $0x1  }
0x260: {  	v43 =	vbroadcast v0, $0x7;
	v42 =	vmul.f32 v38, v41;
	v1 =	vadd.f32 v2, v1;
	_ =	sdelay $0x1  }
0x261: {  	v44 =	vmul.f32 v40, v43;
	v1 =	vadd.f32 v42, v1;
	_ =	sdelay $0x1  }
0x262: {  	v1 =	vadd.f32 v44, v1;
	_ =	sdelay $0x1  }
0x263: {  	[tilespmem:s17+$0xFFFFFFF0] =	vst v1  }
0x264: {  	v1 =	vld [tilespmem:s31+$0x0]  }
0x265: {  	v45 =	vld [tilespmem:s31+$0x10]  }
0x266: {  	v46 =	vld [tilespmem:s31+$0x40]  }
0x267: {  	v47 =	vbroadcast v0, $0x8  }
0x268: {  	v48 =	vld [tilespmem:s31+$0x20]  }
0x269: {  	v49 =	vbroadcast v0, $0x9;
	v1 =	vmul.f32 v1, v47  }
0x26a: {  	v50 =	vld [tilespmem:s31+$0x30]  }
0x26b: {  	v51 =	vbroadcast v0, $0xA;
	v2 =	vmul.f32 v45, v49;
	v1 =	vadd.f32 v1, v46;
	_ =	sdelay $0x1  }
0x26c: {  	v53 =	vbroadcast v0, $0xB;
	v52 =	vmul.f32 v48, v51;
	v1 =	vadd.f32 v2, v1;
	_ =	sdelay $0x1  }
0x26d: {  	v54 =	vmul.f32 v50, v53;
	v1 =	vadd.f32 v52, v1;
	_ =	sdelay $0x1  }
0x26e: {  	v1 =	vadd.f32 v54, v1;
	_ =	sdelay $0x1  }
0x26f: {  	[tilespmem:s17+$0x0] =	vst v1  }
0x270: {  	v1 =	vld [tilespmem:s31+$0x50]  }
0x271: {  	v55 =	vld [tilespmem:s31+$0x90]  }
0x272: {  	v56 =	vld [tilespmem:s31+$0x60]  }
0x273: {  	v57 =	vbroadcast v0, $0xC  }
0x274: {  	v58 =	vld [tilespmem:s31+$0x70]  }
0x275: {  	v59 =	vbroadcast v0, $0xD;
	v1 =	vmul.f32 v1, v57  }
0x276: {  	v60 =	vld [tilespmem:s31+$0x80]  }
0x277: {  	v62 =	vbroadcast v0, $0xE;
	v61 =	vmul.f32 v56, v59;
	v1 =	vadd.f32 v1, v55;
	_ =	sdelay $0x1  }
0x278: {  	v0 =	vbroadcast v0, $0xF;
	v63 =	vmul.f32 v58, v62;
	v1 =	vadd.f32 v61, v1;
	_ =	sdelay $0x1  }
0x279: {  	v0 =	vmul.f32 v60, v0;
	v1 =	vadd.f32 v63, v1;
	_ =	sdelay $0x1  }
0x27a: {  	s9 =	sshll.u32 s9, $0x7;
	v0 =	vadd.f32 v0, v1  }
0x27b: {  	s9 =	sand.u32 $0x3FFFFF80, s9  }
0x27c: {  	s9 =	sadd.s32 $0x11260, s9;
	[tilespmem:s17+$0x10] =	vst v0  }
0x27d: {  	[spmem:s2] =	stream.indirect.scatter.add.f32 [tilespmem:s11], [sflag:$0x9], $0x10, s9, s0, $0xb8;
	[tilespmem:$0x1EA60] =	vst v63  }
0x27e: {  	_ =	swait.ge [sflag:s30], $0x800  }
0x27f: {  	[sflag:s30] =	ssyncset.done $0x0  }
0x280: {  	[sflag:s30] =	ssyncadd.s32 $0xFFFFF800  }
.LBB2_17:
0x281: {  	s9 =	sadd.s32 $0x5, s1  }
0x282: {  	p4 =	sge.u32 s9, s22  }
0x283: {  	s17 =	sshll.u32 @!p4 s9, $0x7;
	s19 =	simm.s32 @!p4 $0x80  }
.Ltmp12:
0x284: {  	s9 =	sadd.s32 @!p4 s6, s9;
	s17 =	sand.u32 @!p4 $0x3FFFFF80, s17;
	(pc) =	sbr.rel @p3 .LBB2_21-.Ltmp12, $4  }
0x285: {  	s24 =	simm.s32 @!p4 $0x16A60;
	s9 =	sshll.u32 @!p4 s9, $0x6;
	s17 =	sadd.s32 @!p4 $0xEA60, s17  }
0x286: {  	[tilespmem:s24], [sflag:$0x2] =	stream.indirect.gather @!p4 [spmem:s3], $0x50, s17, s19, $0xb8;
	[tilespmem:$0x1EA60] =	vst v63  }
0x287: {  	s9 =	sadd.s32 @!p4 s5, s9;
	s17 =	simm.s32 @!p4 $0x0;
	s19 =	simm.s32 @!p4 $0x13C60  }
0x288: {  	[tilespmem:s19], [sflag:$0x6] =	stream.linear.gather @!p4 [hbm4b:s9+s17], $0x200, $0x38;
	[tilespmem:$0x1EA60] =	vst v63  }
0x289: {  	_ =	swait.ge [sflag:s20], $0x2800  }
0x28a: {  	[sflag:s20] =	ssyncset.done $0x0  }
0x28b: {  	[sflag:s20] =	ssyncadd.s32 $0xFFFFD800  }
0x28c: {  	_ =	swait.ge [sflag:s12], $0x200  }
0x28d: {  	[sflag:s12] =	ssyncset.done $0x0  }
0x28e: {  	s9 =	simm.s32 $0x0;
	[sflag:s12] =	ssyncadd.s32 $0xFFFFFE00  }
0x28f: {  	v0 =	vld [tilespmem:s9+$0x14060]  }
0x290: {  	s9 =	simm.s32 $0x1BB00  }
0x291: {  	v1 =	vld [tilespmem:s9+$0xFFFFFF60]  }
0x292: {  	v2 =	vld [tilespmem:s9+$0xFFFFFF70]  }
0x293: {  	v3 =	vld [tilespmem:s9+$0xFFFFFFA0]  }
0x294: {  	v4 =	vbroadcast v0, $0x0  }
0x295: {  	v5 =	vld [tilespmem:s9+$0xFFFFFF80]  }
0x296: {  	v6 =	vbroadcast v0, $0x1;
	v1 =	vmul.f32 v1, v4  }
0x297: {  	v51 =	vld [tilespmem:s9+$0xFFFFFF90]  }
0x298: {  	v7 =	vbroadcast v0, $0x2;
	v2 =	vmul.f32 v2, v6;
	v1 =	vadd.f32 v1, v3;
	_ =	sdelay $0x1  }
0x299: {  	v3 =	vbroadcast v0, $0x3;
	v1 =	vadd.f32 v2, v1;
	v2 =	vmul.f32 v5, v7;
	_ =	sdelay $0x1  }
0x29a: {  	v1 =	vadd.f32 v2, v1;
	v2 =	vmul.f32 v51, v3;
	_ =	sdelay $0x1  }
0x29b: {  	v1 =	vadd.f32 v2, v1  }
0x29c: {  	s19 =	simm.s32 $0x1E280  }
0x29d: {  	[tilespmem:s19+$0xFFFFFFE0] =	vst v1  }
0x29e: {  	v1 =	vld [tilespmem:s9+$0xFFFFFFB0]  }
0x29f: {  	v2 =	vld [tilespmem:s9+$0xFFFFFFC0]  }
0x2a0: {  	v3 =	vld [tilespmem:s9+$0xFFFFFFF0]  }
0x2a1: {  	v52 =	vbroadcast v0, $0x4  }
0x2a2: {  	v53 =	vld [tilespmem:s9+$0xFFFFFFD0]  }
0x2a3: {  	v54 =	vbroadcast v0, $0x5;
	v1 =	vmul.f32 v1, v52  }
0x2a4: {  	v55 =	vld [tilespmem:s9+$0xFFFFFFE0]  }
0x2a5: {  	v2 =	vmul.f32 v2, v54;
	v1 =	vadd.f32 v1, v3;
	v3 =	vbroadcast v0, $0x6;
	_ =	sdelay $0x1  }
0x2a6: {  	v1 =	vadd.f32 v2, v1;
	v2 =	vmul.f32 v53, v3;
	v3 =	vbroadcast v0, $0x7;
	_ =	sdelay $0x1  }
0x2a7: {  	v1 =	vadd.f32 v2, v1;
	v2 =	vmul.f32 v55, v3;
	_ =	sdelay $0x1  }
0x2a8: {  	v1 =	vadd.f32 v2, v1;
	_ =	sdelay $0x1  }
0x2a9: {  	[tilespmem:s19+$0xFFFFFFF0] =	vst v1  }
0x2aa: {  	v1 =	vld [tilespmem:s9+$0x0]  }
0x2ab: {  	v2 =	vld [tilespmem:s9+$0x10]  }
0x2ac: {  	v3 =	vld [tilespmem:s9+$0x40]  }
0x2ad: {  	v56 =	vbroadcast v0, $0x8  }
0x2ae: {  	v57 =	vld [tilespmem:s9+$0x20]  }
0x2af: {  	v58 =	vbroadcast v0, $0x9;
	v1 =	vmul.f32 v1, v56  }
0x2b0: {  	v59 =	vld [tilespmem:s9+$0x30]  }
0x2b1: {  	v2 =	vmul.f32 v2, v58;
	v1 =	vadd.f32 v1, v3;
	v3 =	vbroadcast v0, $0xA;
	_ =	sdelay $0x1  }
0x2b2: {  	v1 =	vadd.f32 v2, v1;
	v2 =	vmul.f32 v57, v3;
	v3 =	vbroadcast v0, $0xB;
	_ =	sdelay $0x1  }
0x2b3: {  	v1 =	vadd.f32 v2, v1;
	v2 =	vmul.f32 v59, v3;
	_ =	sdelay $0x1  }
0x2b4: {  	v1 =	vadd.f32 v2, v1;
	_ =	sdelay $0x1  }
0x2b5: {  	[tilespmem:s19+$0x0] =	vst v1  }
0x2b6: {  	v1 =	vld [tilespmem:s9+$0x50]  }
0x2b7: {  	v2 =	vld [tilespmem:s9+$0x90]  }
0x2b8: {  	v3 =	vld [tilespmem:s9+$0x60]  }
0x2b9: {  	v60 =	vbroadcast v0, $0xC  }
0x2ba: {  	v61 =	vld [tilespmem:s9+$0x70]  }
0x2bb: {  	v62 =	vbroadcast v0, $0xD;
	v1 =	vmul.f32 v1, v60  }
0x2bc: {  	v63 =	vld [tilespmem:s9+$0x80]  }
0x2bd: {  	v1 =	vadd.f32 v1, v2;
	v2 =	vmul.f32 v3, v62;
	v3 =	vbroadcast v0, $0xE;
	_ =	sdelay $0x1  }
0x2be: {  	v0 =	vbroadcast v0, $0xF;
	v1 =	vadd.f32 v2, v1;
	v2 =	vmul.f32 v61, v3;
	_ =	sdelay $0x1  }
0x2bf: {  	v0 =	vmul.f32 v63, v0;
	v1 =	vadd.f32 v2, v1;
	_ =	sdelay $0x1  }
0x2c0: {  	s24 =	simm.s32 $0x40;
	s26 =	simm.s32 $0x80;
	s17 =	simm.s32 $0x1E2C0;
	v0 =	vadd.f32 v0, v1  }
.LBB2_19:
0x2c1: {  	s28 =	sshra.s32 s24, $0x2;
	s9 =	sadd.s32 $0x140, s9  }
0x2c2: {  	[tilespmem:s19+$0x10] =	vst v0;
	s24 =	smov.u32 s26;
	s25 =	sadd.s32 $0x40, s26;
	s19 =	smov.u32 s17  }
0x2c3: {  	p3 =	sne.s32 s26, $0x7C0;
	v0 =	vld [tilespmem:s28+$0x14060];
	_ =	sdelay $0x1  }
0x2c4: {  	v1 =	vld [tilespmem:s9+$0xFFFFFF60]  }
0x2c5: {  	v2 =	vld [tilespmem:s9+$0xFFFFFF70]  }
0x2c6: {  	v3 =	vld [tilespmem:s9+$0xFFFFFFA0]  }
0x2c7: {  	v4 =	vbroadcast v0, $0x0;
	v5 =	vbroadcast v0, $0x1  }
0x2c8: {  	v7 =	vbroadcast v0, $0x2;
	v8 =	vbroadcast v0, $0x3;
	v6 =	vld [tilespmem:s9+$0xFFFFFF80]  }
0x2c9: {  	v1 =	vmul.f32 v1, v4  }
0x2ca: {  	v4 =	vld [tilespmem:s9+$0xFFFFFF90]  }
0x2cb: {  	v2 =	vmul.f32 v2, v5;
	v1 =	vadd.f32 v1, v3;
	_ =	sdelay $0x1  }
0x2cc: {  	v1 =	vadd.f32 v2, v1;
	v2 =	vmul.f32 v6, v7;
	_ =	sdelay $0x1  }
0x2cd: {  	v1 =	vadd.f32 v2, v1;
	v2 =	vmul.f32 v4, v8;
	_ =	sdelay $0x1  }
0x2ce: {  	v1 =	vadd.f32 v2, v1;
	_ =	sdelay $0x1  }
0x2cf: {  	[tilespmem:s17+$0xFFFFFFE0] =	vst v1  }
0x2d0: {  	v1 =	vld [tilespmem:s9+$0xFFFFFFB0]  }
0x2d1: {  	v2 =	vld [tilespmem:s9+$0xFFFFFFC0]  }
0x2d2: {  	v3 =	vld [tilespmem:s9+$0xFFFFFFF0]  }
0x2d3: {  	v4 =	vbroadcast v0, $0x4  }
0x2d4: {  	v5 =	vld [tilespmem:s9+$0xFFFFFFD0]  }
0x2d5: {  	v1 =	vmul.f32 v1, v4;
	v4 =	vbroadcast v0, $0x5  }
0x2d6: {  	v6 =	vld [tilespmem:s9+$0xFFFFFFE0]  }
0x2d7: {  	v1 =	vadd.f32 v1, v3;
	v2 =	vmul.f32 v2, v4;
	v3 =	vbroadcast v0, $0x6;
	_ =	sdelay $0x1  }
0x2d8: {  	v1 =	vadd.f32 v2, v1;
	v2 =	vmul.f32 v5, v3;
	v3 =	vbroadcast v0, $0x7;
	_ =	sdelay $0x1  }
0x2d9: {  	v1 =	vadd.f32 v2, v1;
	v2 =	vmul.f32 v6, v3;
	_ =	sdelay $0x1  }
0x2da: {  	v1 =	vadd.f32 v2, v1;
	_ =	sdelay $0x1  }
0x2db: {  	[tilespmem:s17+$0xFFFFFFF0] =	vst v1  }
0x2dc: {  	v1 =	vld [tilespmem:s9+$0x0]  }
0x2dd: {  	v2 =	vld [tilespmem:s9+$0x10]  }
0x2de: {  	v3 =	vld [tilespmem:s9+$0x40]  }
0x2df: {  	v4 =	vbroadcast v0, $0x8  }
0x2e0: {  	v5 =	vld [tilespmem:s9+$0x20]  }
0x2e1: {  	v1 =	vmul.f32 v1, v4;
	v4 =	vbroadcast v0, $0x9  }
0x2e2: {  	v6 =	vld [tilespmem:s9+$0x30]  }
0x2e3: {  	v1 =	vadd.f32 v1, v3;
	v2 =	vmul.f32 v2, v4;
	v3 =	vbroadcast v0, $0xA;
	_ =	sdelay $0x1  }
0x2e4: {  	v1 =	vadd.f32 v2, v1;
	v2 =	vmul.f32 v5, v3;
	v3 =	vbroadcast v0, $0xB;
	_ =	sdelay $0x1  }
0x2e5: {  	v1 =	vadd.f32 v2, v1;
	v2 =	vmul.f32 v6, v3;
	_ =	sdelay $0x1  }
0x2e6: {  	v1 =	vadd.f32 v2, v1;
	_ =	sdelay $0x1  }
0x2e7: {  	[tilespmem:s17+$0x0] =	vst v1  }
0x2e8: {  	v1 =	vld [tilespmem:s9+$0x50]  }
0x2e9: {  	v2 =	vld [tilespmem:s9+$0x90]  }
0x2ea: {  	v3 =	vld [tilespmem:s9+$0x60]  }
0x2eb: {  	v4 =	vbroadcast v0, $0xC;
	v5 =	vld [tilespmem:s9+$0x70]  }
0x2ec: {  	v6 =	vld [tilespmem:s9+$0x80]  }
0x2ed: {  	v1 =	vmul.f32 v1, v4;
	v4 =	vbroadcast v0, $0xD;
	_ =	sdelay $0x1  }
0x2ee: {  	v1 =	vadd.f32 v1, v2;
	v2 =	vmul.f32 v3, v4;
	v3 =	vbroadcast v0, $0xE;
	_ =	sdelay $0x1  }
0x2ef: {  	v0 =	vbroadcast v0, $0xF;
	v1 =	vadd.f32 v2, v1;
	v2 =	vmul.f32 v5, v3  }
.Ltmp13:
0x2f0: {  	(pc) =	sbr.rel @p3 .LBB2_19-.Ltmp13, $3  }
0x2f1: {  	v0 =	vmul.f32 v6, v0;
	v1 =	vadd.f32 v2, v1;
	_ =	sdelay $0x1  }
0x2f2: {  	v0 =	vadd.f32 v0, v1  }
0x2f3: {  	s26 =	smov.u32 s25;
	s17 =	sadd.s32 $0x40, s17  }
0x2f4: {  	s24 =	sshra.s32 s24, $0x2;
	[tilespmem:s19+$0x10] =	vst v0  }
0x2f5: {  	v0 =	vld [tilespmem:s24+$0x14060]  }
0x2f6: {  	s9 =	sadd.s32 $0x140, s9  }
0x2f7: {  	v1 =	vld [tilespmem:s9+$0xFFFFFF60]  }
0x2f8: {  	v2 =	vld [tilespmem:s9+$0xFFFFFF70]  }
0x2f9: {  	v3 =	vld [tilespmem:s9+$0xFFFFFFA0]  }
0x2fa: {  	v4 =	vbroadcast v0, $0x0  }
0x2fb: {  	v5 =	vld [tilespmem:s9+$0xFFFFFF80]  }
0x2fc: {  	v6 =	vbroadcast v0, $0x1;
	v1 =	vmul.f32 v1, v4  }
0x2fd: {  	v31 =	vld [tilespmem:s9+$0xFFFFFF90]  }
0x2fe: {  	v7 =	vbroadcast v0, $0x2;
	v2 =	vmul.f32 v2, v6;
	v1 =	vadd.f32 v1, v3;
	_ =	sdelay $0x1  }
0x2ff: {  	v32 =	vbroadcast v0, $0x3;
	v33 =	vmul.f32 v5, v7;
	v1 =	vadd.f32 v2, v1;
	_ =	sdelay $0x1  }
0x300: {  	v34 =	vmul.f32 v31, v32;
	v1 =	vadd.f32 v33, v1;
	_ =	sdelay $0x1  }
0x301: {  	v1 =	vadd.f32 v34, v1;
	_ =	sdelay $0x1  }
0x302: {  	[tilespmem:s17+$0xFFFFFFE0] =	vst v1  }
0x303: {  	v1 =	vld [tilespmem:s9+$0xFFFFFFB0]  }
0x304: {  	v35 =	vld [tilespmem:s9+$0xFFFFFFC0]  }
0x305: {  	v36 =	vld [tilespmem:s9+$0xFFFFFFF0]  }
0x306: {  	v37 =	vbroadcast v0, $0x4  }
0x307: {  	v38 =	vld [tilespmem:s9+$0xFFFFFFD0]  }
0x308: {  	v39 =	vbroadcast v0, $0x5;
	v1 =	vmul.f32 v1, v37  }
0x309: {  	v40 =	vld [tilespmem:s9+$0xFFFFFFE0]  }
0x30a: {  	v41 =	vbroadcast v0, $0x6;
	v2 =	vmul.f32 v35, v39;
	v1 =	vadd.f32 v1, v36;
	_ =	sdelay $0x1  }
0x30b: {  	v43 =	vbroadcast v0, $0x7;
	v42 =	vmul.f32 v38, v41;
	v1 =	vadd.f32 v2, v1;
	_ =	sdelay $0x1  }
0x30c: {  	v44 =	vmul.f32 v40, v43;
	v1 =	vadd.f32 v42, v1;
	_ =	sdelay $0x1  }
0x30d: {  	v1 =	vadd.f32 v44, v1;
	_ =	sdelay $0x1  }
0x30e: {  	[tilespmem:s17+$0xFFFFFFF0] =	vst v1  }
0x30f: {  	v1 =	vld [tilespmem:s9+$0x0]  }
0x310: {  	v45 =	vld [tilespmem:s9+$0x10]  }
0x311: {  	v46 =	vld [tilespmem:s9+$0x40]  }
0x312: {  	v47 =	vbroadcast v0, $0x8  }
0x313: {  	v48 =	vld [tilespmem:s9+$0x20]  }
0x314: {  	v49 =	vbroadcast v0, $0x9;
	v1 =	vmul.f32 v1, v47  }
0x315: {  	v50 =	vld [tilespmem:s9+$0x30]  }
0x316: {  	v51 =	vbroadcast v0, $0xA;
	v2 =	vmul.f32 v45, v49;
	v1 =	vadd.f32 v1, v46;
	_ =	sdelay $0x1  }
0x317: {  	v53 =	vbroadcast v0, $0xB;
	v52 =	vmul.f32 v48, v51;
	v1 =	vadd.f32 v2, v1;
	_ =	sdelay $0x1  }
0x318: {  	v54 =	vmul.f32 v50, v53;
	v1 =	vadd.f32 v52, v1;
	_ =	sdelay $0x1  }
0x319: {  	v1 =	vadd.f32 v54, v1;
	_ =	sdelay $0x1  }
0x31a: {  	[tilespmem:s17+$0x0] =	vst v1  }
0x31b: {  	v1 =	vld [tilespmem:s9+$0x50]  }
0x31c: {  	v55 =	vld [tilespmem:s9+$0x90]  }
0x31d: {  	v56 =	vld [tilespmem:s9+$0x60]  }
0x31e: {  	v57 =	vbroadcast v0, $0xC  }
0x31f: {  	v58 =	vld [tilespmem:s9+$0x70]  }
0x320: {  	v59 =	vbroadcast v0, $0xD;
	v1 =	vmul.f32 v1, v57  }
0x321: {  	v60 =	vld [tilespmem:s9+$0x80]  }
0x322: {  	v62 =	vbroadcast v0, $0xE;
	v61 =	vmul.f32 v56, v59;
	v1 =	vadd.f32 v1, v55;
	_ =	sdelay $0x1  }
0x323: {  	v0 =	vbroadcast v0, $0xF;
	v63 =	vmul.f32 v58, v62;
	v1 =	vadd.f32 v61, v1;
	_ =	sdelay $0x1  }
0x324: {  	v0 =	vmul.f32 v60, v0;
	v1 =	vadd.f32 v63, v1;
	_ =	sdelay $0x1  }
0x325: {  	s4 =	sshll.u32 s4, $0x7;
	v0 =	vadd.f32 v0, v1  }
0x326: {  	s4 =	sand.u32 $0x3FFFFF80, s4  }
.Ltmp14:
0x327: {  	s4 =	sadd.s32 $0x11260, s4;
	[tilespmem:s17+$0x10] =	vst v0;
	(pc) =	sbr.rel .LBB2_21-.Ltmp14, $4  }
0x328: {  	[spmem:s2] =	stream.indirect.scatter.add.f32 [tilespmem:s11], [sflag:$0x9], $0x10, s4, s0, $0xb8;
	[tilespmem:$0x1EA60] =	vst v63  }
0x329: {  	_ =	swait.ge [sflag:s30], $0x800  }
0x32a: {  	[sflag:s30] =	ssyncset.done $0x0  }
0x32b: {  	[sflag:s30] =	ssyncadd.s32 $0xFFFFF800  }
.LBB2_23:
0x32c: {  	_ =	sfence.sel $0x180000  }
0x32d: {  	[bflag:$0x0] =	sbarrier.arrive $0xFFFF  }
0x32e: {  	_ =	strace $0x90000047  }
0x32f: {  	s0 =	stileid.u32;
	[bflag:$0x2] =	sbarrier.arrive $0xFFFF  }
0x330: {  	p0 =	sne.s32 s0, $0x0;
	s0 =	rddreg [dreg:$0x3]  }
0x331: {  	s0 =	sadd.s32 @!p0 $0x100000, s0  }
0x332: {  	[sflag:s0] =	ssyncadd.tile.s32 @!p0 $0x1;
	_ =	shalt  }
.Lfunc_end2:
_tile_overlayer_lowered:
.L_overlay_start_2:
0x333: {  	(tag) =	ssettag $0x2  }
0x334: {  	s0 =	rddreg [dreg:$0x0];
	s2 =	stileid.u32  }
0x335: {  	s1 =	rddreg [dreg:$0x1];
	p0 =	sne.s32 s2, $0x0  }
0x336: {  	s3 =	rddreg [dreg:$0x2];
	[bflag:$0x3] =	sbarrier.arrive $0xFFFF;
	s2 =	simm.s32 @!p0 $0x1C09  }
0x337: {  	[timem:s3], [sflag:s2] =	dma.local @!p0 [hbm:s0], s1  }
0x338: {  	s0 =	simm.s32 @!p0 $0x9  }
0x339: {  	_ =	swait.ge @!p0 [sflag:s0], s1  }
0x33a: {  	s1 =	ssub.s32 @!p0 $0x0, s1;
	[sflag:s0] =	ssyncset.done @!p0 $0x0  }
0x33b: {  	[sflag:s0] =	ssyncadd.s32 @!p0 s1  }
0x33c: {  	[bflag:$0x3] =	sbarrier.arrive $0xFFFF  }
0x33d: {  	_ =	shalt  }

</sc_bundles>
